<compile_context>
chip_gen: v7x
topology: tpu7x:2x2x1
jax: 0.10.2.dev20260603
libtpu: 0.0.44.dev20260713+nightly
codegen_flags: <defaults>
</compile_context>

<pallas_src>
import functools

import jax
import jax.numpy as jnp
from jax import lax
from jax.experimental import pallas as pl
from jax.experimental.pallas import tpu as pltpu
from jax.experimental.pallas import tpu_sc as plsc

N = 10000
E = 160000
G = 64
START = 5

NC = 2
NS = 16
NW = NC * NS
CH = 128
FULL = (E // NW) // CH
MAIN = NW * FULL * CH
NREM = (E - MAIN) // CH
NPAD = 10240
RPT = NPAD // NS


def _sc_mesh():
    return plsc.VectorSubcoreMesh(
        core_axis_name="c", subcore_axis_name="s", num_cores=NC, num_subcores=NS
    )


def _make_gather(D=128):

    @functools.partial(
        pl.kernel,
        out_type=jax.ShapeDtypeStruct((E, D), jnp.float32),
        mesh=_sc_mesh(),
        scratch_types=[
            pltpu.VMEM((CH,), jnp.int32),
            pltpu.VMEM((CH, D), jnp.float32),
            pltpu.SemaphoreType.DMA,
        ],
    )
    def gather(table_hbm, src_hbm, out_hbm, idx_v, rows_v, sem):
        w = lax.axis_index("s") * NC + lax.axis_index("c")
        base = w * (FULL * CH)

        def chunk(off):
            pltpu.sync_copy(src_hbm.at[pl.ds(off, CH)], idx_v)
            pltpu.async_copy(table_hbm.at[idx_v], rows_v, sem).wait()
            pltpu.sync_copy(rows_v, out_hbm.at[pl.ds(off, CH)])

        def body(j, carry):
            chunk(pl.multiple_of(base + j * CH, CH))
            return carry

        lax.fori_loop(0, FULL, body, 0)

        @pl.when(w < NREM)
        def _():
            chunk(pl.multiple_of(MAIN + w * CH, CH))

    return gather


def _make_scatter(CO=128):

    @functools.partial(
        pl.kernel,
        out_type=jax.ShapeDtypeStruct((NC, NPAD, CO), jnp.float32),
        mesh=_sc_mesh(),
        scratch_types=[
            pltpu.VMEM((CH,), jnp.int32),
            pltpu.VMEM((CH, CO), jnp.float32),
            pltpu.VMEM_SHARED((NPAD, CO), jnp.float32),
        ],
    )
    def scatter(msg_hbm, dst_hbm, zero_hbm, out_hbm, idx_v, msg_v, accu):
        c = lax.axis_index("c")
        s = lax.axis_index("s")
        w = s * NC + c
        roff = s * RPT
        pltpu.sync_copy(zero_hbm.at[pl.ds(roff, RPT)], accu.at[pl.ds(roff, RPT)])
        plsc.subcore_barrier()
        base = w * (FULL * CH)

        def chunk(off):
            pltpu.sync_copy(dst_hbm.at[pl.ds(off, CH)], idx_v)
            pltpu.sync_copy(msg_hbm.at[pl.ds(off, CH)], msg_v)
            pltpu.sync_copy(msg_v, accu.at[idx_v], add=True)

        def body(j, carry):
            chunk(pl.multiple_of(base + j * CH, CH))
            return carry

        lax.fori_loop(0, FULL, body, 0)

        @pl.when(w < NREM)
        def _():
            chunk(pl.multiple_of(MAIN + w * CH, CH))

        plsc.subcore_barrier()
        pltpu.sync_copy(accu.at[pl.ds(roff, RPT)], out_hbm.at[c, pl.ds(roff, RPT)])

    return scatter


def _msg_call(eaT, hs, w1T, b1c, w2T, b2m, CI, CO, T=1280, CB=8):
    HD = w1T.shape[0]
    K2 = w2T.shape[0]

    HI = lax.Precision.HIGHEST

    def body(eaT_ref, hs_ref, w1T_ref, b1_ref, w2T_ref, b2m_ref, out_ref):
        aT = jnp.dot(w1T_ref[...], eaT_ref[...],
                     preferred_element_type=jnp.float32)
        aT = jnp.maximum(aT + b1_ref[...], 0.0)
        aTc = aT.astype(w2T_ref.dtype)
        hsT = hs_ref[...].T
        accT = jnp.dot(b2m_ref[...], hsT[:CI, :], precision=HI,
                       preferred_element_type=jnp.float32)
        for c0 in range(0, CI, CB):
            cb = min(CB, CI - c0)
            WgT = jnp.dot(w2T_ref[c0 * CO:(c0 + cb) * CO, :], aTc,
                          preferred_element_type=jnp.float32)
            for j in range(cb):
                c = c0 + j
                accT = accT + WgT[j * CO:(j + 1) * CO, :] * hsT[c:c + 1, :]
        out_ref[...] = jnp.zeros((T, 128), jnp.float32)
        out_ref[:, :CO] = accT.T

    return pl.pallas_call(
        body,
        grid=(E // T,),
        in_specs=[
            pl.BlockSpec((5, T), lambda i: (0, i)),
            pl.BlockSpec((T, hs.shape[1]), lambda i: (i, 0)),
            pl.BlockSpec((HD, 5), lambda i: (0, 0)),
            pl.BlockSpec((HD, 1), lambda i: (0, 0)),
            pl.BlockSpec((K2, HD), lambda i: (0, 0)),
            pl.BlockSpec((CO, CI), lambda i: (0, 0)),
        ],
        out_specs=pl.BlockSpec((T, 128), lambda i: (i, 0)),
        out_shape=jax.ShapeDtypeStruct((E, 128), jnp.float32),
    )(eaT, hs, w1T, b1c, w2T, b2m)


def _update_call(parts, h, root, bias, CI, CO, HOFF=0, NB=400):
    HW = h.shape[1]

    def body(p_ref, h_ref, root_ref, bias_ref, out_ref):
        hv = h_ref[...][:, HOFF:HOFF + CI]
        t = (
            p_ref[0][:, :CO]
            + p_ref[1][:, :CO]
            + jnp.dot(hv, root_ref[...], preferred_element_type=jnp.float32)
            + bias_ref[...][None, :]
        )
        out_ref[...] = jnp.zeros((NB, 128), jnp.float32)
        out_ref[:, :CO] = jnp.where(t > 0, t, jnp.exp(jnp.minimum(t, 0.0)) - 1.0)

    return pl.pallas_call(
        body,
        grid=(N // NB,),
        in_specs=[
            pl.BlockSpec((NC, NB, 128), lambda i: (0, i, 0)),
            pl.BlockSpec((NB, HW), lambda i: (i, 0)),
            pl.BlockSpec((CI, CO), lambda i: (0, 0)),
            pl.BlockSpec((CO,), lambda i: (0,)),
        ],
        out_specs=pl.BlockSpec((NB, 128), lambda i: (i, 0)),
        out_shape=jax.ShapeDtypeStruct((N, 128), jnp.float32),
    )(parts, h, root, bias)


def _pool_sums_call(h, xp, batch3, NB=400):

    def body(h_ref, xp_ref, b_ref, sh_ref, sxc_ref):
        i = pl.program_id(0)

        @pl.when(i == 0)
        def _():
            sh_ref[...] = jnp.zeros_like(sh_ref)
            sxc_ref[...] = jnp.zeros_like(sxc_ref)

        bat = b_ref[0, 0, :]
        gids = lax.broadcasted_iota(jnp.int32, (G, NB), 0)
        oh = (bat[None, :] == gids).astype(jnp.float32)
        sh_ref[...] += jnp.dot(oh, h_ref[...][:, :64], precision=lax.Precision.HIGHEST,
                               preferred_element_type=jnp.float32)
        sxc_ref[...] += jnp.dot(oh, xp_ref[...], precision=lax.Precision.HIGHEST,
                                preferred_element_type=jnp.float32)

    return pl.pallas_call(
        body,
        grid=(N // NB,),
        in_specs=[
            pl.BlockSpec((NB, h.shape[1]), lambda i: (i, 0)),
            pl.BlockSpec((NB, 17), lambda i: (i, 0)),
            pl.BlockSpec((1, 1, NB), lambda i: (i, 0, 0)),
        ],
        out_specs=[
            pl.BlockSpec((G, 64), lambda i: (0, 0)),
            pl.BlockSpec((G, 17), lambda i: (0, 0)),
        ],
        out_shape=[
            jax.ShapeDtypeStruct((G, 64), jnp.float32),
            jax.ShapeDtypeStruct((G, 17), jnp.float32),
        ],
    )(h, xp, batch3)


def _head_call(sh, sxc, w_top, w_xpad, fc1_b, fc2_w, fc2_b, fc3_w, fc3_b):
    def body(sh_ref, sxc_ref, wt_ref, wx_ref, b1_ref, w2_ref, b2_ref, w3_ref,
             b3_ref, out_ref):
        sxcv = sxc_ref[...]
        cnt = sxcv[:, 16][:, None]
        inv = 1.0 / jnp.maximum(cnt, 1.0)
        mh = sh_ref[...] * inv
        mx = sxcv * inv
        o = (
            jnp.dot(mh, wt_ref[...], preferred_element_type=jnp.float32)
            + jnp.dot(mx, wx_ref[...], preferred_element_type=jnp.float32)
            + b1_ref[...][None, :]
        )
        o = jnp.where(o > 0, o, jnp.exp(jnp.minimum(o, 0.0)) - 1.0)
        o = jnp.dot(o, w2_ref[...], preferred_element_type=jnp.float32) + b2_ref[...][None, :]
        o = jnp.where(o > 0, o, jnp.exp(jnp.minimum(o, 0.0)) - 1.0)
        o = jnp.dot(o, w3_ref[...], preferred_element_type=jnp.float32) + b3_ref[...][None, :]
        out_ref[...] = o

    return pl.pallas_call(
        body,
        out_shape=jax.ShapeDtypeStruct((G, 1), jnp.float32),
    )(sh, sxc, w_top, w_xpad, fc1_b, fc2_w, fc2_b, fc3_w, fc3_b)


def kernel(x, edge_index, edge_attr, batch, c1_w1, c1_b1, c1_w2, c1_b2, c1_root, c1_bias, c2_w1, c2_b1, c2_w2, c2_b2, c2_root, c2_bias, c3_w1, c3_b1, c3_w2, c3_b2, c3_root, c3_bias, fc1_w, fc1_b, fc2_w, fc2_b, fc3_w, fc3_b):
    src = edge_index[0]
    dst = edge_index[1]
    zeros128 = jnp.zeros((NPAD, 128), jnp.float32)
    eaT = edge_attr.T

    def tw(w1, b1, w2, b2, CI, CO, w2_dtype=jnp.float32):
        return (w1.T, b1[:, None], w2.T.astype(w2_dtype), b2.reshape(CI, CO).T)

    xpad = jnp.zeros((N, 128), jnp.float32).at[:, :16].set(x)
    hs0 = _make_gather()(xpad, src)
    msg1 = _msg_call(eaT, hs0, *tw(c1_w1, c1_b1, c1_w2, c1_b2, 5, 32),
                     CI=5, CO=32, CB=5)
    p1 = _make_scatter()(msg1, dst, zeros128)
    h1 = _update_call(p1, x, c1_root, c1_bias, CI=5, CO=32, HOFF=0)

    hs1 = _make_gather()(h1, src)
    msg2 = _msg_call(eaT, hs1, *tw(c2_w1, c2_b1, c2_w2, c2_b2, 32, 64),
                     CI=32, CO=64)
    p2 = _make_scatter()(msg2, dst, zeros128)
    h2 = _update_call(p2, h1, c2_root, c2_bias, CI=32, CO=64)

    hs2 = _make_gather()(h2, src)
    msg3 = _msg_call(eaT, hs2, *tw(c3_w1, c3_b1, c3_w2, c3_b2, 64, 64),
                     CI=64, CO=64)
    p3 = _make_scatter()(msg3, dst, zeros128)
    h3 = _update_call(p3, h2, c3_root, c3_bias, CI=64, CO=64)

    xp = jnp.concatenate([x, jnp.ones((N, 1), jnp.float32)], axis=1)
    batch3 = batch.reshape(N // 400, 1, 400)
    sh, sxc = _pool_sums_call(h3, xp, batch3)
    w_xpad = jnp.zeros((17, 32), jnp.float32).at[START:16].set(fc1_w[64:])
    out = _head_call(sh, sxc, fc1_w[:64], w_xpad, fc1_b, fc2_w, fc2_b, fc3_w,
                     fc3_b)
    return out.reshape(-1)

# --- scband reference (transcript-rebuilt; emitter-appended) ---
"""Pipeline reference for scband-k1-gnn-sep-87729001988944 (READ-ONLY COPY).

The authoritative reference and input builder live on the scoring server;
editing this copy changes nothing except your own understanding.
"""

import jax, jax.numpy as jnp
import numpy as np

N = 10000
E = 160000
NF = 16
START = 5
G = 64
DIMS = [(5, 32), (32, 64), (64, 64)]
FC_IN = 64 + (NF - START)


def setup_inputs(seed: int = 0):
    key = jax.random.key(seed)
    ks = jax.random.split(key, 32)
    inp = {}
    inp["x"] = jax.random.normal(ks[0], (N, NF), dtype=jnp.float32)
    inp["edge_index"] = jax.random.randint(ks[1], (2, E), 0, N, dtype=jnp.int32)
    inp["edge_attr"] = jax.random.uniform(ks[2], (E, 5), dtype=jnp.float32)
    inp["batch"] = jnp.sort(jax.random.randint(ks[3], (N,), 0, G, dtype=jnp.int32))
    k = 4
    for i, (ci, co) in enumerate(DIMS, 1):
        inp[f"c{i}_w1"] = jax.random.normal(ks[k], (5, 128), dtype=jnp.float32) * 0.1; k += 1
        inp[f"c{i}_b1"] = jnp.zeros((128,), dtype=jnp.float32)
        inp[f"c{i}_w2"] = jax.random.normal(ks[k], (128, ci * co), dtype=jnp.float32) * 0.02; k += 1
        inp[f"c{i}_b2"] = jnp.zeros((ci * co,), dtype=jnp.float32)
        inp[f"c{i}_root"] = jax.random.normal(ks[k], (ci, co), dtype=jnp.float32) * 0.1; k += 1
        inp[f"c{i}_bias"] = jnp.zeros((co,), dtype=jnp.float32)
    inp["fc1_w"] = jax.random.normal(ks[k], (FC_IN, 32), dtype=jnp.float32) * 0.1; k += 1
    inp["fc1_b"] = jnp.zeros((32,), dtype=jnp.float32)
    inp["fc2_w"] = jax.random.normal(ks[k], (32, 16), dtype=jnp.float32) * 0.1; k += 1
    inp["fc2_b"] = jnp.zeros((16,), dtype=jnp.float32)
    inp["fc3_w"] = jax.random.normal(ks[k], (16, 1), dtype=jnp.float32) * 0.1; k += 1
    inp["fc3_b"] = jnp.zeros((1,), dtype=jnp.float32)
    return inp


def _nnconv(h, src, dst, ea, w1, b1, w2, b2, root, bias):
    # NNConv: out_i = h_i @ root + sum_{j in N(i)} h_j @ MLP(e_ji).reshape(ci, co) + bias
    ci, co = root.shape
    W = (jax.nn.relu(ea @ w1 + b1) @ w2 + b2).reshape(-1, ci, co)
    msg = jnp.einsum('ec,eco->eo', h[src], W)
    aggr = jax.ops.segment_sum(msg, dst, num_segments=h.shape[0])
    return aggr + h @ root + bias


def reference(x, edge_index, edge_attr, batch,
              c1_w1, c1_b1, c1_w2, c1_b2, c1_root, c1_bias,
              c2_w1, c2_b1, c2_w2, c2_b2, c2_root, c2_bias,
              c3_w1, c3_b1, c3_w2, c3_b2, c3_root, c3_bias,
              fc1_w, fc1_b, fc2_w, fc2_b, fc3_w, fc3_b):
    src = edge_index[0]
    dst = edge_index[1]
    convs = [
        (c1_w1, c1_b1, c1_w2, c1_b2, c1_root, c1_bias),
        (c2_w1, c2_b1, c2_w2, c2_b2, c2_root, c2_bias),
        (c3_w1, c3_b1, c3_w2, c3_b2, c3_root, c3_bias),
    ]
    h = x[:, :START]
    for p in convs:
        h = jax.nn.elu(_nnconv(h, src, dst, edge_attr, *p))
    x_cont = x[:, START:]
    hcat = jnp.concatenate([h, x_cont], axis=1)
    ones = jnp.ones((x.shape[0],), dtype=jnp.float32)
    cnt = jax.ops.segment_sum(ones, batch, num_segments=G)
    mean = jax.ops.segment_sum(hcat, batch, num_segments=G) / jnp.maximum(cnt, 1.0)[:, None]
    o = jax.nn.elu(mean @ fc1_w + fc1_b)
    o = jax.nn.elu(o @ fc2_w + fc2_b)
    o = o @ fc3_w + fc3_b
    return o.reshape(-1)

if __name__ == "__main__":
    import jax
    _d = setup_inputs()
    print(jax.jit(kernel)(*tuple(_d.values())))

</pallas_src>

<mosaic_0001>
#map = affine_map<(d0, d1) -> (0, 0)>
#map1 = affine_map<(d0, d1) -> (0)>
#map2 = affine_map<(d0, d1) -> (0, 0, 0)>
module attributes {stable_mosaic.version = 14 : i64} {
  func.func @scatter(%arg0: i32, %arg1: i32, %arg2: memref<160000x128xf32, #tpu.memory_space<hbm>>, %arg3: memref<160000xi32, #tpu.memory_space<hbm>>, %arg4: memref<10240x128xf32, #tpu.memory_space<hbm>>, %arg5: memref<2x10240x128xf32, #tpu.memory_space<hbm>>, %arg6: memref<128xi32, #tpu.memory_space<vmem>>, %arg7: memref<128x128xf32, #tpu.memory_space<vmem>>, %arg8: memref<10240x128xf32, #tpu.memory_space<vmem_shared>>) attributes {dimension_semantics = [#tpu.dimension_semantics<core_parallel>, #tpu.dimension_semantics<subcore_parallel>], iteration_bounds = array<i64: 2, 16>, scalar_prefetch = 0 : i64, scratch_operands = 3 : i64, tpu.core_type = #tpu.core_type<sc_vector_subcore>, window_params = [{transform_indices = #map}, {transform_indices = #map1}, {transform_indices = #map}, {transform_indices = #map2}]} {
    %mul3A = arith.constant 2 : i32
    %mul3A_0 = arith.muli %arg1, %mul3A : i32
    %add3A = arith.addi %mul3A_0, %arg0 : i32
    %mul3A_1 = arith.constant 640 : i32
    %mul3A_2 = arith.muli %arg1, %mul3A_1 : i32
    "tpu.region"() ({
      %run_scoped3A = tpu.sem_alloc : memref<!tpu.dma_semaphore, #tpu.memory_space<semaphore_mem>>
      %dma_start3A = arith.constant 0 : i32
      %dma_start3A_13 = tpu.memref_slice %arg8[%mul3A_2, %dma_start3A] : memref<10240x128xf32, #tpu.memory_space<vmem_shared>> -> memref<640x128xf32, #tpu.memory_space<vmem_shared>>
      %dma_start3A_14 = arith.constant 0 : i32
      %dma_start3A_15 = tpu.memref_slice %arg4[%mul3A_2, %dma_start3A_14] : memref<10240x128xf32, #tpu.memory_space<hbm>> -> memref<640x128xf32, #tpu.memory_space<hbm>>
      tpu.enqueue_dma source(%dma_start3A_15 : memref<640x128xf32, #tpu.memory_space<hbm>>) target(%dma_start3A_13 : memref<640x128xf32, #tpu.memory_space<vmem_shared>>) target_semaphore(%run_scoped3A : memref<!tpu.dma_semaphore, #tpu.memory_space<semaphore_mem>>)
      %dma_wait3A = arith.constant 0 : i32
      %dma_wait3A_16 = tpu.memref_slice %arg8[%mul3A_2, %dma_wait3A] : memref<10240x128xf32, #tpu.memory_space<vmem_shared>> -> memref<640x128xf32, #tpu.memory_space<vmem_shared>>
      %dma_wait3A_17 = arith.constant 0 : i32
      %dma_wait3A_18 = tpu.memref_slice %arg4[%mul3A_2, %dma_wait3A_17] : memref<10240x128xf32, #tpu.memory_space<hbm>> -> memref<640x128xf32, #tpu.memory_space<hbm>>
      tpu.wait_dma2 semaphore(%run_scoped3A : memref<!tpu.dma_semaphore, #tpu.memory_space<semaphore_mem>>) src(%dma_wait3A_18 : memref<640x128xf32, #tpu.memory_space<hbm>>) dst(%dma_wait3A_16 : memref<640x128xf32, #tpu.memory_space<vmem_shared>>)
      tpu.yield
    }) : () -> ()
    %barrier3A = arith.constant 0 : index
    tpu.barrier barrier_id(%barrier3A)
    %mul3A_3 = arith.constant 4992 : i32
    %mul3A_4 = arith.muli %add3A, %mul3A_3 : i32
    %scan3A = arith.constant 0 : i32
    %scan3A_5 = arith.constant 0 : i32
    %scan3A_6 = arith.constant 39 : i32
    %scan3A_7 = arith.addi %scan3A_5, %scan3A_6 : i32
    %scan3A_8 = arith.constant 1 : i32
    scf.for %scan3A_13 = %scan3A_5 to %scan3A_7 step %scan3A_8  : i32 {
      %mul3A_14 = arith.constant 128 : i32
      %mul3A_15 = arith.muli %scan3A_13, %mul3A_14 : i32
      %add3A_16 = arith.addi %mul3A_4, %mul3A_15 : i32
      %multiple_of3A = tpu.assume_multiple %add3A_16, 128 : i32
      "tpu.region"() ({
        %run_scoped3A = tpu.sem_alloc : memref<!tpu.dma_semaphore, #tpu.memory_space<semaphore_mem>>
        %dma_start3A = tpu.memref_slice %arg3[%multiple_of3A] : memref<160000xi32, #tpu.memory_space<hbm>> -> memref<128xi32, #tpu.memory_space<hbm>>
        %dma_start3A_17 = tpu.memref_slice %arg3[%multiple_of3A] : memref<160000xi32, #tpu.memory_space<hbm>> -> memref<128xi32, #tpu.memory_space<hbm>>
        tpu.enqueue_dma source(%dma_start3A_17 : memref<128xi32, #tpu.memory_space<hbm>>) target(%arg6 : memref<128xi32, #tpu.memory_space<vmem>>) target_semaphore(%run_scoped3A : memref<!tpu.dma_semaphore, #tpu.memory_space<semaphore_mem>>)
        %dma_wait3A = tpu.memref_slice %arg3[%multiple_of3A] : memref<160000xi32, #tpu.memory_space<hbm>> -> memref<128xi32, #tpu.memory_space<hbm>>
        %dma_wait3A_18 = tpu.memref_slice %arg3[%multiple_of3A] : memref<160000xi32, #tpu.memory_space<hbm>> -> memref<128xi32, #tpu.memory_space<hbm>>
        tpu.wait_dma2 semaphore(%run_scoped3A : memref<!tpu.dma_semaphore, #tpu.memory_space<semaphore_mem>>) src(%dma_wait3A_18 : memref<128xi32, #tpu.memory_space<hbm>>) dst(%arg6 : memref<128xi32, #tpu.memory_space<vmem>>)
        tpu.yield
      }) : () -> ()
      "tpu.region"() ({
        %run_scoped3A = tpu.sem_alloc : memref<!tpu.dma_semaphore, #tpu.memory_space<semaphore_mem>>
        %dma_start3A = arith.constant 0 : i32
        %dma_start3A_17 = tpu.memref_slice %arg2[%multiple_of3A, %dma_start3A] : memref<160000x128xf32, #tpu.memory_space<hbm>> -> memref<128x128xf32, #tpu.memory_space<hbm>>
        %dma_start3A_18 = arith.constant 0 : i32
        %dma_start3A_19 = tpu.memref_slice %arg2[%multiple_of3A, %dma_start3A_18] : memref<160000x128xf32, #tpu.memory_space<hbm>> -> memref<128x128xf32, #tpu.memory_space<hbm>>
        tpu.enqueue_dma source(%dma_start3A_19 : memref<128x128xf32, #tpu.memory_space<hbm>>) target(%arg7 : memref<128x128xf32, #tpu.memory_space<vmem>>) target_semaphore(%run_scoped3A : memref<!tpu.dma_semaphore, #tpu.memory_space<semaphore_mem>>)
        %dma_wait3A = arith.constant 0 : i32
        %dma_wait3A_20 = tpu.memref_slice %arg2[%multiple_of3A, %dma_wait3A] : memref<160000x128xf32, #tpu.memory_space<hbm>> -> memref<128x128xf32, #tpu.memory_space<hbm>>
        %dma_wait3A_21 = arith.constant 0 : i32
        %dma_wait3A_22 = tpu.memref_slice %arg2[%multiple_of3A, %dma_wait3A_21] : memref<160000x128xf32, #tpu.memory_space<hbm>> -> memref<128x128xf32, #tpu.memory_space<hbm>>
        tpu.wait_dma2 semaphore(%run_scoped3A : memref<!tpu.dma_semaphore, #tpu.memory_space<semaphore_mem>>) src(%dma_wait3A_22 : memref<128x128xf32, #tpu.memory_space<hbm>>) dst(%arg7 : memref<128x128xf32, #tpu.memory_space<vmem>>)
        tpu.yield
      }) : () -> ()
      "tpu.region"() ({
        %run_scoped3A = tpu.sem_alloc : memref<!tpu.dma_semaphore, #tpu.memory_space<semaphore_mem>>
        %dma_start3A = arith.constant 0 : i32
        %dma_start3A_17 = arith.constant 0 : i32
        %dma_start3A_18 = tpu.memref_slice %arg8[%dma_start3A, %dma_start3A_17] : memref<10240x128xf32, #tpu.memory_space<vmem_shared>> -> memref<10240x128xf32, #tpu.memory_space<vmem_shared>>
        tpu.enqueue_indirect_dma source(%arg7 : memref<128x128xf32, #tpu.memory_space<vmem>>) target(%dma_start3A_18 : memref<10240x128xf32, #tpu.memory_space<vmem_shared>>) offsets(%arg6 : memref<128xi32, #tpu.memory_space<vmem>>) semaphore(%run_scoped3A : memref<!tpu.dma_semaphore, #tpu.memory_space<semaphore_mem>>) {add = true}
        %dma_wait3A = arith.constant 0 : i32
        %dma_wait3A_19 = arith.constant 0 : i32
        %dma_wait3A_20 = tpu.memref_slice %arg8[%dma_wait3A, %dma_wait3A_19] : memref<10240x128xf32, #tpu.memory_space<vmem_shared>> -> memref<10240x128xf32, #tpu.memory_space<vmem_shared>>
        tpu.wait_indirect_dma semaphore(%run_scoped3A : memref<!tpu.dma_semaphore, #tpu.memory_space<semaphore_mem>>) src(%arg7 : memref<128x128xf32, #tpu.memory_space<vmem>>) dst(%dma_wait3A_20 : memref<10240x128xf32, #tpu.memory_space<vmem_shared>>)
        tpu.yield
      }) : () -> ()
    }
    %scan3A_9 = arith.constant 39 : i32
    %lt3A = arith.constant 2 : i32
    %lt3A_10 = arith.cmpi slt, %add3A, %lt3A : i32
    %convert_element_type3A = arith.extui %lt3A_10 : i1 to i32
    %cond3A = arith.constant 0 : i32
    %cond3A_11 = arith.cmpi ne, %convert_element_type3A, %cond3A : i32
    scf.if %cond3A_11 {
      %mul3A_13 = arith.constant 128 : i32
      %mul3A_14 = arith.muli %add3A, %mul3A_13 : i32
      %add3A_15 = arith.constant 159744 : i32
      %add3A_16 = arith.addi %add3A_15, %mul3A_14 : i32
      %multiple_of3A = tpu.assume_multiple %add3A_16, 128 : i32
      "tpu.region"() ({
        %run_scoped3A = tpu.sem_alloc : memref<!tpu.dma_semaphore, #tpu.memory_space<semaphore_mem>>
        %dma_start3A = tpu.memref_slice %arg3[%multiple_of3A] : memref<160000xi32, #tpu.memory_space<hbm>> -> memref<128xi32, #tpu.memory_space<hbm>>
        %dma_start3A_17 = tpu.memref_slice %arg3[%multiple_of3A] : memref<160000xi32, #tpu.memory_space<hbm>> -> memref<128xi32, #tpu.memory_space<hbm>>
        tpu.enqueue_dma source(%dma_start3A_17 : memref<128xi32, #tpu.memory_space<hbm>>) target(%arg6 : memref<128xi32, #tpu.memory_space<vmem>>) target_semaphore(%run_scoped3A : memref<!tpu.dma_semaphore, #tpu.memory_space<semaphore_mem>>)
        %dma_wait3A = tpu.memref_slice %arg3[%multiple_of3A] : memref<160000xi32, #tpu.memory_space<hbm>> -> memref<128xi32, #tpu.memory_space<hbm>>
        %dma_wait3A_18 = tpu.memref_slice %arg3[%multiple_of3A] : memref<160000xi32, #tpu.memory_space<hbm>> -> memref<128xi32, #tpu.memory_space<hbm>>
        tpu.wait_dma2 semaphore(%run_scoped3A : memref<!tpu.dma_semaphore, #tpu.memory_space<semaphore_mem>>) src(%dma_wait3A_18 : memref<128xi32, #tpu.memory_space<hbm>>) dst(%arg6 : memref<128xi32, #tpu.memory_space<vmem>>)
        tpu.yield
      }) : () -> ()
      "tpu.region"() ({
        %run_scoped3A = tpu.sem_alloc : memref<!tpu.dma_semaphore, #tpu.memory_space<semaphore_mem>>
        %dma_start3A = arith.constant 0 : i32
        %dma_start3A_17 = tpu.memref_slice %arg2[%multiple_of3A, %dma_start3A] : memref<160000x128xf32, #tpu.memory_space<hbm>> -> memref<128x128xf32, #tpu.memory_space<hbm>>
        %dma_start3A_18 = arith.constant 0 : i32
        %dma_start3A_19 = tpu.memref_slice %arg2[%multiple_of3A, %dma_start3A_18] : memref<160000x128xf32, #tpu.memory_space<hbm>> -> memref<128x128xf32, #tpu.memory_space<hbm>>
        tpu.enqueue_dma source(%dma_start3A_19 : memref<128x128xf32, #tpu.memory_space<hbm>>) target(%arg7 : memref<128x128xf32, #tpu.memory_space<vmem>>) target_semaphore(%run_scoped3A : memref<!tpu.dma_semaphore, #tpu.memory_space<semaphore_mem>>)
        %dma_wait3A = arith.constant 0 : i32
        %dma_wait3A_20 = tpu.memref_slice %arg2[%multiple_of3A, %dma_wait3A] : memref<160000x128xf32, #tpu.memory_space<hbm>> -> memref<128x128xf32, #tpu.memory_space<hbm>>
        %dma_wait3A_21 = arith.constant 0 : i32
        %dma_wait3A_22 = tpu.memref_slice %arg2[%multiple_of3A, %dma_wait3A_21] : memref<160000x128xf32, #tpu.memory_space<hbm>> -> memref<128x128xf32, #tpu.memory_space<hbm>>
        tpu.wait_dma2 semaphore(%run_scoped3A : memref<!tpu.dma_semaphore, #tpu.memory_space<semaphore_mem>>) src(%dma_wait3A_22 : memref<128x128xf32, #tpu.memory_space<hbm>>) dst(%arg7 : memref<128x128xf32, #tpu.memory_space<vmem>>)
        tpu.yield
      }) : () -> ()
      "tpu.region"() ({
        %run_scoped3A = tpu.sem_alloc : memref<!tpu.dma_semaphore, #tpu.memory_space<semaphore_mem>>
        %dma_start3A = arith.constant 0 : i32
        %dma_start3A_17 = arith.constant 0 : i32
        %dma_start3A_18 = tpu.memref_slice %arg8[%dma_start3A, %dma_start3A_17] : memref<10240x128xf32, #tpu.memory_space<vmem_shared>> -> memref<10240x128xf32, #tpu.memory_space<vmem_shared>>
        tpu.enqueue_indirect_dma source(%arg7 : memref<128x128xf32, #tpu.memory_space<vmem>>) target(%dma_start3A_18 : memref<10240x128xf32, #tpu.memory_space<vmem_shared>>) offsets(%arg6 : memref<128xi32, #tpu.memory_space<vmem>>) semaphore(%run_scoped3A : memref<!tpu.dma_semaphore, #tpu.memory_space<semaphore_mem>>) {add = true}
        %dma_wait3A = arith.constant 0 : i32
        %dma_wait3A_19 = arith.constant 0 : i32
        %dma_wait3A_20 = tpu.memref_slice %arg8[%dma_wait3A, %dma_wait3A_19] : memref<10240x128xf32, #tpu.memory_space<vmem_shared>> -> memref<10240x128xf32, #tpu.memory_space<vmem_shared>>
        tpu.wait_indirect_dma semaphore(%run_scoped3A : memref<!tpu.dma_semaphore, #tpu.memory_space<semaphore_mem>>) src(%arg7 : memref<128x128xf32, #tpu.memory_space<vmem>>) dst(%dma_wait3A_20 : memref<10240x128xf32, #tpu.memory_space<vmem_shared>>)
        tpu.yield
      }) : () -> ()
    } else {
    }
    %barrier3A_12 = arith.constant 0 : index
    tpu.barrier barrier_id(%barrier3A_12)
    "tpu.region"() ({
      %run_scoped3A = tpu.sem_alloc : memref<!tpu.dma_semaphore, #tpu.memory_space<semaphore_mem>>
      %dma_start3A = arith.constant 0 : i32
      %dma_start3A_13 = tpu.memref_slice %arg5[%arg0, %mul3A_2, %dma_start3A] : memref<2x10240x128xf32, #tpu.memory_space<hbm>> -> memref<1x640x128xf32, #tpu.memory_space<hbm>>
      %dma_start3A_14 = tpu.memref_squeeze %dma_start3A_13 : memref<1x640x128xf32, #tpu.memory_space<hbm>> -> memref<640x128xf32, #tpu.memory_space<hbm>>
      %dma_start3A_15 = arith.constant 0 : i32
      %dma_start3A_16 = tpu.memref_slice %arg8[%mul3A_2, %dma_start3A_15] : memref<10240x128xf32, #tpu.memory_space<vmem_shared>> -> memref<640x128xf32, #tpu.memory_space<vmem_shared>>
      tpu.enqueue_dma source(%dma_start3A_16 : memref<640x128xf32, #tpu.memory_space<vmem_shared>>) target(%dma_start3A_14 : memref<640x128xf32, #tpu.memory_space<hbm>>) target_semaphore(%run_scoped3A : memref<!tpu.dma_semaphore, #tpu.memory_space<semaphore_mem>>)
      %dma_wait3A = arith.constant 0 : i32
      %dma_wait3A_17 = tpu.memref_slice %arg5[%arg0, %mul3A_2, %dma_wait3A] : memref<2x10240x128xf32, #tpu.memory_space<hbm>> -> memref<1x640x128xf32, #tpu.memory_space<hbm>>
      %dma_wait3A_18 = tpu.memref_squeeze %dma_wait3A_17 : memref<1x640x128xf32, #tpu.memory_space<hbm>> -> memref<640x128xf32, #tpu.memory_space<hbm>>
      %dma_wait3A_19 = arith.constant 0 : i32
      %dma_wait3A_20 = tpu.memref_slice %arg8[%mul3A_2, %dma_wait3A_19] : memref<10240x128xf32, #tpu.memory_space<vmem_shared>> -> memref<640x128xf32, #tpu.memory_space<vmem_shared>>
      tpu.wait_dma2 semaphore(%run_scoped3A : memref<!tpu.dma_semaphore, #tpu.memory_space<semaphore_mem>>) src(%dma_wait3A_20 : memref<640x128xf32, #tpu.memory_space<vmem_shared>>) dst(%dma_wait3A_18 : memref<640x128xf32, #tpu.memory_space<hbm>>)
      tpu.yield
    }) : () -> ()
    return
  }
}

#map = affine_map<(d0, d1) -> (0, 0)>
#map1 = affine_map<(d0, d1) -> (0)>
module attributes {stable_mosaic.version = 14 : i64} {
  func.func @gather(%arg0: i32, %arg1: i32, %arg2: memref<10000x128xf32, #tpu.memory_space<hbm>>, %arg3: memref<160000xi32, #tpu.memory_space<hbm>>, %arg4: memref<160000x128xf32, #tpu.memory_space<hbm>>, %arg5: memref<128xi32, #tpu.memory_space<vmem>>, %arg6: memref<128x128xf32, #tpu.memory_space<vmem>>, %arg7: memref<!tpu.dma_semaphore, #tpu.memory_space<semaphore_mem>>) attributes {dimension_semantics = [#tpu.dimension_semantics<core_parallel>, #tpu.dimension_semantics<subcore_parallel>], iteration_bounds = array<i64: 2, 16>, scalar_prefetch = 0 : i64, scratch_operands = 3 : i64, tpu.core_type = #tpu.core_type<sc_vector_subcore>, window_params = [{transform_indices = #map}, {transform_indices = #map1}, {transform_indices = #map}]} {
    %mul3A = arith.constant 2 : i32
    %mul3A_0 = arith.muli %arg1, %mul3A : i32
    %add3A = arith.addi %mul3A_0, %arg0 : i32
    %mul3A_1 = arith.constant 4992 : i32
    %mul3A_2 = arith.muli %add3A, %mul3A_1 : i32
    %scan3A = arith.constant 0 : i32
    %scan3A_3 = arith.constant 0 : i32
    %scan3A_4 = arith.constant 39 : i32
    %scan3A_5 = arith.addi %scan3A_3, %scan3A_4 : i32
    %scan3A_6 = arith.constant 1 : i32
    scf.for %scan3A_10 = %scan3A_3 to %scan3A_5 step %scan3A_6  : i32 {
      %mul3A_11 = arith.constant 128 : i32
      %mul3A_12 = arith.muli %scan3A_10, %mul3A_11 : i32
      %add3A_13 = arith.addi %mul3A_2, %mul3A_12 : i32
      %multiple_of3A = tpu.assume_multiple %add3A_13, 128 : i32
      "tpu.region"() ({
        %run_scoped3A = tpu.sem_alloc : memref<!tpu.dma_semaphore, #tpu.memory_space<semaphore_mem>>
        %dma_start3A_18 = tpu.memref_slice %arg3[%multiple_of3A] : memref<160000xi32, #tpu.memory_space<hbm>> -> memref<128xi32, #tpu.memory_space<hbm>>
        %dma_start3A_19 = tpu.memref_slice %arg3[%multiple_of3A] : memref<160000xi32, #tpu.memory_space<hbm>> -> memref<128xi32, #tpu.memory_space<hbm>>
        tpu.enqueue_dma source(%dma_start3A_19 : memref<128xi32, #tpu.memory_space<hbm>>) target(%arg5 : memref<128xi32, #tpu.memory_space<vmem>>) target_semaphore(%run_scoped3A : memref<!tpu.dma_semaphore, #tpu.memory_space<semaphore_mem>>)
        %dma_wait3A_20 = tpu.memref_slice %arg3[%multiple_of3A] : memref<160000xi32, #tpu.memory_space<hbm>> -> memref<128xi32, #tpu.memory_space<hbm>>
        %dma_wait3A_21 = tpu.memref_slice %arg3[%multiple_of3A] : memref<160000xi32, #tpu.memory_space<hbm>> -> memref<128xi32, #tpu.memory_space<hbm>>
        tpu.wait_dma2 semaphore(%run_scoped3A : memref<!tpu.dma_semaphore, #tpu.memory_space<semaphore_mem>>) src(%dma_wait3A_21 : memref<128xi32, #tpu.memory_space<hbm>>) dst(%arg5 : memref<128xi32, #tpu.memory_space<vmem>>)
        tpu.yield
      }) : () -> ()
      %dma_start3A = arith.constant 0 : i32
      %dma_start3A_14 = arith.constant 0 : i32
      %dma_start3A_15 = tpu.memref_slice %arg2[%dma_start3A, %dma_start3A_14] : memref<10000x128xf32, #tpu.memory_space<hbm>> -> memref<10000x128xf32, #tpu.memory_space<hbm>>
      tpu.enqueue_indirect_dma source(%dma_start3A_15 : memref<10000x128xf32, #tpu.memory_space<hbm>>) target(%arg6 : memref<128x128xf32, #tpu.memory_space<vmem>>) offsets(%arg5 : memref<128xi32, #tpu.memory_space<vmem>>) semaphore(%arg7 : memref<!tpu.dma_semaphore, #tpu.memory_space<semaphore_mem>>)
      %dma_wait3A = arith.constant 0 : i32
      %dma_wait3A_16 = arith.constant 0 : i32
      %dma_wait3A_17 = tpu.memref_slice %arg2[%dma_wait3A, %dma_wait3A_16] : memref<10000x128xf32, #tpu.memory_space<hbm>> -> memref<10000x128xf32, #tpu.memory_space<hbm>>
      tpu.wait_indirect_dma semaphore(%arg7 : memref<!tpu.dma_semaphore, #tpu.memory_space<semaphore_mem>>) src(%dma_wait3A_17 : memref<10000x128xf32, #tpu.memory_space<hbm>>) dst(%arg6 : memref<128x128xf32, #tpu.memory_space<vmem>>)
      "tpu.region"() ({
        %run_scoped3A = tpu.sem_alloc : memref<!tpu.dma_semaphore, #tpu.memory_space<semaphore_mem>>
        %dma_start3A_18 = arith.constant 0 : i32
        %dma_start3A_19 = tpu.memref_slice %arg4[%multiple_of3A, %dma_start3A_18] : memref<160000x128xf32, #tpu.memory_space<hbm>> -> memref<128x128xf32, #tpu.memory_space<hbm>>
        %dma_start3A_20 = arith.constant 0 : i32
        %dma_start3A_21 = tpu.memref_slice %arg4[%multiple_of3A, %dma_start3A_20] : memref<160000x128xf32, #tpu.memory_space<hbm>> -> memref<128x128xf32, #tpu.memory_space<hbm>>
        tpu.enqueue_dma source(%arg6 : memref<128x128xf32, #tpu.memory_space<vmem>>) target(%dma_start3A_21 : memref<128x128xf32, #tpu.memory_space<hbm>>) target_semaphore(%run_scoped3A : memref<!tpu.dma_semaphore, #tpu.memory_space<semaphore_mem>>)
        %dma_wait3A_22 = arith.constant 0 : i32
        %dma_wait3A_23 = tpu.memref_slice %arg4[%multiple_of3A, %dma_wait3A_22] : memref<160000x128xf32, #tpu.memory_space<hbm>> -> memref<128x128xf32, #tpu.memory_space<hbm>>
        %dma_wait3A_24 = arith.constant 0 : i32
        %dma_wait3A_25 = tpu.memref_slice %arg4[%multiple_of3A, %dma_wait3A_24] : memref<160000x128xf32, #tpu.memory_space<hbm>> -> memref<128x128xf32, #tpu.memory_space<hbm>>
        tpu.wait_dma2 semaphore(%run_scoped3A : memref<!tpu.dma_semaphore, #tpu.memory_space<semaphore_mem>>) src(%arg6 : memref<128x128xf32, #tpu.memory_space<vmem>>) dst(%dma_wait3A_25 : memref<128x128xf32, #tpu.memory_space<hbm>>)
        tpu.yield
      }) : () -> ()
    }
    %scan3A_7 = arith.constant 39 : i32
    %lt3A = arith.constant 2 : i32
    %lt3A_8 = arith.cmpi slt, %add3A, %lt3A : i32
    %convert_element_type3A = arith.extui %lt3A_8 : i1 to i32
    %cond3A = arith.constant 0 : i32
    %cond3A_9 = arith.cmpi ne, %convert_element_type3A, %cond3A : i32
    scf.if %cond3A_9 {
      %mul3A_10 = arith.constant 128 : i32
      %mul3A_11 = arith.muli %add3A, %mul3A_10 : i32
      %add3A_12 = arith.constant 159744 : i32
      %add3A_13 = arith.addi %add3A_12, %mul3A_11 : i32
      %multiple_of3A = tpu.assume_multiple %add3A_13, 128 : i32
      "tpu.region"() ({
        %run_scoped3A = tpu.sem_alloc : memref<!tpu.dma_semaphore, #tpu.memory_space<semaphore_mem>>
        %dma_start3A_18 = tpu.memref_slice %arg3[%multiple_of3A] : memref<160000xi32, #tpu.memory_space<hbm>> -> memref<128xi32, #tpu.memory_space<hbm>>
        %dma_start3A_19 = tpu.memref_slice %arg3[%multiple_of3A] : memref<160000xi32, #tpu.memory_space<hbm>> -> memref<128xi32, #tpu.memory_space<hbm>>
        tpu.enqueue_dma source(%dma_start3A_19 : memref<128xi32, #tpu.memory_space<hbm>>) target(%arg5 : memref<128xi32, #tpu.memory_space<vmem>>) target_semaphore(%run_scoped3A : memref<!tpu.dma_semaphore, #tpu.memory_space<semaphore_mem>>)
        %dma_wait3A_20 = tpu.memref_slice %arg3[%multiple_of3A] : memref<160000xi32, #tpu.memory_space<hbm>> -> memref<128xi32, #tpu.memory_space<hbm>>
        %dma_wait3A_21 = tpu.memref_slice %arg3[%multiple_of3A] : memref<160000xi32, #tpu.memory_space<hbm>> -> memref<128xi32, #tpu.memory_space<hbm>>
        tpu.wait_dma2 semaphore(%run_scoped3A : memref<!tpu.dma_semaphore, #tpu.memory_space<semaphore_mem>>) src(%dma_wait3A_21 : memref<128xi32, #tpu.memory_space<hbm>>) dst(%arg5 : memref<128xi32, #tpu.memory_space<vmem>>)
        tpu.yield
      }) : () -> ()
      %dma_start3A = arith.constant 0 : i32
      %dma_start3A_14 = arith.constant 0 : i32
      %dma_start3A_15 = tpu.memref_slice %arg2[%dma_start3A, %dma_start3A_14] : memref<10000x128xf32, #tpu.memory_space<hbm>> -> memref<10000x128xf32, #tpu.memory_space<hbm>>
      tpu.enqueue_indirect_dma source(%dma_start3A_15 : memref<10000x128xf32, #tpu.memory_space<hbm>>) target(%arg6 : memref<128x128xf32, #tpu.memory_space<vmem>>) offsets(%arg5 : memref<128xi32, #tpu.memory_space<vmem>>) semaphore(%arg7 : memref<!tpu.dma_semaphore, #tpu.memory_space<semaphore_mem>>)
      %dma_wait3A = arith.constant 0 : i32
      %dma_wait3A_16 = arith.constant 0 : i32
      %dma_wait3A_17 = tpu.memref_slice %arg2[%dma_wait3A, %dma_wait3A_16] : memref<10000x128xf32, #tpu.memory_space<hbm>> -> memref<10000x128xf32, #tpu.memory_space<hbm>>
      tpu.wait_indirect_dma semaphore(%arg7 : memref<!tpu.dma_semaphore, #tpu.memory_space<semaphore_mem>>) src(%dma_wait3A_17 : memref<10000x128xf32, #tpu.memory_space<hbm>>) dst(%arg6 : memref<128x128xf32, #tpu.memory_space<vmem>>)
      "tpu.region"() ({
        %run_scoped3A = tpu.sem_alloc : memref<!tpu.dma_semaphore, #tpu.memory_space<semaphore_mem>>
        %dma_start3A_18 = arith.constant 0 : i32
        %dma_start3A_19 = tpu.memref_slice %arg4[%multiple_of3A, %dma_start3A_18] : memref<160000x128xf32, #tpu.memory_space<hbm>> -> memref<128x128xf32, #tpu.memory_space<hbm>>
        %dma_start3A_20 = arith.constant 0 : i32
        %dma_start3A_21 = tpu.memref_slice %arg4[%multiple_of3A, %dma_start3A_20] : memref<160000x128xf32, #tpu.memory_space<hbm>> -> memref<128x128xf32, #tpu.memory_space<hbm>>
        tpu.enqueue_dma source(%arg6 : memref<128x128xf32, #tpu.memory_space<vmem>>) target(%dma_start3A_21 : memref<128x128xf32, #tpu.memory_space<hbm>>) target_semaphore(%run_scoped3A : memref<!tpu.dma_semaphore, #tpu.memory_space<semaphore_mem>>)
        %dma_wait3A_22 = arith.constant 0 : i32
        %dma_wait3A_23 = tpu.memref_slice %arg4[%multiple_of3A, %dma_wait3A_22] : memref<160000x128xf32, #tpu.memory_space<hbm>> -> memref<128x128xf32, #tpu.memory_space<hbm>>
        %dma_wait3A_24 = arith.constant 0 : i32
        %dma_wait3A_25 = tpu.memref_slice %arg4[%multiple_of3A, %dma_wait3A_24] : memref<160000x128xf32, #tpu.memory_space<hbm>> -> memref<128x128xf32, #tpu.memory_space<hbm>>
        tpu.wait_dma2 semaphore(%run_scoped3A : memref<!tpu.dma_semaphore, #tpu.memory_space<semaphore_mem>>) src(%arg6 : memref<128x128xf32, #tpu.memory_space<vmem>>) dst(%dma_wait3A_25 : memref<128x128xf32, #tpu.memory_space<hbm>>)
        tpu.yield
      }) : () -> ()
    } else {
    }
    return
  }
}

#map = affine_map<(d0, d1) -> (0, 0)>
#map1 = affine_map<(d0, d1) -> (0)>
module attributes {stable_mosaic.version = 14 : i64} {
  func.func @gather(%arg0: i32, %arg1: i32, %arg2: memref<10000x128xf32, #tpu.memory_space<hbm>>, %arg3: memref<160000xi32, #tpu.memory_space<hbm>>, %arg4: memref<160000x128xf32, #tpu.memory_space<hbm>>, %arg5: memref<128xi32, #tpu.memory_space<vmem>>, %arg6: memref<128x128xf32, #tpu.memory_space<vmem>>, %arg7: memref<!tpu.dma_semaphore, #tpu.memory_space<semaphore_mem>>) attributes {dimension_semantics = [#tpu.dimension_semantics<core_parallel>, #tpu.dimension_semantics<subcore_parallel>], iteration_bounds = array<i64: 2, 16>, scalar_prefetch = 0 : i64, scratch_operands = 3 : i64, tpu.core_type = #tpu.core_type<sc_vector_subcore>, window_params = [{transform_indices = #map}, {transform_indices = #map1}, {transform_indices = #map}]} {
    %mul3A = arith.constant 2 : i32
    %mul3A_0 = arith.muli %arg1, %mul3A : i32
    %add3A = arith.addi %mul3A_0, %arg0 : i32
    %mul3A_1 = arith.constant 4992 : i32
    %mul3A_2 = arith.muli %add3A, %mul3A_1 : i32
    %scan3A = arith.constant 0 : i32
    %scan3A_3 = arith.constant 0 : i32
    %scan3A_4 = arith.constant 39 : i32
    %scan3A_5 = arith.addi %scan3A_3, %scan3A_4 : i32
    %scan3A_6 = arith.constant 1 : i32
    scf.for %scan3A_10 = %scan3A_3 to %scan3A_5 step %scan3A_6  : i32 {
      %mul3A_11 = arith.constant 128 : i32
      %mul3A_12 = arith.muli %scan3A_10, %mul3A_11 : i32
      %add3A_13 = arith.addi %mul3A_2, %mul3A_12 : i32
      %multiple_of3A = tpu.assume_multiple %add3A_13, 128 : i32
      "tpu.region"() ({
        %run_scoped3A = tpu.sem_alloc : memref<!tpu.dma_semaphore, #tpu.memory_space<semaphore_mem>>
        %dma_start3A_18 = tpu.memref_slice %arg3[%multiple_of3A] : memref<160000xi32, #tpu.memory_space<hbm>> -> memref<128xi32, #tpu.memory_space<hbm>>
        %dma_start3A_19 = tpu.memref_slice %arg3[%multiple_of3A] : memref<160000xi32, #tpu.memory_space<hbm>> -> memref<128xi32, #tpu.memory_space<hbm>>
        tpu.enqueue_dma source(%dma_start3A_19 : memref<128xi32, #tpu.memory_space<hbm>>) target(%arg5 : memref<128xi32, #tpu.memory_space<vmem>>) target_semaphore(%run_scoped3A : memref<!tpu.dma_semaphore, #tpu.memory_space<semaphore_mem>>)
        %dma_wait3A_20 = tpu.memref_slice %arg3[%multiple_of3A] : memref<160000xi32, #tpu.memory_space<hbm>> -> memref<128xi32, #tpu.memory_space<hbm>>
        %dma_wait3A_21 = tpu.memref_slice %arg3[%multiple_of3A] : memref<160000xi32, #tpu.memory_space<hbm>> -> memref<128xi32, #tpu.memory_space<hbm>>
        tpu.wait_dma2 semaphore(%run_scoped3A : memref<!tpu.dma_semaphore, #tpu.memory_space<semaphore_mem>>) src(%dma_wait3A_21 : memref<128xi32, #tpu.memory_space<hbm>>) dst(%arg5 : memref<128xi32, #tpu.memory_space<vmem>>)
        tpu.yield
      }) : () -> ()
      %dma_start3A = arith.constant 0 : i32
      %dma_start3A_14 = arith.constant 0 : i32
      %dma_start3A_15 = tpu.memref_slice %arg2[%dma_start3A, %dma_start3A_14] : memref<10000x128xf32, #tpu.memory_space<hbm>> -> memref<10000x128xf32, #tpu.memory_space<hbm>>
      tpu.enqueue_indirect_dma source(%dma_start3A_15 : memref<10000x128xf32, #tpu.memory_space<hbm>>) target(%arg6 : memref<128x128xf32, #tpu.memory_space<vmem>>) offsets(%arg5 : memref<128xi32, #tpu.memory_space<vmem>>) semaphore(%arg7 : memref<!tpu.dma_semaphore, #tpu.memory_space<semaphore_mem>>)
      %dma_wait3A = arith.constant 0 : i32
      %dma_wait3A_16 = arith.constant 0 : i32
      %dma_wait3A_17 = tpu.memref_slice %arg2[%dma_wait3A, %dma_wait3A_16] : memref<10000x128xf32, #tpu.memory_space<hbm>> -> memref<10000x128xf32, #tpu.memory_space<hbm>>
      tpu.wait_indirect_dma semaphore(%arg7 : memref<!tpu.dma_semaphore, #tpu.memory_space<semaphore_mem>>) src(%dma_wait3A_17 : memref<10000x128xf32, #tpu.memory_space<hbm>>) dst(%arg6 : memref<128x128xf32, #tpu.memory_space<vmem>>)
      "tpu.region"() ({
        %run_scoped3A = tpu.sem_alloc : memref<!tpu.dma_semaphore, #tpu.memory_space<semaphore_mem>>
        %dma_start3A_18 = arith.constant 0 : i32
        %dma_start3A_19 = tpu.memref_slice %arg4[%multiple_of3A, %dma_start3A_18] : memref<160000x128xf32, #tpu.memory_space<hbm>> -> memref<128x128xf32, #tpu.memory_space<hbm>>
        %dma_start3A_20 = arith.constant 0 : i32
        %dma_start3A_21 = tpu.memref_slice %arg4[%multiple_of3A, %dma_start3A_20] : memref<160000x128xf32, #tpu.memory_space<hbm>> -> memref<128x128xf32, #tpu.memory_space<hbm>>
        tpu.enqueue_dma source(%arg6 : memref<128x128xf32, #tpu.memory_space<vmem>>) target(%dma_start3A_21 : memref<128x128xf32, #tpu.memory_space<hbm>>) target_semaphore(%run_scoped3A : memref<!tpu.dma_semaphore, #tpu.memory_space<semaphore_mem>>)
        %dma_wait3A_22 = arith.constant 0 : i32
        %dma_wait3A_23 = tpu.memref_slice %arg4[%multiple_of3A, %dma_wait3A_22] : memref<160000x128xf32, #tpu.memory_space<hbm>> -> memref<128x128xf32, #tpu.memory_space<hbm>>
        %dma_wait3A_24 = arith.constant 0 : i32
        %dma_wait3A_25 = tpu.memref_slice %arg4[%multiple_of3A, %dma_wait3A_24] : memref<160000x128xf32, #tpu.memory_space<hbm>> -> memref<128x128xf32, #tpu.memory_space<hbm>>
        tpu.wait_dma2 semaphore(%run_scoped3A : memref<!tpu.dma_semaphore, #tpu.memory_space<semaphore_mem>>) src(%arg6 : memref<128x128xf32, #tpu.memory_space<vmem>>) dst(%dma_wait3A_25 : memref<128x128xf32, #tpu.memory_space<hbm>>)
        tpu.yield
      }) : () -> ()
    }
    %scan3A_7 = arith.constant 39 : i32
    %lt3A = arith.constant 2 : i32
    %lt3A_8 = arith.cmpi slt, %add3A, %lt3A : i32
    %convert_element_type3A = arith.extui %lt3A_8 : i1 to i32
    %cond3A = arith.constant 0 : i32
    %cond3A_9 = arith.cmpi ne, %convert_element_type3A, %cond3A : i32
    scf.if %cond3A_9 {
      %mul3A_10 = arith.constant 128 : i32
      %mul3A_11 = arith.muli %add3A, %mul3A_10 : i32
      %add3A_12 = arith.constant 159744 : i32
      %add3A_13 = arith.addi %add3A_12, %mul3A_11 : i32
      %multiple_of3A = tpu.assume_multiple %add3A_13, 128 : i32
      "tpu.region"() ({
        %run_scoped3A = tpu.sem_alloc : memref<!tpu.dma_semaphore, #tpu.memory_space<semaphore_mem>>
        %dma_start3A_18 = tpu.memref_slice %arg3[%multiple_of3A] : memref<160000xi32, #tpu.memory_space<hbm>> -> memref<128xi32, #tpu.memory_space<hbm>>
        %dma_start3A_19 = tpu.memref_slice %arg3[%multiple_of3A] : memref<160000xi32, #tpu.memory_space<hbm>> -> memref<128xi32, #tpu.memory_space<hbm>>
        tpu.enqueue_dma source(%dma_start3A_19 : memref<128xi32, #tpu.memory_space<hbm>>) target(%arg5 : memref<128xi32, #tpu.memory_space<vmem>>) target_semaphore(%run_scoped3A : memref<!tpu.dma_semaphore, #tpu.memory_space<semaphore_mem>>)
        %dma_wait3A_20 = tpu.memref_slice %arg3[%multiple_of3A] : memref<160000xi32, #tpu.memory_space<hbm>> -> memref<128xi32, #tpu.memory_space<hbm>>
        %dma_wait3A_21 = tpu.memref_slice %arg3[%multiple_of3A] : memref<160000xi32, #tpu.memory_space<hbm>> -> memref<128xi32, #tpu.memory_space<hbm>>
        tpu.wait_dma2 semaphore(%run_scoped3A : memref<!tpu.dma_semaphore, #tpu.memory_space<semaphore_mem>>) src(%dma_wait3A_21 : memref<128xi32, #tpu.memory_space<hbm>>) dst(%arg5 : memref<128xi32, #tpu.memory_space<vmem>>)
        tpu.yield
      }) : () -> ()
      %dma_start3A = arith.constant 0 : i32
      %dma_start3A_14 = arith.constant 0 : i32
      %dma_start3A_15 = tpu.memref_slice %arg2[%dma_start3A, %dma_start3A_14] : memref<10000x128xf32, #tpu.memory_space<hbm>> -> memref<10000x128xf32, #tpu.memory_space<hbm>>
      tpu.enqueue_indirect_dma source(%dma_start3A_15 : memref<10000x128xf32, #tpu.memory_space<hbm>>) target(%arg6 : memref<128x128xf32, #tpu.memory_space<vmem>>) offsets(%arg5 : memref<128xi32, #tpu.memory_space<vmem>>) semaphore(%arg7 : memref<!tpu.dma_semaphore, #tpu.memory_space<semaphore_mem>>)
      %dma_wait3A = arith.constant 0 : i32
      %dma_wait3A_16 = arith.constant 0 : i32
      %dma_wait3A_17 = tpu.memref_slice %arg2[%dma_wait3A, %dma_wait3A_16] : memref<10000x128xf32, #tpu.memory_space<hbm>> -> memref<10000x128xf32, #tpu.memory_space<hbm>>
      tpu.wait_indirect_dma semaphore(%arg7 : memref<!tpu.dma_semaphore, #tpu.memory_space<semaphore_mem>>) src(%dma_wait3A_17 : memref<10000x128xf32, #tpu.memory_space<hbm>>) dst(%arg6 : memref<128x128xf32, #tpu.memory_space<vmem>>)
      "tpu.region"() ({
        %run_scoped3A = tpu.sem_alloc : memref<!tpu.dma_semaphore, #tpu.memory_space<semaphore_mem>>
        %dma_start3A_18 = arith.constant 0 : i32
        %dma_start3A_19 = tpu.memref_slice %arg4[%multiple_of3A, %dma_start3A_18] : memref<160000x128xf32, #tpu.memory_space<hbm>> -> memref<128x128xf32, #tpu.memory_space<hbm>>
        %dma_start3A_20 = arith.constant 0 : i32
        %dma_start3A_21 = tpu.memref_slice %arg4[%multiple_of3A, %dma_start3A_20] : memref<160000x128xf32, #tpu.memory_space<hbm>> -> memref<128x128xf32, #tpu.memory_space<hbm>>
        tpu.enqueue_dma source(%arg6 : memref<128x128xf32, #tpu.memory_space<vmem>>) target(%dma_start3A_21 : memref<128x128xf32, #tpu.memory_space<hbm>>) target_semaphore(%run_scoped3A : memref<!tpu.dma_semaphore, #tpu.memory_space<semaphore_mem>>)
        %dma_wait3A_22 = arith.constant 0 : i32
        %dma_wait3A_23 = tpu.memref_slice %arg4[%multiple_of3A, %dma_wait3A_22] : memref<160000x128xf32, #tpu.memory_space<hbm>> -> memref<128x128xf32, #tpu.memory_space<hbm>>
        %dma_wait3A_24 = arith.constant 0 : i32
        %dma_wait3A_25 = tpu.memref_slice %arg4[%multiple_of3A, %dma_wait3A_24] : memref<160000x128xf32, #tpu.memory_space<hbm>> -> memref<128x128xf32, #tpu.memory_space<hbm>>
        tpu.wait_dma2 semaphore(%run_scoped3A : memref<!tpu.dma_semaphore, #tpu.memory_space<semaphore_mem>>) src(%arg6 : memref<128x128xf32, #tpu.memory_space<vmem>>) dst(%dma_wait3A_25 : memref<128x128xf32, #tpu.memory_space<hbm>>)
        tpu.yield
      }) : () -> ()
    } else {
    }
    return
  }
}

#map = affine_map<(d0, d1) -> (0, 0)>
#map1 = affine_map<(d0, d1) -> (0)>
module attributes {stable_mosaic.version = 14 : i64} {
  func.func @gather(%arg0: i32, %arg1: i32, %arg2: memref<10000x128xf32, #tpu.memory_space<hbm>>, %arg3: memref<160000xi32, #tpu.memory_space<hbm>>, %arg4: memref<160000x128xf32, #tpu.memory_space<hbm>>, %arg5: memref<128xi32, #tpu.memory_space<vmem>>, %arg6: memref<128x128xf32, #tpu.memory_space<vmem>>, %arg7: memref<!tpu.dma_semaphore, #tpu.memory_space<semaphore_mem>>) attributes {dimension_semantics = [#tpu.dimension_semantics<core_parallel>, #tpu.dimension_semantics<subcore_parallel>], iteration_bounds = array<i64: 2, 16>, scalar_prefetch = 0 : i64, scratch_operands = 3 : i64, tpu.core_type = #tpu.core_type<sc_vector_subcore>, window_params = [{transform_indices = #map}, {transform_indices = #map1}, {transform_indices = #map}]} {
    %mul3A = arith.constant 2 : i32
    %mul3A_0 = arith.muli %arg1, %mul3A : i32
    %add3A = arith.addi %mul3A_0, %arg0 : i32
    %mul3A_1 = arith.constant 4992 : i32
    %mul3A_2 = arith.muli %add3A, %mul3A_1 : i32
    %scan3A = arith.constant 0 : i32
    %scan3A_3 = arith.constant 0 : i32
    %scan3A_4 = arith.constant 39 : i32
    %scan3A_5 = arith.addi %scan3A_3, %scan3A_4 : i32
    %scan3A_6 = arith.constant 1 : i32
    scf.for %scan3A_10 = %scan3A_3 to %scan3A_5 step %scan3A_6  : i32 {
      %mul3A_11 = arith.constant 128 : i32
      %mul3A_12 = arith.muli %scan3A_10, %mul3A_11 : i32
      %add3A_13 = arith.addi %mul3A_2, %mul3A_12 : i32
      %multiple_of3A = tpu.assume_multiple %add3A_13, 128 : i32
      "tpu.region"() ({
        %run_scoped3A = tpu.sem_alloc : memref<!tpu.dma_semaphore, #tpu.memory_space<semaphore_mem>>
        %dma_start3A_18 = tpu.memref_slice %arg3[%multiple_of3A] : memref<160000xi32, #tpu.memory_space<hbm>> -> memref<128xi32, #tpu.memory_space<hbm>>
        %dma_start3A_19 = tpu.memref_slice %arg3[%multiple_of3A] : memref<160000xi32, #tpu.memory_space<hbm>> -> memref<128xi32, #tpu.memory_space<hbm>>
        tpu.enqueue_dma source(%dma_start3A_19 : memref<128xi32, #tpu.memory_space<hbm>>) target(%arg5 : memref<128xi32, #tpu.memory_space<vmem>>) target_semaphore(%run_scoped3A : memref<!tpu.dma_semaphore, #tpu.memory_space<semaphore_mem>>)
        %dma_wait3A_20 = tpu.memref_slice %arg3[%multiple_of3A] : memref<160000xi32, #tpu.memory_space<hbm>> -> memref<128xi32, #tpu.memory_space<hbm>>
        %dma_wait3A_21 = tpu.memref_slice %arg3[%multiple_of3A] : memref<160000xi32, #tpu.memory_space<hbm>> -> memref<128xi32, #tpu.memory_space<hbm>>
        tpu.wait_dma2 semaphore(%run_scoped3A : memref<!tpu.dma_semaphore, #tpu.memory_space<semaphore_mem>>) src(%dma_wait3A_21 : memref<128xi32, #tpu.memory_space<hbm>>) dst(%arg5 : memref<128xi32, #tpu.memory_space<vmem>>)
        tpu.yield
      }) : () -> ()
      %dma_start3A = arith.constant 0 : i32
      %dma_start3A_14 = arith.constant 0 : i32
      %dma_start3A_15 = tpu.memref_slice %arg2[%dma_start3A, %dma_start3A_14] : memref<10000x128xf32, #tpu.memory_space<hbm>> -> memref<10000x128xf32, #tpu.memory_space<hbm>>
      tpu.enqueue_indirect_dma source(%dma_start3A_15 : memref<10000x128xf32, #tpu.memory_space<hbm>>) target(%arg6 : memref<128x128xf32, #tpu.memory_space<vmem>>) offsets(%arg5 : memref<128xi32, #tpu.memory_space<vmem>>) semaphore(%arg7 : memref<!tpu.dma_semaphore, #tpu.memory_space<semaphore_mem>>)
      %dma_wait3A = arith.constant 0 : i32
      %dma_wait3A_16 = arith.constant 0 : i32
      %dma_wait3A_17 = tpu.memref_slice %arg2[%dma_wait3A, %dma_wait3A_16] : memref<10000x128xf32, #tpu.memory_space<hbm>> -> memref<10000x128xf32, #tpu.memory_space<hbm>>
      tpu.wait_indirect_dma semaphore(%arg7 : memref<!tpu.dma_semaphore, #tpu.memory_space<semaphore_mem>>) src(%dma_wait3A_17 : memref<10000x128xf32, #tpu.memory_space<hbm>>) dst(%arg6 : memref<128x128xf32, #tpu.memory_space<vmem>>)
      "tpu.region"() ({
        %run_scoped3A = tpu.sem_alloc : memref<!tpu.dma_semaphore, #tpu.memory_space<semaphore_mem>>
        %dma_start3A_18 = arith.constant 0 : i32
        %dma_start3A_19 = tpu.memref_slice %arg4[%multiple_of3A, %dma_start3A_18] : memref<160000x128xf32, #tpu.memory_space<hbm>> -> memref<128x128xf32, #tpu.memory_space<hbm>>
        %dma_start3A_20 = arith.constant 0 : i32
        %dma_start3A_21 = tpu.memref_slice %arg4[%multiple_of3A, %dma_start3A_20] : memref<160000x128xf32, #tpu.memory_space<hbm>> -> memref<128x128xf32, #tpu.memory_space<hbm>>
        tpu.enqueue_dma source(%arg6 : memref<128x128xf32, #tpu.memory_space<vmem>>) target(%dma_start3A_21 : memref<128x128xf32, #tpu.memory_space<hbm>>) target_semaphore(%run_scoped3A : memref<!tpu.dma_semaphore, #tpu.memory_space<semaphore_mem>>)
        %dma_wait3A_22 = arith.constant 0 : i32
        %dma_wait3A_23 = tpu.memref_slice %arg4[%multiple_of3A, %dma_wait3A_22] : memref<160000x128xf32, #tpu.memory_space<hbm>> -> memref<128x128xf32, #tpu.memory_space<hbm>>
        %dma_wait3A_24 = arith.constant 0 : i32
        %dma_wait3A_25 = tpu.memref_slice %arg4[%multiple_of3A, %dma_wait3A_24] : memref<160000x128xf32, #tpu.memory_space<hbm>> -> memref<128x128xf32, #tpu.memory_space<hbm>>
        tpu.wait_dma2 semaphore(%run_scoped3A : memref<!tpu.dma_semaphore, #tpu.memory_space<semaphore_mem>>) src(%arg6 : memref<128x128xf32, #tpu.memory_space<vmem>>) dst(%dma_wait3A_25 : memref<128x128xf32, #tpu.memory_space<hbm>>)
        tpu.yield
      }) : () -> ()
    }
    %scan3A_7 = arith.constant 39 : i32
    %lt3A = arith.constant 2 : i32
    %lt3A_8 = arith.cmpi slt, %add3A, %lt3A : i32
    %convert_element_type3A = arith.extui %lt3A_8 : i1 to i32
    %cond3A = arith.constant 0 : i32
    %cond3A_9 = arith.cmpi ne, %convert_element_type3A, %cond3A : i32
    scf.if %cond3A_9 {
      %mul3A_10 = arith.constant 128 : i32
      %mul3A_11 = arith.muli %add3A, %mul3A_10 : i32
      %add3A_12 = arith.constant 159744 : i32
      %add3A_13 = arith.addi %add3A_12, %mul3A_11 : i32
      %multiple_of3A = tpu.assume_multiple %add3A_13, 128 : i32
      "tpu.region"() ({
        %run_scoped3A = tpu.sem_alloc : memref<!tpu.dma_semaphore, #tpu.memory_space<semaphore_mem>>
        %dma_start3A_18 = tpu.memref_slice %arg3[%multiple_of3A] : memref<160000xi32, #tpu.memory_space<hbm>> -> memref<128xi32, #tpu.memory_space<hbm>>
        %dma_start3A_19 = tpu.memref_slice %arg3[%multiple_of3A] : memref<160000xi32, #tpu.memory_space<hbm>> -> memref<128xi32, #tpu.memory_space<hbm>>
        tpu.enqueue_dma source(%dma_start3A_19 : memref<128xi32, #tpu.memory_space<hbm>>) target(%arg5 : memref<128xi32, #tpu.memory_space<vmem>>) target_semaphore(%run_scoped3A : memref<!tpu.dma_semaphore, #tpu.memory_space<semaphore_mem>>)
        %dma_wait3A_20 = tpu.memref_slice %arg3[%multiple_of3A] : memref<160000xi32, #tpu.memory_space<hbm>> -> memref<128xi32, #tpu.memory_space<hbm>>
        %dma_wait3A_21 = tpu.memref_slice %arg3[%multiple_of3A] : memref<160000xi32, #tpu.memory_space<hbm>> -> memref<128xi32, #tpu.memory_space<hbm>>
        tpu.wait_dma2 semaphore(%run_scoped3A : memref<!tpu.dma_semaphore, #tpu.memory_space<semaphore_mem>>) src(%dma_wait3A_21 : memref<128xi32, #tpu.memory_space<hbm>>) dst(%arg5 : memref<128xi32, #tpu.memory_space<vmem>>)
        tpu.yield
      }) : () -> ()
      %dma_start3A = arith.constant 0 : i32
      %dma_start3A_14 = arith.constant 0 : i32
      %dma_start3A_15 = tpu.memref_slice %arg2[%dma_start3A, %dma_start3A_14] : memref<10000x128xf32, #tpu.memory_space<hbm>> -> memref<10000x128xf32, #tpu.memory_space<hbm>>
      tpu.enqueue_indirect_dma source(%dma_start3A_15 : memref<10000x128xf32, #tpu.memory_space<hbm>>) target(%arg6 : memref<128x128xf32, #tpu.memory_space<vmem>>) offsets(%arg5 : memref<128xi32, #tpu.memory_space<vmem>>) semaphore(%arg7 : memref<!tpu.dma_semaphore, #tpu.memory_space<semaphore_mem>>)
      %dma_wait3A = arith.constant 0 : i32
      %dma_wait3A_16 = arith.constant 0 : i32
      %dma_wait3A_17 = tpu.memref_slice %arg2[%dma_wait3A, %dma_wait3A_16] : memref<10000x128xf32, #tpu.memory_space<hbm>> -> memref<10000x128xf32, #tpu.memory_space<hbm>>
      tpu.wait_indirect_dma semaphore(%arg7 : memref<!tpu.dma_semaphore, #tpu.memory_space<semaphore_mem>>) src(%dma_wait3A_17 : memref<10000x128xf32, #tpu.memory_space<hbm>>) dst(%arg6 : memref<128x128xf32, #tpu.memory_space<vmem>>)
      "tpu.region"() ({
        %run_scoped3A = tpu.sem_alloc : memref<!tpu.dma_semaphore, #tpu.memory_space<semaphore_mem>>
        %dma_start3A_18 = arith.constant 0 : i32
        %dma_start3A_19 = tpu.memref_slice %arg4[%multiple_of3A, %dma_start3A_18] : memref<160000x128xf32, #tpu.memory_space<hbm>> -> memref<128x128xf32, #tpu.memory_space<hbm>>
        %dma_start3A_20 = arith.constant 0 : i32
        %dma_start3A_21 = tpu.memref_slice %arg4[%multiple_of3A, %dma_start3A_20] : memref<160000x128xf32, #tpu.memory_space<hbm>> -> memref<128x128xf32, #tpu.memory_space<hbm>>
        tpu.enqueue_dma source(%arg6 : memref<128x128xf32, #tpu.memory_space<vmem>>) target(%dma_start3A_21 : memref<128x128xf32, #tpu.memory_space<hbm>>) target_semaphore(%run_scoped3A : memref<!tpu.dma_semaphore, #tpu.memory_space<semaphore_mem>>)
        %dma_wait3A_22 = arith.constant 0 : i32
        %dma_wait3A_23 = tpu.memref_slice %arg4[%multiple_of3A, %dma_wait3A_22] : memref<160000x128xf32, #tpu.memory_space<hbm>> -> memref<128x128xf32, #tpu.memory_space<hbm>>
        %dma_wait3A_24 = arith.constant 0 : i32
        %dma_wait3A_25 = tpu.memref_slice %arg4[%multiple_of3A, %dma_wait3A_24] : memref<160000x128xf32, #tpu.memory_space<hbm>> -> memref<128x128xf32, #tpu.memory_space<hbm>>
        tpu.wait_dma2 semaphore(%run_scoped3A : memref<!tpu.dma_semaphore, #tpu.memory_space<semaphore_mem>>) src(%arg6 : memref<128x128xf32, #tpu.memory_space<vmem>>) dst(%dma_wait3A_25 : memref<128x128xf32, #tpu.memory_space<hbm>>)
        tpu.yield
      }) : () -> ()
    } else {
    }
    return
  }
}

#map = affine_map<(d0, d1) -> (0, 0)>
#map1 = affine_map<(d0, d1) -> (0)>
#map2 = affine_map<(d0, d1) -> (0, 0, 0)>
module attributes {stable_mosaic.version = 14 : i64} {
  func.func @scatter(%arg0: i32, %arg1: i32, %arg2: memref<160000x128xf32, #tpu.memory_space<hbm>>, %arg3: memref<160000xi32, #tpu.memory_space<hbm>>, %arg4: memref<10240x128xf32, #tpu.memory_space<hbm>>, %arg5: memref<2x10240x128xf32, #tpu.memory_space<hbm>>, %arg6: memref<128xi32, #tpu.memory_space<vmem>>, %arg7: memref<128x128xf32, #tpu.memory_space<vmem>>, %arg8: memref<10240x128xf32, #tpu.memory_space<vmem_shared>>) attributes {dimension_semantics = [#tpu.dimension_semantics<core_parallel>, #tpu.dimension_semantics<subcore_parallel>], iteration_bounds = array<i64: 2, 16>, scalar_prefetch = 0 : i64, scratch_operands = 3 : i64, tpu.core_type = #tpu.core_type<sc_vector_subcore>, window_params = [{transform_indices = #map}, {transform_indices = #map1}, {transform_indices = #map}, {transform_indices = #map2}]} {
    %mul3A = arith.constant 2 : i32
    %mul3A_0 = arith.muli %arg1, %mul3A : i32
    %add3A = arith.addi %mul3A_0, %arg0 : i32
    %mul3A_1 = arith.constant 640 : i32
    %mul3A_2 = arith.muli %arg1, %mul3A_1 : i32
    "tpu.region"() ({
      %run_scoped3A = tpu.sem_alloc : memref<!tpu.dma_semaphore, #tpu.memory_space<semaphore_mem>>
      %dma_start3A = arith.constant 0 : i32
      %dma_start3A_13 = tpu.memref_slice %arg8[%mul3A_2, %dma_start3A] : memref<10240x128xf32, #tpu.memory_space<vmem_shared>> -> memref<640x128xf32, #tpu.memory_space<vmem_shared>>
      %dma_start3A_14 = arith.constant 0 : i32
      %dma_start3A_15 = tpu.memref_slice %arg4[%mul3A_2, %dma_start3A_14] : memref<10240x128xf32, #tpu.memory_space<hbm>> -> memref<640x128xf32, #tpu.memory_space<hbm>>
      tpu.enqueue_dma source(%dma_start3A_15 : memref<640x128xf32, #tpu.memory_space<hbm>>) target(%dma_start3A_13 : memref<640x128xf32, #tpu.memory_space<vmem_shared>>) target_semaphore(%run_scoped3A : memref<!tpu.dma_semaphore, #tpu.memory_space<semaphore_mem>>)
      %dma_wait3A = arith.constant 0 : i32
      %dma_wait3A_16 = tpu.memref_slice %arg8[%mul3A_2, %dma_wait3A] : memref<10240x128xf32, #tpu.memory_space<vmem_shared>> -> memref<640x128xf32, #tpu.memory_space<vmem_shared>>
      %dma_wait3A_17 = arith.constant 0 : i32
      %dma_wait3A_18 = tpu.memref_slice %arg4[%mul3A_2, %dma_wait3A_17] : memref<10240x128xf32, #tpu.memory_space<hbm>> -> memref<640x128xf32, #tpu.memory_space<hbm>>
      tpu.wait_dma2 semaphore(%run_scoped3A : memref<!tpu.dma_semaphore, #tpu.memory_space<semaphore_mem>>) src(%dma_wait3A_18 : memref<640x128xf32, #tpu.memory_space<hbm>>) dst(%dma_wait3A_16 : memref<640x128xf32, #tpu.memory_space<vmem_shared>>)
      tpu.yield
    }) : () -> ()
    %barrier3A = arith.constant 0 : index
    tpu.barrier barrier_id(%barrier3A)
    %mul3A_3 = arith.constant 4992 : i32
    %mul3A_4 = arith.muli %add3A, %mul3A_3 : i32
    %scan3A = arith.constant 0 : i32
    %scan3A_5 = arith.constant 0 : i32
    %scan3A_6 = arith.constant 39 : i32
    %scan3A_7 = arith.addi %scan3A_5, %scan3A_6 : i32
    %scan3A_8 = arith.constant 1 : i32
    scf.for %scan3A_13 = %scan3A_5 to %scan3A_7 step %scan3A_8  : i32 {
      %mul3A_14 = arith.constant 128 : i32
      %mul3A_15 = arith.muli %scan3A_13, %mul3A_14 : i32
      %add3A_16 = arith.addi %mul3A_4, %mul3A_15 : i32
      %multiple_of3A = tpu.assume_multiple %add3A_16, 128 : i32
      "tpu.region"() ({
        %run_scoped3A = tpu.sem_alloc : memref<!tpu.dma_semaphore, #tpu.memory_space<semaphore_mem>>
        %dma_start3A = tpu.memref_slice %arg3[%multiple_of3A] : memref<160000xi32, #tpu.memory_space<hbm>> -> memref<128xi32, #tpu.memory_space<hbm>>
        %dma_start3A_17 = tpu.memref_slice %arg3[%multiple_of3A] : memref<160000xi32, #tpu.memory_space<hbm>> -> memref<128xi32, #tpu.memory_space<hbm>>
        tpu.enqueue_dma source(%dma_start3A_17 : memref<128xi32, #tpu.memory_space<hbm>>) target(%arg6 : memref<128xi32, #tpu.memory_space<vmem>>) target_semaphore(%run_scoped3A : memref<!tpu.dma_semaphore, #tpu.memory_space<semaphore_mem>>)
        %dma_wait3A = tpu.memref_slice %arg3[%multiple_of3A] : memref<160000xi32, #tpu.memory_space<hbm>> -> memref<128xi32, #tpu.memory_space<hbm>>
        %dma_wait3A_18 = tpu.memref_slice %arg3[%multiple_of3A] : memref<160000xi32, #tpu.memory_space<hbm>> -> memref<128xi32, #tpu.memory_space<hbm>>
        tpu.wait_dma2 semaphore(%run_scoped3A : memref<!tpu.dma_semaphore, #tpu.memory_space<semaphore_mem>>) src(%dma_wait3A_18 : memref<128xi32, #tpu.memory_space<hbm>>) dst(%arg6 : memref<128xi32, #tpu.memory_space<vmem>>)
        tpu.yield
      }) : () -> ()
      "tpu.region"() ({
        %run_scoped3A = tpu.sem_alloc : memref<!tpu.dma_semaphore, #tpu.memory_space<semaphore_mem>>
        %dma_start3A = arith.constant 0 : i32
        %dma_start3A_17 = tpu.memref_slice %arg2[%multiple_of3A, %dma_start3A] : memref<160000x128xf32, #tpu.memory_space<hbm>> -> memref<128x128xf32, #tpu.memory_space<hbm>>
        %dma_start3A_18 = arith.constant 0 : i32
        %dma_start3A_19 = tpu.memref_slice %arg2[%multiple_of3A, %dma_start3A_18] : memref<160000x128xf32, #tpu.memory_space<hbm>> -> memref<128x128xf32, #tpu.memory_space<hbm>>
        tpu.enqueue_dma source(%dma_start3A_19 : memref<128x128xf32, #tpu.memory_space<hbm>>) target(%arg7 : memref<128x128xf32, #tpu.memory_space<vmem>>) target_semaphore(%run_scoped3A : memref<!tpu.dma_semaphore, #tpu.memory_space<semaphore_mem>>)
        %dma_wait3A = arith.constant 0 : i32
        %dma_wait3A_20 = tpu.memref_slice %arg2[%multiple_of3A, %dma_wait3A] : memref<160000x128xf32, #tpu.memory_space<hbm>> -> memref<128x128xf32, #tpu.memory_space<hbm>>
        %dma_wait3A_21 = arith.constant 0 : i32
        %dma_wait3A_22 = tpu.memref_slice %arg2[%multiple_of3A, %dma_wait3A_21] : memref<160000x128xf32, #tpu.memory_space<hbm>> -> memref<128x128xf32, #tpu.memory_space<hbm>>
        tpu.wait_dma2 semaphore(%run_scoped3A : memref<!tpu.dma_semaphore, #tpu.memory_space<semaphore_mem>>) src(%dma_wait3A_22 : memref<128x128xf32, #tpu.memory_space<hbm>>) dst(%arg7 : memref<128x128xf32, #tpu.memory_space<vmem>>)
        tpu.yield
      }) : () -> ()
      "tpu.region"() ({
        %run_scoped3A = tpu.sem_alloc : memref<!tpu.dma_semaphore, #tpu.memory_space<semaphore_mem>>
        %dma_start3A = arith.constant 0 : i32
        %dma_start3A_17 = arith.constant 0 : i32
        %dma_start3A_18 = tpu.memref_slice %arg8[%dma_start3A, %dma_start3A_17] : memref<10240x128xf32, #tpu.memory_space<vmem_shared>> -> memref<10240x128xf32, #tpu.memory_space<vmem_shared>>
        tpu.enqueue_indirect_dma source(%arg7 : memref<128x128xf32, #tpu.memory_space<vmem>>) target(%dma_start3A_18 : memref<10240x128xf32, #tpu.memory_space<vmem_shared>>) offsets(%arg6 : memref<128xi32, #tpu.memory_space<vmem>>) semaphore(%run_scoped3A : memref<!tpu.dma_semaphore, #tpu.memory_space<semaphore_mem>>) {add = true}
        %dma_wait3A = arith.constant 0 : i32
        %dma_wait3A_19 = arith.constant 0 : i32
        %dma_wait3A_20 = tpu.memref_slice %arg8[%dma_wait3A, %dma_wait3A_19] : memref<10240x128xf32, #tpu.memory_space<vmem_shared>> -> memref<10240x128xf32, #tpu.memory_space<vmem_shared>>
        tpu.wait_indirect_dma semaphore(%run_scoped3A : memref<!tpu.dma_semaphore, #tpu.memory_space<semaphore_mem>>) src(%arg7 : memref<128x128xf32, #tpu.memory_space<vmem>>) dst(%dma_wait3A_20 : memref<10240x128xf32, #tpu.memory_space<vmem_shared>>)
        tpu.yield
      }) : () -> ()
    }
    %scan3A_9 = arith.constant 39 : i32
    %lt3A = arith.constant 2 : i32
    %lt3A_10 = arith.cmpi slt, %add3A, %lt3A : i32
    %convert_element_type3A = arith.extui %lt3A_10 : i1 to i32
    %cond3A = arith.constant 0 : i32
    %cond3A_11 = arith.cmpi ne, %convert_element_type3A, %cond3A : i32
    scf.if %cond3A_11 {
      %mul3A_13 = arith.constant 128 : i32
      %mul3A_14 = arith.muli %add3A, %mul3A_13 : i32
      %add3A_15 = arith.constant 159744 : i32
      %add3A_16 = arith.addi %add3A_15, %mul3A_14 : i32
      %multiple_of3A = tpu.assume_multiple %add3A_16, 128 : i32
      "tpu.region"() ({
        %run_scoped3A = tpu.sem_alloc : memref<!tpu.dma_semaphore, #tpu.memory_space<semaphore_mem>>
        %dma_start3A = tpu.memref_slice %arg3[%multiple_of3A] : memref<160000xi32, #tpu.memory_space<hbm>> -> memref<128xi32, #tpu.memory_space<hbm>>
        %dma_start3A_17 = tpu.memref_slice %arg3[%multiple_of3A] : memref<160000xi32, #tpu.memory_space<hbm>> -> memref<128xi32, #tpu.memory_space<hbm>>
        tpu.enqueue_dma source(%dma_start3A_17 : memref<128xi32, #tpu.memory_space<hbm>>) target(%arg6 : memref<128xi32, #tpu.memory_space<vmem>>) target_semaphore(%run_scoped3A : memref<!tpu.dma_semaphore, #tpu.memory_space<semaphore_mem>>)
        %dma_wait3A = tpu.memref_slice %arg3[%multiple_of3A] : memref<160000xi32, #tpu.memory_space<hbm>> -> memref<128xi32, #tpu.memory_space<hbm>>
        %dma_wait3A_18 = tpu.memref_slice %arg3[%multiple_of3A] : memref<160000xi32, #tpu.memory_space<hbm>> -> memref<128xi32, #tpu.memory_space<hbm>>
        tpu.wait_dma2 semaphore(%run_scoped3A : memref<!tpu.dma_semaphore, #tpu.memory_space<semaphore_mem>>) src(%dma_wait3A_18 : memref<128xi32, #tpu.memory_space<hbm>>) dst(%arg6 : memref<128xi32, #tpu.memory_space<vmem>>)
        tpu.yield
      }) : () -> ()
      "tpu.region"() ({
        %run_scoped3A = tpu.sem_alloc : memref<!tpu.dma_semaphore, #tpu.memory_space<semaphore_mem>>
        %dma_start3A = arith.constant 0 : i32
        %dma_start3A_17 = tpu.memref_slice %arg2[%multiple_of3A, %dma_start3A] : memref<160000x128xf32, #tpu.memory_space<hbm>> -> memref<128x128xf32, #tpu.memory_space<hbm>>
        %dma_start3A_18 = arith.constant 0 : i32
        %dma_start3A_19 = tpu.memref_slice %arg2[%multiple_of3A, %dma_start3A_18] : memref<160000x128xf32, #tpu.memory_space<hbm>> -> memref<128x128xf32, #tpu.memory_space<hbm>>
        tpu.enqueue_dma source(%dma_start3A_19 : memref<128x128xf32, #tpu.memory_space<hbm>>) target(%arg7 : memref<128x128xf32, #tpu.memory_space<vmem>>) target_semaphore(%run_scoped3A : memref<!tpu.dma_semaphore, #tpu.memory_space<semaphore_mem>>)
        %dma_wait3A = arith.constant 0 : i32
        %dma_wait3A_20 = tpu.memref_slice %arg2[%multiple_of3A, %dma_wait3A] : memref<160000x128xf32, #tpu.memory_space<hbm>> -> memref<128x128xf32, #tpu.memory_space<hbm>>
        %dma_wait3A_21 = arith.constant 0 : i32
        %dma_wait3A_22 = tpu.memref_slice %arg2[%multiple_of3A, %dma_wait3A_21] : memref<160000x128xf32, #tpu.memory_space<hbm>> -> memref<128x128xf32, #tpu.memory_space<hbm>>
        tpu.wait_dma2 semaphore(%run_scoped3A : memref<!tpu.dma_semaphore, #tpu.memory_space<semaphore_mem>>) src(%dma_wait3A_22 : memref<128x128xf32, #tpu.memory_space<hbm>>) dst(%arg7 : memref<128x128xf32, #tpu.memory_space<vmem>>)
        tpu.yield
      }) : () -> ()
      "tpu.region"() ({
        %run_scoped3A = tpu.sem_alloc : memref<!tpu.dma_semaphore, #tpu.memory_space<semaphore_mem>>
        %dma_start3A = arith.constant 0 : i32
        %dma_start3A_17 = arith.constant 0 : i32
        %dma_start3A_18 = tpu.memref_slice %arg8[%dma_start3A, %dma_start3A_17] : memref<10240x128xf32, #tpu.memory_space<vmem_shared>> -> memref<10240x128xf32, #tpu.memory_space<vmem_shared>>
        tpu.enqueue_indirect_dma source(%arg7 : memref<128x128xf32, #tpu.memory_space<vmem>>) target(%dma_start3A_18 : memref<10240x128xf32, #tpu.memory_space<vmem_shared>>) offsets(%arg6 : memref<128xi32, #tpu.memory_space<vmem>>) semaphore(%run_scoped3A : memref<!tpu.dma_semaphore, #tpu.memory_space<semaphore_mem>>) {add = true}
        %dma_wait3A = arith.constant 0 : i32
        %dma_wait3A_19 = arith.constant 0 : i32
        %dma_wait3A_20 = tpu.memref_slice %arg8[%dma_wait3A, %dma_wait3A_19] : memref<10240x128xf32, #tpu.memory_space<vmem_shared>> -> memref<10240x128xf32, #tpu.memory_space<vmem_shared>>
        tpu.wait_indirect_dma semaphore(%run_scoped3A : memref<!tpu.dma_semaphore, #tpu.memory_space<semaphore_mem>>) src(%arg7 : memref<128x128xf32, #tpu.memory_space<vmem>>) dst(%dma_wait3A_20 : memref<10240x128xf32, #tpu.memory_space<vmem_shared>>)
        tpu.yield
      }) : () -> ()
    } else {
    }
    %barrier3A_12 = arith.constant 0 : index
    tpu.barrier barrier_id(%barrier3A_12)
    "tpu.region"() ({
      %run_scoped3A = tpu.sem_alloc : memref<!tpu.dma_semaphore, #tpu.memory_space<semaphore_mem>>
      %dma_start3A = arith.constant 0 : i32
      %dma_start3A_13 = tpu.memref_slice %arg5[%arg0, %mul3A_2, %dma_start3A] : memref<2x10240x128xf32, #tpu.memory_space<hbm>> -> memref<1x640x128xf32, #tpu.memory_space<hbm>>
      %dma_start3A_14 = tpu.memref_squeeze %dma_start3A_13 : memref<1x640x128xf32, #tpu.memory_space<hbm>> -> memref<640x128xf32, #tpu.memory_space<hbm>>
      %dma_start3A_15 = arith.constant 0 : i32
      %dma_start3A_16 = tpu.memref_slice %arg8[%mul3A_2, %dma_start3A_15] : memref<10240x128xf32, #tpu.memory_space<vmem_shared>> -> memref<640x128xf32, #tpu.memory_space<vmem_shared>>
      tpu.enqueue_dma source(%dma_start3A_16 : memref<640x128xf32, #tpu.memory_space<vmem_shared>>) target(%dma_start3A_14 : memref<640x128xf32, #tpu.memory_space<hbm>>) target_semaphore(%run_scoped3A : memref<!tpu.dma_semaphore, #tpu.memory_space<semaphore_mem>>)
      %dma_wait3A = arith.constant 0 : i32
      %dma_wait3A_17 = tpu.memref_slice %arg5[%arg0, %mul3A_2, %dma_wait3A] : memref<2x10240x128xf32, #tpu.memory_space<hbm>> -> memref<1x640x128xf32, #tpu.memory_space<hbm>>
      %dma_wait3A_18 = tpu.memref_squeeze %dma_wait3A_17 : memref<1x640x128xf32, #tpu.memory_space<hbm>> -> memref<640x128xf32, #tpu.memory_space<hbm>>
      %dma_wait3A_19 = arith.constant 0 : i32
      %dma_wait3A_20 = tpu.memref_slice %arg8[%mul3A_2, %dma_wait3A_19] : memref<10240x128xf32, #tpu.memory_space<vmem_shared>> -> memref<640x128xf32, #tpu.memory_space<vmem_shared>>
      tpu.wait_dma2 semaphore(%run_scoped3A : memref<!tpu.dma_semaphore, #tpu.memory_space<semaphore_mem>>) src(%dma_wait3A_20 : memref<640x128xf32, #tpu.memory_space<vmem_shared>>) dst(%dma_wait3A_18 : memref<640x128xf32, #tpu.memory_space<hbm>>)
      tpu.yield
    }) : () -> ()
    return
  }
}

#map = affine_map<(d0, d1) -> (0, 0)>
#map1 = affine_map<(d0, d1) -> (0)>
#map2 = affine_map<(d0, d1) -> (0, 0, 0)>
module attributes {stable_mosaic.version = 14 : i64} {
  func.func @scatter(%arg0: i32, %arg1: i32, %arg2: memref<160000x128xf32, #tpu.memory_space<hbm>>, %arg3: memref<160000xi32, #tpu.memory_space<hbm>>, %arg4: memref<10240x128xf32, #tpu.memory_space<hbm>>, %arg5: memref<2x10240x128xf32, #tpu.memory_space<hbm>>, %arg6: memref<128xi32, #tpu.memory_space<vmem>>, %arg7: memref<128x128xf32, #tpu.memory_space<vmem>>, %arg8: memref<10240x128xf32, #tpu.memory_space<vmem_shared>>) attributes {dimension_semantics = [#tpu.dimension_semantics<core_parallel>, #tpu.dimension_semantics<subcore_parallel>], iteration_bounds = array<i64: 2, 16>, scalar_prefetch = 0 : i64, scratch_operands = 3 : i64, tpu.core_type = #tpu.core_type<sc_vector_subcore>, window_params = [{transform_indices = #map}, {transform_indices = #map1}, {transform_indices = #map}, {transform_indices = #map2}]} {
    %mul3A = arith.constant 2 : i32
    %mul3A_0 = arith.muli %arg1, %mul3A : i32
    %add3A = arith.addi %mul3A_0, %arg0 : i32
    %mul3A_1 = arith.constant 640 : i32
    %mul3A_2 = arith.muli %arg1, %mul3A_1 : i32
    "tpu.region"() ({
      %run_scoped3A = tpu.sem_alloc : memref<!tpu.dma_semaphore, #tpu.memory_space<semaphore_mem>>
      %dma_start3A = arith.constant 0 : i32
      %dma_start3A_13 = tpu.memref_slice %arg8[%mul3A_2, %dma_start3A] : memref<10240x128xf32, #tpu.memory_space<vmem_shared>> -> memref<640x128xf32, #tpu.memory_space<vmem_shared>>
      %dma_start3A_14 = arith.constant 0 : i32
      %dma_start3A_15 = tpu.memref_slice %arg4[%mul3A_2, %dma_start3A_14] : memref<10240x128xf32, #tpu.memory_space<hbm>> -> memref<640x128xf32, #tpu.memory_space<hbm>>
      tpu.enqueue_dma source(%dma_start3A_15 : memref<640x128xf32, #tpu.memory_space<hbm>>) target(%dma_start3A_13 : memref<640x128xf32, #tpu.memory_space<vmem_shared>>) target_semaphore(%run_scoped3A : memref<!tpu.dma_semaphore, #tpu.memory_space<semaphore_mem>>)
      %dma_wait3A = arith.constant 0 : i32
      %dma_wait3A_16 = tpu.memref_slice %arg8[%mul3A_2, %dma_wait3A] : memref<10240x128xf32, #tpu.memory_space<vmem_shared>> -> memref<640x128xf32, #tpu.memory_space<vmem_shared>>
      %dma_wait3A_17 = arith.constant 0 : i32
      %dma_wait3A_18 = tpu.memref_slice %arg4[%mul3A_2, %dma_wait3A_17] : memref<10240x128xf32, #tpu.memory_space<hbm>> -> memref<640x128xf32, #tpu.memory_space<hbm>>
      tpu.wait_dma2 semaphore(%run_scoped3A : memref<!tpu.dma_semaphore, #tpu.memory_space<semaphore_mem>>) src(%dma_wait3A_18 : memref<640x128xf32, #tpu.memory_space<hbm>>) dst(%dma_wait3A_16 : memref<640x128xf32, #tpu.memory_space<vmem_shared>>)
      tpu.yield
    }) : () -> ()
    %barrier3A = arith.constant 0 : index
    tpu.barrier barrier_id(%barrier3A)
    %mul3A_3 = arith.constant 4992 : i32
    %mul3A_4 = arith.muli %add3A, %mul3A_3 : i32
    %scan3A = arith.constant 0 : i32
    %scan3A_5 = arith.constant 0 : i32
    %scan3A_6 = arith.constant 39 : i32
    %scan3A_7 = arith.addi %scan3A_5, %scan3A_6 : i32
    %scan3A_8 = arith.constant 1 : i32
    scf.for %scan3A_13 = %scan3A_5 to %scan3A_7 step %scan3A_8  : i32 {
      %mul3A_14 = arith.constant 128 : i32
      %mul3A_15 = arith.muli %scan3A_13, %mul3A_14 : i32
      %add3A_16 = arith.addi %mul3A_4, %mul3A_15 : i32
      %multiple_of3A = tpu.assume_multiple %add3A_16, 128 : i32
      "tpu.region"() ({
        %run_scoped3A = tpu.sem_alloc : memref<!tpu.dma_semaphore, #tpu.memory_space<semaphore_mem>>
        %dma_start3A = tpu.memref_slice %arg3[%multiple_of3A] : memref<160000xi32, #tpu.memory_space<hbm>> -> memref<128xi32, #tpu.memory_space<hbm>>
        %dma_start3A_17 = tpu.memref_slice %arg3[%multiple_of3A] : memref<160000xi32, #tpu.memory_space<hbm>> -> memref<128xi32, #tpu.memory_space<hbm>>
        tpu.enqueue_dma source(%dma_start3A_17 : memref<128xi32, #tpu.memory_space<hbm>>) target(%arg6 : memref<128xi32, #tpu.memory_space<vmem>>) target_semaphore(%run_scoped3A : memref<!tpu.dma_semaphore, #tpu.memory_space<semaphore_mem>>)
        %dma_wait3A = tpu.memref_slice %arg3[%multiple_of3A] : memref<160000xi32, #tpu.memory_space<hbm>> -> memref<128xi32, #tpu.memory_space<hbm>>
        %dma_wait3A_18 = tpu.memref_slice %arg3[%multiple_of3A] : memref<160000xi32, #tpu.memory_space<hbm>> -> memref<128xi32, #tpu.memory_space<hbm>>
        tpu.wait_dma2 semaphore(%run_scoped3A : memref<!tpu.dma_semaphore, #tpu.memory_space<semaphore_mem>>) src(%dma_wait3A_18 : memref<128xi32, #tpu.memory_space<hbm>>) dst(%arg6 : memref<128xi32, #tpu.memory_space<vmem>>)
        tpu.yield
      }) : () -> ()
      "tpu.region"() ({
        %run_scoped3A = tpu.sem_alloc : memref<!tpu.dma_semaphore, #tpu.memory_space<semaphore_mem>>
        %dma_start3A = arith.constant 0 : i32
        %dma_start3A_17 = tpu.memref_slice %arg2[%multiple_of3A, %dma_start3A] : memref<160000x128xf32, #tpu.memory_space<hbm>> -> memref<128x128xf32, #tpu.memory_space<hbm>>
        %dma_start3A_18 = arith.constant 0 : i32
        %dma_start3A_19 = tpu.memref_slice %arg2[%multiple_of3A, %dma_start3A_18] : memref<160000x128xf32, #tpu.memory_space<hbm>> -> memref<128x128xf32, #tpu.memory_space<hbm>>
        tpu.enqueue_dma source(%dma_start3A_19 : memref<128x128xf32, #tpu.memory_space<hbm>>) target(%arg7 : memref<128x128xf32, #tpu.memory_space<vmem>>) target_semaphore(%run_scoped3A : memref<!tpu.dma_semaphore, #tpu.memory_space<semaphore_mem>>)
        %dma_wait3A = arith.constant 0 : i32
        %dma_wait3A_20 = tpu.memref_slice %arg2[%multiple_of3A, %dma_wait3A] : memref<160000x128xf32, #tpu.memory_space<hbm>> -> memref<128x128xf32, #tpu.memory_space<hbm>>
        %dma_wait3A_21 = arith.constant 0 : i32
        %dma_wait3A_22 = tpu.memref_slice %arg2[%multiple_of3A, %dma_wait3A_21] : memref<160000x128xf32, #tpu.memory_space<hbm>> -> memref<128x128xf32, #tpu.memory_space<hbm>>
        tpu.wait_dma2 semaphore(%run_scoped3A : memref<!tpu.dma_semaphore, #tpu.memory_space<semaphore_mem>>) src(%dma_wait3A_22 : memref<128x128xf32, #tpu.memory_space<hbm>>) dst(%arg7 : memref<128x128xf32, #tpu.memory_space<vmem>>)
        tpu.yield
      }) : () -> ()
      "tpu.region"() ({
        %run_scoped3A = tpu.sem_alloc : memref<!tpu.dma_semaphore, #tpu.memory_space<semaphore_mem>>
        %dma_start3A = arith.constant 0 : i32
        %dma_start3A_17 = arith.constant 0 : i32
        %dma_start3A_18 = tpu.memref_slice %arg8[%dma_start3A, %dma_start3A_17] : memref<10240x128xf32, #tpu.memory_space<vmem_shared>> -> memref<10240x128xf32, #tpu.memory_space<vmem_shared>>
        tpu.enqueue_indirect_dma source(%arg7 : memref<128x128xf32, #tpu.memory_space<vmem>>) target(%dma_start3A_18 : memref<10240x128xf32, #tpu.memory_space<vmem_shared>>) offsets(%arg6 : memref<128xi32, #tpu.memory_space<vmem>>) semaphore(%run_scoped3A : memref<!tpu.dma_semaphore, #tpu.memory_space<semaphore_mem>>) {add = true}
        %dma_wait3A = arith.constant 0 : i32
        %dma_wait3A_19 = arith.constant 0 : i32
        %dma_wait3A_20 = tpu.memref_slice %arg8[%dma_wait3A, %dma_wait3A_19] : memref<10240x128xf32, #tpu.memory_space<vmem_shared>> -> memref<10240x128xf32, #tpu.memory_space<vmem_shared>>
        tpu.wait_indirect_dma semaphore(%run_scoped3A : memref<!tpu.dma_semaphore, #tpu.memory_space<semaphore_mem>>) src(%arg7 : memref<128x128xf32, #tpu.memory_space<vmem>>) dst(%dma_wait3A_20 : memref<10240x128xf32, #tpu.memory_space<vmem_shared>>)
        tpu.yield
      }) : () -> ()
    }
    %scan3A_9 = arith.constant 39 : i32
    %lt3A = arith.constant 2 : i32
    %lt3A_10 = arith.cmpi slt, %add3A, %lt3A : i32
    %convert_element_type3A = arith.extui %lt3A_10 : i1 to i32
    %cond3A = arith.constant 0 : i32
    %cond3A_11 = arith.cmpi ne, %convert_element_type3A, %cond3A : i32
    scf.if %cond3A_11 {
      %mul3A_13 = arith.constant 128 : i32
      %mul3A_14 = arith.muli %add3A, %mul3A_13 : i32
      %add3A_15 = arith.constant 159744 : i32
      %add3A_16 = arith.addi %add3A_15, %mul3A_14 : i32
      %multiple_of3A = tpu.assume_multiple %add3A_16, 128 : i32
      "tpu.region"() ({
        %run_scoped3A = tpu.sem_alloc : memref<!tpu.dma_semaphore, #tpu.memory_space<semaphore_mem>>
        %dma_start3A = tpu.memref_slice %arg3[%multiple_of3A] : memref<160000xi32, #tpu.memory_space<hbm>> -> memref<128xi32, #tpu.memory_space<hbm>>
        %dma_start3A_17 = tpu.memref_slice %arg3[%multiple_of3A] : memref<160000xi32, #tpu.memory_space<hbm>> -> memref<128xi32, #tpu.memory_space<hbm>>
        tpu.enqueue_dma source(%dma_start3A_17 : memref<128xi32, #tpu.memory_space<hbm>>) target(%arg6 : memref<128xi32, #tpu.memory_space<vmem>>) target_semaphore(%run_scoped3A : memref<!tpu.dma_semaphore, #tpu.memory_space<semaphore_mem>>)
        %dma_wait3A = tpu.memref_slice %arg3[%multiple_of3A] : memref<160000xi32, #tpu.memory_space<hbm>> -> memref<128xi32, #tpu.memory_space<hbm>>
        %dma_wait3A_18 = tpu.memref_slice %arg3[%multiple_of3A] : memref<160000xi32, #tpu.memory_space<hbm>> -> memref<128xi32, #tpu.memory_space<hbm>>
        tpu.wait_dma2 semaphore(%run_scoped3A : memref<!tpu.dma_semaphore, #tpu.memory_space<semaphore_mem>>) src(%dma_wait3A_18 : memref<128xi32, #tpu.memory_space<hbm>>) dst(%arg6 : memref<128xi32, #tpu.memory_space<vmem>>)
        tpu.yield
      }) : () -> ()
      "tpu.region"() ({
        %run_scoped3A = tpu.sem_alloc : memref<!tpu.dma_semaphore, #tpu.memory_space<semaphore_mem>>
        %dma_start3A = arith.constant 0 : i32
        %dma_start3A_17 = tpu.memref_slice %arg2[%multiple_of3A, %dma_start3A] : memref<160000x128xf32, #tpu.memory_space<hbm>> -> memref<128x128xf32, #tpu.memory_space<hbm>>
        %dma_start3A_18 = arith.constant 0 : i32
        %dma_start3A_19 = tpu.memref_slice %arg2[%multiple_of3A, %dma_start3A_18] : memref<160000x128xf32, #tpu.memory_space<hbm>> -> memref<128x128xf32, #tpu.memory_space<hbm>>
        tpu.enqueue_dma source(%dma_start3A_19 : memref<128x128xf32, #tpu.memory_space<hbm>>) target(%arg7 : memref<128x128xf32, #tpu.memory_space<vmem>>) target_semaphore(%run_scoped3A : memref<!tpu.dma_semaphore, #tpu.memory_space<semaphore_mem>>)
        %dma_wait3A = arith.constant 0 : i32
        %dma_wait3A_20 = tpu.memref_slice %arg2[%multiple_of3A, %dma_wait3A] : memref<160000x128xf32, #tpu.memory_space<hbm>> -> memref<128x128xf32, #tpu.memory_space<hbm>>
        %dma_wait3A_21 = arith.constant 0 : i32
        %dma_wait3A_22 = tpu.memref_slice %arg2[%multiple_of3A, %dma_wait3A_21] : memref<160000x128xf32, #tpu.memory_space<hbm>> -> memref<128x128xf32, #tpu.memory_space<hbm>>
        tpu.wait_dma2 semaphore(%run_scoped3A : memref<!tpu.dma_semaphore, #tpu.memory_space<semaphore_mem>>) src(%dma_wait3A_22 : memref<128x128xf32, #tpu.memory_space<hbm>>) dst(%arg7 : memref<128x128xf32, #tpu.memory_space<vmem>>)
        tpu.yield
      }) : () -> ()
      "tpu.region"() ({
        %run_scoped3A = tpu.sem_alloc : memref<!tpu.dma_semaphore, #tpu.memory_space<semaphore_mem>>
        %dma_start3A = arith.constant 0 : i32
        %dma_start3A_17 = arith.constant 0 : i32
        %dma_start3A_18 = tpu.memref_slice %arg8[%dma_start3A, %dma_start3A_17] : memref<10240x128xf32, #tpu.memory_space<vmem_shared>> -> memref<10240x128xf32, #tpu.memory_space<vmem_shared>>
        tpu.enqueue_indirect_dma source(%arg7 : memref<128x128xf32, #tpu.memory_space<vmem>>) target(%dma_start3A_18 : memref<10240x128xf32, #tpu.memory_space<vmem_shared>>) offsets(%arg6 : memref<128xi32, #tpu.memory_space<vmem>>) semaphore(%run_scoped3A : memref<!tpu.dma_semaphore, #tpu.memory_space<semaphore_mem>>) {add = true}
        %dma_wait3A = arith.constant 0 : i32
        %dma_wait3A_19 = arith.constant 0 : i32
        %dma_wait3A_20 = tpu.memref_slice %arg8[%dma_wait3A, %dma_wait3A_19] : memref<10240x128xf32, #tpu.memory_space<vmem_shared>> -> memref<10240x128xf32, #tpu.memory_space<vmem_shared>>
        tpu.wait_indirect_dma semaphore(%run_scoped3A : memref<!tpu.dma_semaphore, #tpu.memory_space<semaphore_mem>>) src(%arg7 : memref<128x128xf32, #tpu.memory_space<vmem>>) dst(%dma_wait3A_20 : memref<10240x128xf32, #tpu.memory_space<vmem_shared>>)
        tpu.yield
      }) : () -> ()
    } else {
    }
    %barrier3A_12 = arith.constant 0 : index
    tpu.barrier barrier_id(%barrier3A_12)
    "tpu.region"() ({
      %run_scoped3A = tpu.sem_alloc : memref<!tpu.dma_semaphore, #tpu.memory_space<semaphore_mem>>
      %dma_start3A = arith.constant 0 : i32
      %dma_start3A_13 = tpu.memref_slice %arg5[%arg0, %mul3A_2, %dma_start3A] : memref<2x10240x128xf32, #tpu.memory_space<hbm>> -> memref<1x640x128xf32, #tpu.memory_space<hbm>>
      %dma_start3A_14 = tpu.memref_squeeze %dma_start3A_13 : memref<1x640x128xf32, #tpu.memory_space<hbm>> -> memref<640x128xf32, #tpu.memory_space<hbm>>
      %dma_start3A_15 = arith.constant 0 : i32
      %dma_start3A_16 = tpu.memref_slice %arg8[%mul3A_2, %dma_start3A_15] : memref<10240x128xf32, #tpu.memory_space<vmem_shared>> -> memref<640x128xf32, #tpu.memory_space<vmem_shared>>
      tpu.enqueue_dma source(%dma_start3A_16 : memref<640x128xf32, #tpu.memory_space<vmem_shared>>) target(%dma_start3A_14 : memref<640x128xf32, #tpu.memory_space<hbm>>) target_semaphore(%run_scoped3A : memref<!tpu.dma_semaphore, #tpu.memory_space<semaphore_mem>>)
      %dma_wait3A = arith.constant 0 : i32
      %dma_wait3A_17 = tpu.memref_slice %arg5[%arg0, %mul3A_2, %dma_wait3A] : memref<2x10240x128xf32, #tpu.memory_space<hbm>> -> memref<1x640x128xf32, #tpu.memory_space<hbm>>
      %dma_wait3A_18 = tpu.memref_squeeze %dma_wait3A_17 : memref<1x640x128xf32, #tpu.memory_space<hbm>> -> memref<640x128xf32, #tpu.memory_space<hbm>>
      %dma_wait3A_19 = arith.constant 0 : i32
      %dma_wait3A_20 = tpu.memref_slice %arg8[%mul3A_2, %dma_wait3A_19] : memref<10240x128xf32, #tpu.memory_space<vmem_shared>> -> memref<640x128xf32, #tpu.memory_space<vmem_shared>>
      tpu.wait_dma2 semaphore(%run_scoped3A : memref<!tpu.dma_semaphore, #tpu.memory_space<semaphore_mem>>) src(%dma_wait3A_20 : memref<640x128xf32, #tpu.memory_space<vmem_shared>>) dst(%dma_wait3A_18 : memref<640x128xf32, #tpu.memory_space<hbm>>)
      tpu.yield
    }) : () -> ()
    return
  }
}

module attributes {stable_mosaic.version = 14 : i64} {
  func.func @body(%arg0: i32, %arg1: memref<2x400x128xf32, #tpu.memory_space<vmem>>, %arg2: memref<400x16xf32, #tpu.memory_space<vmem>>, %arg3: memref<5x32xf32, #tpu.memory_space<vmem>>, %arg4: memref<32xf32, #tpu.memory_space<vmem>>, %arg5: memref<400x128xf32, #tpu.memory_space<vmem>>) attributes {dimension_semantics = [#tpu.dimension_semantics<arbitrary>], iteration_bounds = array<i64: 25>, scalar_prefetch = 0 : i64, scratch_operands = 0 : i64, tpu.core_type = #tpu.core_type<tc>, window_params = [{transform_indices = @transform_0, window_bounds = array<i64: 2, 400, 128>}, {transform_indices = @transform_1, window_bounds = array<i64: 400, 16>}, {pipeline_mode = #tpu.pipeline_mode<synchronous>, transform_indices = @transform_2, window_bounds = array<i64: 5, 32>}, {pipeline_mode = #tpu.pipeline_mode<synchronous>, transform_indices = @transform_3, window_bounds = array<i64: 32>}, {transform_indices = @transform_4, window_bounds = array<i64: 400, 128>}]} {
    %get3A = arith.constant 0 : index
    %get3A_0 = arith.constant 0 : index
    %get3A_1 = vector.load %arg2[%get3A, %get3A_0] : memref<400x16xf32, #tpu.memory_space<vmem>>, vector<400x16xf32>
    %slice3A = vector.extract_strided_slice %get3A_1 {offsets = [0, 0], sizes = [400, 5], strides = [1, 1]} : vector<400x16xf32> to vector<400x5xf32>
    %get3A_2 = arith.constant 0 : index
    %get3A_3 = arith.constant 0 : index
    %get3A_4 = arith.constant 0 : index
    %get3A_5 = vector.load %arg1[%get3A_2, %get3A_3, %get3A_4] : memref<2x400x128xf32, #tpu.memory_space<vmem>>, vector<1x400x128xf32>
    %get3A_6 = vector.shape_cast %get3A_5 : vector<1x400x128xf32> to vector<400x128xf32>
    %slice3A_7 = vector.extract_strided_slice %get3A_6 {offsets = [0, 0], sizes = [400, 32], strides = [1, 1]} : vector<400x128xf32> to vector<400x32xf32>
    %get3A_8 = arith.constant 1 : index
    %get3A_9 = arith.constant 0 : index
    %get3A_10 = arith.constant 0 : index
    %get3A_11 = vector.load %arg1[%get3A_8, %get3A_9, %get3A_10] : memref<2x400x128xf32, #tpu.memory_space<vmem>>, vector<1x400x128xf32>
    %get3A_12 = vector.shape_cast %get3A_11 : vector<1x400x128xf32> to vector<400x128xf32>
    %slice3A_13 = vector.extract_strided_slice %get3A_12 {offsets = [0, 0], sizes = [400, 32], strides = [1, 1]} : vector<400x128xf32> to vector<400x32xf32>
    %add3A = arith.addf %slice3A_7, %slice3A_13 : vector<400x32xf32>
    %get3A_14 = arith.constant 0 : index
    %get3A_15 = arith.constant 0 : index
    %get3A_16 = vector.load %arg3[%get3A_14, %get3A_15] : memref<5x32xf32, #tpu.memory_space<vmem>>, vector<5x32xf32>
    %dot_general3A = arith.constant dense<0.000000e+00> : vector<400x32xf32>
    %dot_general3A_17 = tpu.matmul %slice3A, %get3A_16, %dot_general3A {dimension_numbers = #tpu.dot_dimension_numbers<[1], [0], [0], [1], [0, 0, 1, 1], [], []>, transpose_lhs_hint = false} : vector<400x5xf32>, vector<5x32xf32>, vector<400x32xf32> -> vector<400x32xf32>
    %add3A_18 = arith.addf %add3A, %dot_general3A_17 : vector<400x32xf32>
    %get3A_19 = arith.constant 0 : index
    %get3A_20 = vector.load %arg4[%get3A_19] : memref<32xf32, #tpu.memory_space<vmem>>, vector<32xf32>
    %broadcast_in_dim3A = vector.shape_cast %get3A_20 : vector<32xf32> to vector<1x32xf32>
    %add3A_21 = vector.broadcast %broadcast_in_dim3A : vector<1x32xf32> to vector<400x32xf32>
    %add3A_22 = arith.addf %add3A_18, %add3A_21 : vector<400x32xf32>
    %broadcast_in_dim3A_23 = arith.constant 0.000000e+00 : f32
    %broadcast_in_dim3A_24 = vector.broadcast %broadcast_in_dim3A_23 : f32 to vector<400x128xf32>
    %swap3A = arith.constant 0 : index
    %swap3A_25 = arith.constant 0 : index
    %swap3A_26 = vector.load %arg5[%swap3A, %swap3A_25] : memref<400x128xf32, #tpu.memory_space<vmem>>, vector<400x128xf32>
    tpu.vector_store %arg5[%swap3A, %swap3A_25], %broadcast_in_dim3A_24 {strides = array<i32>} : memref<400x128xf32, #tpu.memory_space<vmem>>, vector<400x128xf32>,
    %gt3A = arith.constant 0.000000e+00 : f32
    %gt3A_27 = vector.broadcast %gt3A : f32 to vector<400x32xf32>
    %gt3A_28 = arith.cmpf ogt, %add3A_22, %gt3A_27 : vector<400x32xf32>
    %min3A = arith.constant 0.000000e+00 : f32
    %min3A_29 = vector.broadcast %min3A : f32 to vector<400x32xf32>
    %min3A_30 = arith.minimumf %add3A_22, %min3A_29 : vector<400x32xf32>
    %exp3A = math.exp %min3A_30 : vector<400x32xf32>
    %sub3A = arith.constant 1.000000e+00 : f32
    %sub3A_31 = vector.broadcast %sub3A : f32 to vector<400x32xf32>
    %sub3A_32 = arith.subf %exp3A, %sub3A_31 : vector<400x32xf32>
    %select_n3A = arith.select %gt3A_28, %add3A_22, %sub3A_32 : vector<400x32xi1>, vector<400x32xf32>
    %swap3A_33 = arith.constant 0 : index
    %swap3A_34 = arith.constant 0 : index
    %swap3A_35 = vector.load %arg5[%swap3A_33, %swap3A_34] : memref<400x128xf32, #tpu.memory_space<vmem>>, vector<400x32xf32>
    tpu.vector_store %arg5[%swap3A_33, %swap3A_34], %select_n3A {strides = array<i32>} : memref<400x128xf32, #tpu.memory_space<vmem>>, vector<400x32xf32>,
    return
  }
  func.func @transform_0(%arg0: i32) -> (i32, i32, i32) {
    %c0_i32 = arith.constant 0 : i32
    %c0_i32_0 = arith.constant 0 : i32
    %c0_i32_1 = arith.constant 0 : i32
    return %c0_i32, %arg0, %c0_i32_0 : i32, i32, i32
  }
  func.func @transform_1(%arg0: i32) -> (i32, i32) {
    %c0_i32 = arith.constant 0 : i32
    %c0_i32_0 = arith.constant 0 : i32
    return %arg0, %c0_i32 : i32, i32
  }
  func.func @transform_2(%arg0: i32) -> (i32, i32) {
    %c0_i32 = arith.constant 0 : i32
    %c0_i32_0 = arith.constant 0 : i32
    %c0_i32_1 = arith.constant 0 : i32
    return %c0_i32, %c0_i32_0 : i32, i32
  }
  func.func @transform_3(%arg0: i32) -> i32 {
    %c0_i32 = arith.constant 0 : i32
    %c0_i32_0 = arith.constant 0 : i32
    return %c0_i32 : i32
  }
  func.func @transform_4(%arg0: i32) -> (i32, i32) {
    %c0_i32 = arith.constant 0 : i32
    %c0_i32_0 = arith.constant 0 : i32
    return %arg0, %c0_i32 : i32, i32
  }
}

module attributes {stable_mosaic.version = 14 : i64} {
  func.func @body(%arg0: i32, %arg1: memref<5x1280xf32, #tpu.memory_space<vmem>>, %arg2: memref<1280x128xf32, #tpu.memory_space<vmem>>, %arg3: memref<128x5xf32, #tpu.memory_space<vmem>>, %arg4: memref<128x1xf32, #tpu.memory_space<vmem>>, %arg5: memref<160x128xf32, #tpu.memory_space<vmem>>, %arg6: memref<32x5xf32, #tpu.memory_space<vmem>>, %arg7: memref<1280x128xf32, #tpu.memory_space<vmem>>) attributes {dimension_semantics = [#tpu.dimension_semantics<arbitrary>], iteration_bounds = array<i64: 125>, scalar_prefetch = 0 : i64, scratch_operands = 0 : i64, tpu.core_type = #tpu.core_type<tc>, window_params = [{transform_indices = @transform_0, window_bounds = array<i64: 5, 1280>}, {transform_indices = @transform_1, window_bounds = array<i64: 1280, 128>}, {pipeline_mode = #tpu.pipeline_mode<synchronous>, transform_indices = @transform_2, window_bounds = array<i64: 128, 5>}, {pipeline_mode = #tpu.pipeline_mode<synchronous>, transform_indices = @transform_3, window_bounds = array<i64: 128, 1>}, {pipeline_mode = #tpu.pipeline_mode<synchronous>, transform_indices = @transform_4, window_bounds = array<i64: 160, 128>}, {pipeline_mode = #tpu.pipeline_mode<synchronous>, transform_indices = @transform_5, window_bounds = array<i64: 32, 5>}, {transform_indices = @transform_6, window_bounds = array<i64: 1280, 128>}]} {
    %get3A = arith.constant 0 : index
    %get3A_0 = arith.constant 0 : index
    %get3A_1 = vector.load %arg3[%get3A, %get3A_0] : memref<128x5xf32, #tpu.memory_space<vmem>>, vector<128x5xf32>
    %get3A_2 = arith.constant 0 : index
    %get3A_3 = arith.constant 0 : index
    %get3A_4 = vector.load %arg1[%get3A_2, %get3A_3] : memref<5x1280xf32, #tpu.memory_space<vmem>>, vector<5x1280xf32>
    %dot_general3A = arith.constant dense<0.000000e+00> : vector<128x1280xf32>
    %dot_general3A_5 = tpu.matmul %get3A_1, %get3A_4, %dot_general3A {dimension_numbers = #tpu.dot_dimension_numbers<[1], [0], [0], [1], [0, 0, 1, 1], [], []>, transpose_lhs_hint = false} : vector<128x5xf32>, vector<5x1280xf32>, vector<128x1280xf32> -> vector<128x1280xf32>
    %get3A_6 = arith.constant 0 : index
    %get3A_7 = arith.constant 0 : index
    %get3A_8 = vector.load %arg4[%get3A_6, %get3A_7] : memref<128x1xf32, #tpu.memory_space<vmem>>, vector<128x1xf32>
    %add3A = vector.broadcast %get3A_8 : vector<128x1xf32> to vector<128x1280xf32>
    %add3A_9 = arith.addf %dot_general3A_5, %add3A : vector<128x1280xf32>
    %max3A = arith.constant 0.000000e+00 : f32
    %max3A_10 = vector.broadcast %max3A : f32 to vector<128x1280xf32>
    %max3A_11 = arith.maximumf %add3A_9, %max3A_10 : vector<128x1280xf32>
    %get3A_12 = arith.constant 0 : index
    %get3A_13 = arith.constant 0 : index
    %get3A_14 = vector.load %arg2[%get3A_12, %get3A_13] : memref<1280x128xf32, #tpu.memory_space<vmem>>, vector<1280x128xf32>
    %transpose3A = tpu.transpose %get3A_14, [1, 0] : vector<1280x128xf32> -> vector<128x1280xf32>
    %get3A_15 = arith.constant 0 : index
    %get3A_16 = arith.constant 0 : index
    %get3A_17 = vector.load %arg6[%get3A_15, %get3A_16] : memref<32x5xf32, #tpu.memory_space<vmem>>, vector<32x5xf32>
    %slice3A = vector.extract_strided_slice %transpose3A {offsets = [0, 0], sizes = [5, 1280], strides = [1, 1]} : vector<128x1280xf32> to vector<5x1280xf32>
    %dot_general3A_18 = arith.constant dense<0.000000e+00> : vector<32x1280xf32>
    %dot_general3A_19 = tpu.matmul %get3A_17, %slice3A, %dot_general3A_18 {dimension_numbers = #tpu.dot_dimension_numbers<[1], [0], [0], [1], [0, 0, 1, 1], [], []>, precision = #tpu.contract_precision<fp32>, transpose_lhs_hint = false} : vector<32x5xf32>, vector<5x1280xf32>, vector<32x1280xf32> -> vector<32x1280xf32>
    %get3A_20 = arith.constant 0 : index
    %get3A_21 = arith.constant 0 : index
    %get3A_22 = vector.load %arg5[%get3A_20, %get3A_21] : memref<160x128xf32, #tpu.memory_space<vmem>>, vector<160x128xf32>
    %dot_general3A_23 = arith.constant dense<0.000000e+00> : vector<160x1280xf32>
    %dot_general3A_24 = tpu.matmul %get3A_22, %max3A_11, %dot_general3A_23 {dimension_numbers = #tpu.dot_dimension_numbers<[1], [0], [0], [1], [0, 0, 1, 1], [], []>, transpose_lhs_hint = false} : vector<160x128xf32>, vector<128x1280xf32>, vector<160x1280xf32> -> vector<160x1280xf32>
    %slice3A_25 = vector.extract_strided_slice %dot_general3A_24 {offsets = [0, 0], sizes = [32, 1280], strides = [1, 1]} : vector<160x1280xf32> to vector<32x1280xf32>
    %slice3A_26 = vector.extract_strided_slice %transpose3A {offsets = [0, 0], sizes = [1, 1280], strides = [1, 1]} : vector<128x1280xf32> to vector<1x1280xf32>
    %mul3A = vector.broadcast %slice3A_26 : vector<1x1280xf32> to vector<32x1280xf32>
    %mul3A_27 = arith.mulf %slice3A_25, %mul3A : vector<32x1280xf32>
    %add3A_28 = arith.addf %dot_general3A_19, %mul3A_27 : vector<32x1280xf32>
    %slice3A_29 = vector.extract_strided_slice %dot_general3A_24 {offsets = [32, 0], sizes = [32, 1280], strides = [1, 1]} : vector<160x1280xf32> to vector<32x1280xf32>
    %slice3A_30 = vector.extract_strided_slice %transpose3A {offsets = [1, 0], sizes = [1, 1280], strides = [1, 1]} : vector<128x1280xf32> to vector<1x1280xf32>
    %mul3A_31 = vector.broadcast %slice3A_30 : vector<1x1280xf32> to vector<32x1280xf32>
    %mul3A_32 = arith.mulf %slice3A_29, %mul3A_31 : vector<32x1280xf32>
    %add3A_33 = arith.addf %add3A_28, %mul3A_32 : vector<32x1280xf32>
    %slice3A_34 = vector.extract_strided_slice %dot_general3A_24 {offsets = [64, 0], sizes = [32, 1280], strides = [1, 1]} : vector<160x1280xf32> to vector<32x1280xf32>
    %slice3A_35 = vector.extract_strided_slice %transpose3A {offsets = [2, 0], sizes = [1, 1280], strides = [1, 1]} : vector<128x1280xf32> to vector<1x1280xf32>
    %mul3A_36 = vector.broadcast %slice3A_35 : vector<1x1280xf32> to vector<32x1280xf32>
    %mul3A_37 = arith.mulf %slice3A_34, %mul3A_36 : vector<32x1280xf32>
    %add3A_38 = arith.addf %add3A_33, %mul3A_37 : vector<32x1280xf32>
    %slice3A_39 = vector.extract_strided_slice %dot_general3A_24 {offsets = [96, 0], sizes = [32, 1280], strides = [1, 1]} : vector<160x1280xf32> to vector<32x1280xf32>
    %slice3A_40 = vector.extract_strided_slice %transpose3A {offsets = [3, 0], sizes = [1, 1280], strides = [1, 1]} : vector<128x1280xf32> to vector<1x1280xf32>
    %mul3A_41 = vector.broadcast %slice3A_40 : vector<1x1280xf32> to vector<32x1280xf32>
    %mul3A_42 = arith.mulf %slice3A_39, %mul3A_41 : vector<32x1280xf32>
    %add3A_43 = arith.addf %add3A_38, %mul3A_42 : vector<32x1280xf32>
    %slice3A_44 = vector.extract_strided_slice %dot_general3A_24 {offsets = [128, 0], sizes = [32, 1280], strides = [1, 1]} : vector<160x1280xf32> to vector<32x1280xf32>
    %slice3A_45 = vector.extract_strided_slice %transpose3A {offsets = [4, 0], sizes = [1, 1280], strides = [1, 1]} : vector<128x1280xf32> to vector<1x1280xf32>
    %mul3A_46 = vector.broadcast %slice3A_45 : vector<1x1280xf32> to vector<32x1280xf32>
    %mul3A_47 = arith.mulf %slice3A_44, %mul3A_46 : vector<32x1280xf32>
    %add3A_48 = arith.addf %add3A_43, %mul3A_47 : vector<32x1280xf32>
    %broadcast_in_dim3A = arith.constant 0.000000e+00 : f32
    %broadcast_in_dim3A_49 = vector.broadcast %broadcast_in_dim3A : f32 to vector<1280x128xf32>
    %swap3A = arith.constant 0 : index
    %swap3A_50 = arith.constant 0 : index
    %swap3A_51 = vector.load %arg7[%swap3A, %swap3A_50] : memref<1280x128xf32, #tpu.memory_space<vmem>>, vector<1280x128xf32>
    tpu.vector_store %arg7[%swap3A, %swap3A_50], %broadcast_in_dim3A_49 {strides = array<i32>} : memref<1280x128xf32, #tpu.memory_space<vmem>>, vector<1280x128xf32>,
    %transpose3A_52 = tpu.transpose %add3A_48, [1, 0] : vector<32x1280xf32> -> vector<1280x32xf32>
    %swap3A_53 = arith.constant 0 : index
    %swap3A_54 = arith.constant 0 : index
    %swap3A_55 = vector.load %arg7[%swap3A_53, %swap3A_54] : memref<1280x128xf32, #tpu.memory_space<vmem>>, vector<1280x32xf32>
    tpu.vector_store %arg7[%swap3A_53, %swap3A_54], %transpose3A_52 {strides = array<i32>} : memref<1280x128xf32, #tpu.memory_space<vmem>>, vector<1280x32xf32>,
    return
  }
  func.func @transform_0(%arg0: i32) -> (i32, i32) {
    %c0_i32 = arith.constant 0 : i32
    %c0_i32_0 = arith.constant 0 : i32
    return %c0_i32, %arg0 : i32, i32
  }
  func.func @transform_1(%arg0: i32) -> (i32, i32) {
    %c0_i32 = arith.constant 0 : i32
    %c0_i32_0 = arith.constant 0 : i32
    return %arg0, %c0_i32 : i32, i32
  }
  func.func @transform_2(%arg0: i32) -> (i32, i32) {
    %c0_i32 = arith.constant 0 : i32
    %c0_i32_0 = arith.constant 0 : i32
    %c0_i32_1 = arith.constant 0 : i32
    return %c0_i32, %c0_i32_0 : i32, i32
  }
  func.func @transform_3(%arg0: i32) -> (i32, i32) {
    %c0_i32 = arith.constant 0 : i32
    %c0_i32_0 = arith.constant 0 : i32
    %c0_i32_1 = arith.constant 0 : i32
    return %c0_i32, %c0_i32_0 : i32, i32
  }
  func.func @transform_4(%arg0: i32) -> (i32, i32) {
    %c0_i32 = arith.constant 0 : i32
    %c0_i32_0 = arith.constant 0 : i32
    %c0_i32_1 = arith.constant 0 : i32
    return %c0_i32, %c0_i32_0 : i32, i32
  }
  func.func @transform_5(%arg0: i32) -> (i32, i32) {
    %c0_i32 = arith.constant 0 : i32
    %c0_i32_0 = arith.constant 0 : i32
    %c0_i32_1 = arith.constant 0 : i32
    return %c0_i32, %c0_i32_0 : i32, i32
  }
  func.func @transform_6(%arg0: i32) -> (i32, i32) {
    %c0_i32 = arith.constant 0 : i32
    %c0_i32_0 = arith.constant 0 : i32
    return %arg0, %c0_i32 : i32, i32
  }
}

module attributes {stable_mosaic.version = 14 : i64} {
  func.func @body(%arg0: i32, %arg1: memref<5x1280xf32, #tpu.memory_space<vmem>>, %arg2: memref<1280x128xf32, #tpu.memory_space<vmem>>, %arg3: memref<128x5xf32, #tpu.memory_space<vmem>>, %arg4: memref<128x1xf32, #tpu.memory_space<vmem>>, %arg5: memref<2048x128xf32, #tpu.memory_space<vmem>>, %arg6: memref<64x32xf32, #tpu.memory_space<vmem>>, %arg7: memref<1280x128xf32, #tpu.memory_space<vmem>>) attributes {dimension_semantics = [#tpu.dimension_semantics<arbitrary>], iteration_bounds = array<i64: 125>, scalar_prefetch = 0 : i64, scratch_operands = 0 : i64, tpu.core_type = #tpu.core_type<tc>, window_params = [{transform_indices = @transform_0, window_bounds = array<i64: 5, 1280>}, {transform_indices = @transform_1, window_bounds = array<i64: 1280, 128>}, {pipeline_mode = #tpu.pipeline_mode<synchronous>, transform_indices = @transform_2, window_bounds = array<i64: 128, 5>}, {pipeline_mode = #tpu.pipeline_mode<synchronous>, transform_indices = @transform_3, window_bounds = array<i64: 128, 1>}, {pipeline_mode = #tpu.pipeline_mode<synchronous>, transform_indices = @transform_4, window_bounds = array<i64: 2048, 128>}, {pipeline_mode = #tpu.pipeline_mode<synchronous>, transform_indices = @transform_5, window_bounds = array<i64: 64, 32>}, {transform_indices = @transform_6, window_bounds = array<i64: 1280, 128>}]} {
    %get3A = arith.constant 0 : index
    %get3A_0 = arith.constant 0 : index
    %get3A_1 = vector.load %arg3[%get3A, %get3A_0] : memref<128x5xf32, #tpu.memory_space<vmem>>, vector<128x5xf32>
    %get3A_2 = arith.constant 0 : index
    %get3A_3 = arith.constant 0 : index
    %get3A_4 = vector.load %arg1[%get3A_2, %get3A_3] : memref<5x1280xf32, #tpu.memory_space<vmem>>, vector<5x1280xf32>
    %dot_general3A = arith.constant dense<0.000000e+00> : vector<128x1280xf32>
    %dot_general3A_5 = tpu.matmul %get3A_1, %get3A_4, %dot_general3A {dimension_numbers = #tpu.dot_dimension_numbers<[1], [0], [0], [1], [0, 0, 1, 1], [], []>, transpose_lhs_hint = false} : vector<128x5xf32>, vector<5x1280xf32>, vector<128x1280xf32> -> vector<128x1280xf32>
    %get3A_6 = arith.constant 0 : index
    %get3A_7 = arith.constant 0 : index
    %get3A_8 = vector.load %arg4[%get3A_6, %get3A_7] : memref<128x1xf32, #tpu.memory_space<vmem>>, vector<128x1xf32>
    %add3A = vector.broadcast %get3A_8 : vector<128x1xf32> to vector<128x1280xf32>
    %add3A_9 = arith.addf %dot_general3A_5, %add3A : vector<128x1280xf32>
    %max3A = arith.constant 0.000000e+00 : f32
    %max3A_10 = vector.broadcast %max3A : f32 to vector<128x1280xf32>
    %max3A_11 = arith.maximumf %add3A_9, %max3A_10 : vector<128x1280xf32>
    %get3A_12 = arith.constant 0 : index
    %get3A_13 = arith.constant 0 : index
    %get3A_14 = vector.load %arg2[%get3A_12, %get3A_13] : memref<1280x128xf32, #tpu.memory_space<vmem>>, vector<1280x128xf32>
    %transpose3A = tpu.transpose %get3A_14, [1, 0] : vector<1280x128xf32> -> vector<128x1280xf32>
    %get3A_15 = arith.constant 0 : index
    %get3A_16 = arith.constant 0 : index
    %get3A_17 = vector.load %arg6[%get3A_15, %get3A_16] : memref<64x32xf32, #tpu.memory_space<vmem>>, vector<64x32xf32>
    %slice3A = vector.extract_strided_slice %transpose3A {offsets = [0, 0], sizes = [32, 1280], strides = [1, 1]} : vector<128x1280xf32> to vector<32x1280xf32>
    %dot_general3A_18 = arith.constant dense<0.000000e+00> : vector<64x1280xf32>
    %dot_general3A_19 = tpu.matmul %get3A_17, %slice3A, %dot_general3A_18 {dimension_numbers = #tpu.dot_dimension_numbers<[1], [0], [0], [1], [0, 0, 1, 1], [], []>, precision = #tpu.contract_precision<fp32>, transpose_lhs_hint = false} : vector<64x32xf32>, vector<32x1280xf32>, vector<64x1280xf32> -> vector<64x1280xf32>
    %get3A_20 = arith.constant 0 : index
    %get3A_21 = arith.constant 0 : index
    %get3A_22 = vector.load %arg5[%get3A_20, %get3A_21] : memref<2048x128xf32, #tpu.memory_space<vmem>>, vector<512x128xf32>
    %dot_general3A_23 = arith.constant dense<0.000000e+00> : vector<512x1280xf32>
    %dot_general3A_24 = tpu.matmul %get3A_22, %max3A_11, %dot_general3A_23 {dimension_numbers = #tpu.dot_dimension_numbers<[1], [0], [0], [1], [0, 0, 1, 1], [], []>, transpose_lhs_hint = false} : vector<512x128xf32>, vector<128x1280xf32>, vector<512x1280xf32> -> vector<512x1280xf32>
    %slice3A_25 = vector.extract_strided_slice %dot_general3A_24 {offsets = [0, 0], sizes = [64, 1280], strides = [1, 1]} : vector<512x1280xf32> to vector<64x1280xf32>
    %slice3A_26 = vector.extract_strided_slice %transpose3A {offsets = [0, 0], sizes = [1, 1280], strides = [1, 1]} : vector<128x1280xf32> to vector<1x1280xf32>
    %mul3A = vector.broadcast %slice3A_26 : vector<1x1280xf32> to vector<64x1280xf32>
    %mul3A_27 = arith.mulf %slice3A_25, %mul3A : vector<64x1280xf32>
    %add3A_28 = arith.addf %dot_general3A_19, %mul3A_27 : vector<64x1280xf32>
    %slice3A_29 = vector.extract_strided_slice %dot_general3A_24 {offsets = [64, 0], sizes = [64, 1280], strides = [1, 1]} : vector<512x1280xf32> to vector<64x1280xf32>
    %slice3A_30 = vector.extract_strided_slice %transpose3A {offsets = [1, 0], sizes = [1, 1280], strides = [1, 1]} : vector<128x1280xf32> to vector<1x1280xf32>
    %mul3A_31 = vector.broadcast %slice3A_30 : vector<1x1280xf32> to vector<64x1280xf32>
    %mul3A_32 = arith.mulf %slice3A_29, %mul3A_31 : vector<64x1280xf32>
    %add3A_33 = arith.addf %add3A_28, %mul3A_32 : vector<64x1280xf32>
    %slice3A_34 = vector.extract_strided_slice %dot_general3A_24 {offsets = [128, 0], sizes = [64, 1280], strides = [1, 1]} : vector<512x1280xf32> to vector<64x1280xf32>
    %slice3A_35 = vector.extract_strided_slice %transpose3A {offsets = [2, 0], sizes = [1, 1280], strides = [1, 1]} : vector<128x1280xf32> to vector<1x1280xf32>
    %mul3A_36 = vector.broadcast %slice3A_35 : vector<1x1280xf32> to vector<64x1280xf32>
    %mul3A_37 = arith.mulf %slice3A_34, %mul3A_36 : vector<64x1280xf32>
    %add3A_38 = arith.addf %add3A_33, %mul3A_37 : vector<64x1280xf32>
    %slice3A_39 = vector.extract_strided_slice %dot_general3A_24 {offsets = [192, 0], sizes = [64, 1280], strides = [1, 1]} : vector<512x1280xf32> to vector<64x1280xf32>
    %slice3A_40 = vector.extract_strided_slice %transpose3A {offsets = [3, 0], sizes = [1, 1280], strides = [1, 1]} : vector<128x1280xf32> to vector<1x1280xf32>
    %mul3A_41 = vector.broadcast %slice3A_40 : vector<1x1280xf32> to vector<64x1280xf32>
    %mul3A_42 = arith.mulf %slice3A_39, %mul3A_41 : vector<64x1280xf32>
    %add3A_43 = arith.addf %add3A_38, %mul3A_42 : vector<64x1280xf32>
    %slice3A_44 = vector.extract_strided_slice %dot_general3A_24 {offsets = [256, 0], sizes = [64, 1280], strides = [1, 1]} : vector<512x1280xf32> to vector<64x1280xf32>
    %slice3A_45 = vector.extract_strided_slice %transpose3A {offsets = [4, 0], sizes = [1, 1280], strides = [1, 1]} : vector<128x1280xf32> to vector<1x1280xf32>
    %mul3A_46 = vector.broadcast %slice3A_45 : vector<1x1280xf32> to vector<64x1280xf32>
    %mul3A_47 = arith.mulf %slice3A_44, %mul3A_46 : vector<64x1280xf32>
    %add3A_48 = arith.addf %add3A_43, %mul3A_47 : vector<64x1280xf32>
    %slice3A_49 = vector.extract_strided_slice %dot_general3A_24 {offsets = [320, 0], sizes = [64, 1280], strides = [1, 1]} : vector<512x1280xf32> to vector<64x1280xf32>
    %slice3A_50 = vector.extract_strided_slice %transpose3A {offsets = [5, 0], sizes = [1, 1280], strides = [1, 1]} : vector<128x1280xf32> to vector<1x1280xf32>
    %mul3A_51 = vector.broadcast %slice3A_50 : vector<1x1280xf32> to vector<64x1280xf32>
    %mul3A_52 = arith.mulf %slice3A_49, %mul3A_51 : vector<64x1280xf32>
    %add3A_53 = arith.addf %add3A_48, %mul3A_52 : vector<64x1280xf32>
    %slice3A_54 = vector.extract_strided_slice %dot_general3A_24 {offsets = [384, 0], sizes = [64, 1280], strides = [1, 1]} : vector<512x1280xf32> to vector<64x1280xf32>
    %slice3A_55 = vector.extract_strided_slice %transpose3A {offsets = [6, 0], sizes = [1, 1280], strides = [1, 1]} : vector<128x1280xf32> to vector<1x1280xf32>
    %mul3A_56 = vector.broadcast %slice3A_55 : vector<1x1280xf32> to vector<64x1280xf32>
    %mul3A_57 = arith.mulf %slice3A_54, %mul3A_56 : vector<64x1280xf32>
    %add3A_58 = arith.addf %add3A_53, %mul3A_57 : vector<64x1280xf32>
    %slice3A_59 = vector.extract_strided_slice %dot_general3A_24 {offsets = [448, 0], sizes = [64, 1280], strides = [1, 1]} : vector<512x1280xf32> to vector<64x1280xf32>
    %slice3A_60 = vector.extract_strided_slice %transpose3A {offsets = [7, 0], sizes = [1, 1280], strides = [1, 1]} : vector<128x1280xf32> to vector<1x1280xf32>
    %mul3A_61 = vector.broadcast %slice3A_60 : vector<1x1280xf32> to vector<64x1280xf32>
    %mul3A_62 = arith.mulf %slice3A_59, %mul3A_61 : vector<64x1280xf32>
    %add3A_63 = arith.addf %add3A_58, %mul3A_62 : vector<64x1280xf32>
    %get3A_64 = arith.constant 512 : index
    %get3A_65 = arith.constant 0 : index
    %get3A_66 = vector.load %arg5[%get3A_64, %get3A_65] : memref<2048x128xf32, #tpu.memory_space<vmem>>, vector<512x128xf32>
    %dot_general3A_67 = arith.constant dense<0.000000e+00> : vector<512x1280xf32>
    %dot_general3A_68 = tpu.matmul %get3A_66, %max3A_11, %dot_general3A_67 {dimension_numbers = #tpu.dot_dimension_numbers<[1], [0], [0], [1], [0, 0, 1, 1], [], []>, transpose_lhs_hint = false} : vector<512x128xf32>, vector<128x1280xf32>, vector<512x1280xf32> -> vector<512x1280xf32>
    %slice3A_69 = vector.extract_strided_slice %dot_general3A_68 {offsets = [0, 0], sizes = [64, 1280], strides = [1, 1]} : vector<512x1280xf32> to vector<64x1280xf32>
    %slice3A_70 = vector.extract_strided_slice %transpose3A {offsets = [8, 0], sizes = [1, 1280], strides = [1, 1]} : vector<128x1280xf32> to vector<1x1280xf32>
    %mul3A_71 = vector.broadcast %slice3A_70 : vector<1x1280xf32> to vector<64x1280xf32>
    %mul3A_72 = arith.mulf %slice3A_69, %mul3A_71 : vector<64x1280xf32>
    %add3A_73 = arith.addf %add3A_63, %mul3A_72 : vector<64x1280xf32>
    %slice3A_74 = vector.extract_strided_slice %dot_general3A_68 {offsets = [64, 0], sizes = [64, 1280], strides = [1, 1]} : vector<512x1280xf32> to vector<64x1280xf32>
    %slice3A_75 = vector.extract_strided_slice %transpose3A {offsets = [9, 0], sizes = [1, 1280], strides = [1, 1]} : vector<128x1280xf32> to vector<1x1280xf32>
    %mul3A_76 = vector.broadcast %slice3A_75 : vector<1x1280xf32> to vector<64x1280xf32>
    %mul3A_77 = arith.mulf %slice3A_74, %mul3A_76 : vector<64x1280xf32>
    %add3A_78 = arith.addf %add3A_73, %mul3A_77 : vector<64x1280xf32>
    %slice3A_79 = vector.extract_strided_slice %dot_general3A_68 {offsets = [128, 0], sizes = [64, 1280], strides = [1, 1]} : vector<512x1280xf32> to vector<64x1280xf32>
    %slice3A_80 = vector.extract_strided_slice %transpose3A {offsets = [10, 0], sizes = [1, 1280], strides = [1, 1]} : vector<128x1280xf32> to vector<1x1280xf32>
    %mul3A_81 = vector.broadcast %slice3A_80 : vector<1x1280xf32> to vector<64x1280xf32>
    %mul3A_82 = arith.mulf %slice3A_79, %mul3A_81 : vector<64x1280xf32>
    %add3A_83 = arith.addf %add3A_78, %mul3A_82 : vector<64x1280xf32>
    %slice3A_84 = vector.extract_strided_slice %dot_general3A_68 {offsets = [192, 0], sizes = [64, 1280], strides = [1, 1]} : vector<512x1280xf32> to vector<64x1280xf32>
    %slice3A_85 = vector.extract_strided_slice %transpose3A {offsets = [11, 0], sizes = [1, 1280], strides = [1, 1]} : vector<128x1280xf32> to vector<1x1280xf32>
    %mul3A_86 = vector.broadcast %slice3A_85 : vector<1x1280xf32> to vector<64x1280xf32>
    %mul3A_87 = arith.mulf %slice3A_84, %mul3A_86 : vector<64x1280xf32>
    %add3A_88 = arith.addf %add3A_83, %mul3A_87 : vector<64x1280xf32>
    %slice3A_89 = vector.extract_strided_slice %dot_general3A_68 {offsets = [256, 0], sizes = [64, 1280], strides = [1, 1]} : vector<512x1280xf32> to vector<64x1280xf32>
    %slice3A_90 = vector.extract_strided_slice %transpose3A {offsets = [12, 0], sizes = [1, 1280], strides = [1, 1]} : vector<128x1280xf32> to vector<1x1280xf32>
    %mul3A_91 = vector.broadcast %slice3A_90 : vector<1x1280xf32> to vector<64x1280xf32>
    %mul3A_92 = arith.mulf %slice3A_89, %mul3A_91 : vector<64x1280xf32>
    %add3A_93 = arith.addf %add3A_88, %mul3A_92 : vector<64x1280xf32>
    %slice3A_94 = vector.extract_strided_slice %dot_general3A_68 {offsets = [320, 0], sizes = [64, 1280], strides = [1, 1]} : vector<512x1280xf32> to vector<64x1280xf32>
    %slice3A_95 = vector.extract_strided_slice %transpose3A {offsets = [13, 0], sizes = [1, 1280], strides = [1, 1]} : vector<128x1280xf32> to vector<1x1280xf32>
    %mul3A_96 = vector.broadcast %slice3A_95 : vector<1x1280xf32> to vector<64x1280xf32>
    %mul3A_97 = arith.mulf %slice3A_94, %mul3A_96 : vector<64x1280xf32>
    %add3A_98 = arith.addf %add3A_93, %mul3A_97 : vector<64x1280xf32>
    %slice3A_99 = vector.extract_strided_slice %dot_general3A_68 {offsets = [384, 0], sizes = [64, 1280], strides = [1, 1]} : vector<512x1280xf32> to vector<64x1280xf32>
    %slice3A_100 = vector.extract_strided_slice %transpose3A {offsets = [14, 0], sizes = [1, 1280], strides = [1, 1]} : vector<128x1280xf32> to vector<1x1280xf32>
    %mul3A_101 = vector.broadcast %slice3A_100 : vector<1x1280xf32> to vector<64x1280xf32>
    %mul3A_102 = arith.mulf %slice3A_99, %mul3A_101 : vector<64x1280xf32>
    %add3A_103 = arith.addf %add3A_98, %mul3A_102 : vector<64x1280xf32>
    %slice3A_104 = vector.extract_strided_slice %dot_general3A_68 {offsets = [448, 0], sizes = [64, 1280], strides = [1, 1]} : vector<512x1280xf32> to vector<64x1280xf32>
    %slice3A_105 = vector.extract_strided_slice %transpose3A {offsets = [15, 0], sizes = [1, 1280], strides = [1, 1]} : vector<128x1280xf32> to vector<1x1280xf32>
    %mul3A_106 = vector.broadcast %slice3A_105 : vector<1x1280xf32> to vector<64x1280xf32>
    %mul3A_107 = arith.mulf %slice3A_104, %mul3A_106 : vector<64x1280xf32>
    %add3A_108 = arith.addf %add3A_103, %mul3A_107 : vector<64x1280xf32>
    %get3A_109 = arith.constant 1024 : index
    %get3A_110 = arith.constant 0 : index
    %get3A_111 = vector.load %arg5[%get3A_109, %get3A_110] : memref<2048x128xf32, #tpu.memory_space<vmem>>, vector<512x128xf32>
    %dot_general3A_112 = arith.constant dense<0.000000e+00> : vector<512x1280xf32>
    %dot_general3A_113 = tpu.matmul %get3A_111, %max3A_11, %dot_general3A_112 {dimension_numbers = #tpu.dot_dimension_numbers<[1], [0], [0], [1], [0, 0, 1, 1], [], []>, transpose_lhs_hint = false} : vector<512x128xf32>, vector<128x1280xf32>, vector<512x1280xf32> -> vector<512x1280xf32>
    %slice3A_114 = vector.extract_strided_slice %dot_general3A_113 {offsets = [0, 0], sizes = [64, 1280], strides = [1, 1]} : vector<512x1280xf32> to vector<64x1280xf32>
    %slice3A_115 = vector.extract_strided_slice %transpose3A {offsets = [16, 0], sizes = [1, 1280], strides = [1, 1]} : vector<128x1280xf32> to vector<1x1280xf32>
    %mul3A_116 = vector.broadcast %slice3A_115 : vector<1x1280xf32> to vector<64x1280xf32>
    %mul3A_117 = arith.mulf %slice3A_114, %mul3A_116 : vector<64x1280xf32>
    %add3A_118 = arith.addf %add3A_108, %mul3A_117 : vector<64x1280xf32>
    %slice3A_119 = vector.extract_strided_slice %dot_general3A_113 {offsets = [64, 0], sizes = [64, 1280], strides = [1, 1]} : vector<512x1280xf32> to vector<64x1280xf32>
    %slice3A_120 = vector.extract_strided_slice %transpose3A {offsets = [17, 0], sizes = [1, 1280], strides = [1, 1]} : vector<128x1280xf32> to vector<1x1280xf32>
    %mul3A_121 = vector.broadcast %slice3A_120 : vector<1x1280xf32> to vector<64x1280xf32>
    %mul3A_122 = arith.mulf %slice3A_119, %mul3A_121 : vector<64x1280xf32>
    %add3A_123 = arith.addf %add3A_118, %mul3A_122 : vector<64x1280xf32>
    %slice3A_124 = vector.extract_strided_slice %dot_general3A_113 {offsets = [128, 0], sizes = [64, 1280], strides = [1, 1]} : vector<512x1280xf32> to vector<64x1280xf32>
    %slice3A_125 = vector.extract_strided_slice %transpose3A {offsets = [18, 0], sizes = [1, 1280], strides = [1, 1]} : vector<128x1280xf32> to vector<1x1280xf32>
    %mul3A_126 = vector.broadcast %slice3A_125 : vector<1x1280xf32> to vector<64x1280xf32>
    %mul3A_127 = arith.mulf %slice3A_124, %mul3A_126 : vector<64x1280xf32>
    %add3A_128 = arith.addf %add3A_123, %mul3A_127 : vector<64x1280xf32>
    %slice3A_129 = vector.extract_strided_slice %dot_general3A_113 {offsets = [192, 0], sizes = [64, 1280], strides = [1, 1]} : vector<512x1280xf32> to vector<64x1280xf32>
    %slice3A_130 = vector.extract_strided_slice %transpose3A {offsets = [19, 0], sizes = [1, 1280], strides = [1, 1]} : vector<128x1280xf32> to vector<1x1280xf32>
    %mul3A_131 = vector.broadcast %slice3A_130 : vector<1x1280xf32> to vector<64x1280xf32>
    %mul3A_132 = arith.mulf %slice3A_129, %mul3A_131 : vector<64x1280xf32>
    %add3A_133 = arith.addf %add3A_128, %mul3A_132 : vector<64x1280xf32>
    %slice3A_134 = vector.extract_strided_slice %dot_general3A_113 {offsets = [256, 0], sizes = [64, 1280], strides = [1, 1]} : vector<512x1280xf32> to vector<64x1280xf32>
    %slice3A_135 = vector.extract_strided_slice %transpose3A {offsets = [20, 0], sizes = [1, 1280], strides = [1, 1]} : vector<128x1280xf32> to vector<1x1280xf32>
    %mul3A_136 = vector.broadcast %slice3A_135 : vector<1x1280xf32> to vector<64x1280xf32>
    %mul3A_137 = arith.mulf %slice3A_134, %mul3A_136 : vector<64x1280xf32>
    %add3A_138 = arith.addf %add3A_133, %mul3A_137 : vector<64x1280xf32>
    %slice3A_139 = vector.extract_strided_slice %dot_general3A_113 {offsets = [320, 0], sizes = [64, 1280], strides = [1, 1]} : vector<512x1280xf32> to vector<64x1280xf32>
    %slice3A_140 = vector.extract_strided_slice %transpose3A {offsets = [21, 0], sizes = [1, 1280], strides = [1, 1]} : vector<128x1280xf32> to vector<1x1280xf32>
    %mul3A_141 = vector.broadcast %slice3A_140 : vector<1x1280xf32> to vector<64x1280xf32>
    %mul3A_142 = arith.mulf %slice3A_139, %mul3A_141 : vector<64x1280xf32>
    %add3A_143 = arith.addf %add3A_138, %mul3A_142 : vector<64x1280xf32>
    %slice3A_144 = vector.extract_strided_slice %dot_general3A_113 {offsets = [384, 0], sizes = [64, 1280], strides = [1, 1]} : vector<512x1280xf32> to vector<64x1280xf32>
    %slice3A_145 = vector.extract_strided_slice %transpose3A {offsets = [22, 0], sizes = [1, 1280], strides = [1, 1]} : vector<128x1280xf32> to vector<1x1280xf32>
    %mul3A_146 = vector.broadcast %slice3A_145 : vector<1x1280xf32> to vector<64x1280xf32>
    %mul3A_147 = arith.mulf %slice3A_144, %mul3A_146 : vector<64x1280xf32>
    %add3A_148 = arith.addf %add3A_143, %mul3A_147 : vector<64x1280xf32>
    %slice3A_149 = vector.extract_strided_slice %dot_general3A_113 {offsets = [448, 0], sizes = [64, 1280], strides = [1, 1]} : vector<512x1280xf32> to vector<64x1280xf32>
    %slice3A_150 = vector.extract_strided_slice %transpose3A {offsets = [23, 0], sizes = [1, 1280], strides = [1, 1]} : vector<128x1280xf32> to vector<1x1280xf32>
    %mul3A_151 = vector.broadcast %slice3A_150 : vector<1x1280xf32> to vector<64x1280xf32>
    %mul3A_152 = arith.mulf %slice3A_149, %mul3A_151 : vector<64x1280xf32>
    %add3A_153 = arith.addf %add3A_148, %mul3A_152 : vector<64x1280xf32>
    %get3A_154 = arith.constant 1536 : index
    %get3A_155 = arith.constant 0 : index
    %get3A_156 = vector.load %arg5[%get3A_154, %get3A_155] : memref<2048x128xf32, #tpu.memory_space<vmem>>, vector<512x128xf32>
    %dot_general3A_157 = arith.constant dense<0.000000e+00> : vector<512x1280xf32>
    %dot_general3A_158 = tpu.matmul %get3A_156, %max3A_11, %dot_general3A_157 {dimension_numbers = #tpu.dot_dimension_numbers<[1], [0], [0], [1], [0, 0, 1, 1], [], []>, transpose_lhs_hint = false} : vector<512x128xf32>, vector<128x1280xf32>, vector<512x1280xf32> -> vector<512x1280xf32>
    %slice3A_159 = vector.extract_strided_slice %dot_general3A_158 {offsets = [0, 0], sizes = [64, 1280], strides = [1, 1]} : vector<512x1280xf32> to vector<64x1280xf32>
    %slice3A_160 = vector.extract_strided_slice %transpose3A {offsets = [24, 0], sizes = [1, 1280], strides = [1, 1]} : vector<128x1280xf32> to vector<1x1280xf32>
    %mul3A_161 = vector.broadcast %slice3A_160 : vector<1x1280xf32> to vector<64x1280xf32>
    %mul3A_162 = arith.mulf %slice3A_159, %mul3A_161 : vector<64x1280xf32>
    %add3A_163 = arith.addf %add3A_153, %mul3A_162 : vector<64x1280xf32>
    %slice3A_164 = vector.extract_strided_slice %dot_general3A_158 {offsets = [64, 0], sizes = [64, 1280], strides = [1, 1]} : vector<512x1280xf32> to vector<64x1280xf32>
    %slice3A_165 = vector.extract_strided_slice %transpose3A {offsets = [25, 0], sizes = [1, 1280], strides = [1, 1]} : vector<128x1280xf32> to vector<1x1280xf32>
    %mul3A_166 = vector.broadcast %slice3A_165 : vector<1x1280xf32> to vector<64x1280xf32>
    %mul3A_167 = arith.mulf %slice3A_164, %mul3A_166 : vector<64x1280xf32>
    %add3A_168 = arith.addf %add3A_163, %mul3A_167 : vector<64x1280xf32>
    %slice3A_169 = vector.extract_strided_slice %dot_general3A_158 {offsets = [128, 0], sizes = [64, 1280], strides = [1, 1]} : vector<512x1280xf32> to vector<64x1280xf32>
    %slice3A_170 = vector.extract_strided_slice %transpose3A {offsets = [26, 0], sizes = [1, 1280], strides = [1, 1]} : vector<128x1280xf32> to vector<1x1280xf32>
    %mul3A_171 = vector.broadcast %slice3A_170 : vector<1x1280xf32> to vector<64x1280xf32>
    %mul3A_172 = arith.mulf %slice3A_169, %mul3A_171 : vector<64x1280xf32>
    %add3A_173 = arith.addf %add3A_168, %mul3A_172 : vector<64x1280xf32>
    %slice3A_174 = vector.extract_strided_slice %dot_general3A_158 {offsets = [192, 0], sizes = [64, 1280], strides = [1, 1]} : vector<512x1280xf32> to vector<64x1280xf32>
    %slice3A_175 = vector.extract_strided_slice %transpose3A {offsets = [27, 0], sizes = [1, 1280], strides = [1, 1]} : vector<128x1280xf32> to vector<1x1280xf32>
    %mul3A_176 = vector.broadcast %slice3A_175 : vector<1x1280xf32> to vector<64x1280xf32>
    %mul3A_177 = arith.mulf %slice3A_174, %mul3A_176 : vector<64x1280xf32>
    %add3A_178 = arith.addf %add3A_173, %mul3A_177 : vector<64x1280xf32>
    %slice3A_179 = vector.extract_strided_slice %dot_general3A_158 {offsets = [256, 0], sizes = [64, 1280], strides = [1, 1]} : vector<512x1280xf32> to vector<64x1280xf32>
    %slice3A_180 = vector.extract_strided_slice %transpose3A {offsets = [28, 0], sizes = [1, 1280], strides = [1, 1]} : vector<128x1280xf32> to vector<1x1280xf32>
    %mul3A_181 = vector.broadcast %slice3A_180 : vector<1x1280xf32> to vector<64x1280xf32>
    %mul3A_182 = arith.mulf %slice3A_179, %mul3A_181 : vector<64x1280xf32>
    %add3A_183 = arith.addf %add3A_178, %mul3A_182 : vector<64x1280xf32>
    %slice3A_184 = vector.extract_strided_slice %dot_general3A_158 {offsets = [320, 0], sizes = [64, 1280], strides = [1, 1]} : vector<512x1280xf32> to vector<64x1280xf32>
    %slice3A_185 = vector.extract_strided_slice %transpose3A {offsets = [29, 0], sizes = [1, 1280], strides = [1, 1]} : vector<128x1280xf32> to vector<1x1280xf32>
    %mul3A_186 = vector.broadcast %slice3A_185 : vector<1x1280xf32> to vector<64x1280xf32>
    %mul3A_187 = arith.mulf %slice3A_184, %mul3A_186 : vector<64x1280xf32>
    %add3A_188 = arith.addf %add3A_183, %mul3A_187 : vector<64x1280xf32>
    %slice3A_189 = vector.extract_strided_slice %dot_general3A_158 {offsets = [384, 0], sizes = [64, 1280], strides = [1, 1]} : vector<512x1280xf32> to vector<64x1280xf32>
    %slice3A_190 = vector.extract_strided_slice %transpose3A {offsets = [30, 0], sizes = [1, 1280], strides = [1, 1]} : vector<128x1280xf32> to vector<1x1280xf32>
    %mul3A_191 = vector.broadcast %slice3A_190 : vector<1x1280xf32> to vector<64x1280xf32>
    %mul3A_192 = arith.mulf %slice3A_189, %mul3A_191 : vector<64x1280xf32>
    %add3A_193 = arith.addf %add3A_188, %mul3A_192 : vector<64x1280xf32>
    %slice3A_194 = vector.extract_strided_slice %dot_general3A_158 {offsets = [448, 0], sizes = [64, 1280], strides = [1, 1]} : vector<512x1280xf32> to vector<64x1280xf32>
    %slice3A_195 = vector.extract_strided_slice %transpose3A {offsets = [31, 0], sizes = [1, 1280], strides = [1, 1]} : vector<128x1280xf32> to vector<1x1280xf32>
    %mul3A_196 = vector.broadcast %slice3A_195 : vector<1x1280xf32> to vector<64x1280xf32>
    %mul3A_197 = arith.mulf %slice3A_194, %mul3A_196 : vector<64x1280xf32>
    %add3A_198 = arith.addf %add3A_193, %mul3A_197 : vector<64x1280xf32>
    %broadcast_in_dim3A = arith.constant 0.000000e+00 : f32
    %broadcast_in_dim3A_199 = vector.broadcast %broadcast_in_dim3A : f32 to vector<1280x128xf32>
    %swap3A = arith.constant 0 : index
    %swap3A_200 = arith.constant 0 : index
    %swap3A_201 = vector.load %arg7[%swap3A, %swap3A_200] : memref<1280x128xf32, #tpu.memory_space<vmem>>, vector<1280x128xf32>
    tpu.vector_store %arg7[%swap3A, %swap3A_200], %broadcast_in_dim3A_199 {strides = array<i32>} : memref<1280x128xf32, #tpu.memory_space<vmem>>, vector<1280x128xf32>,
    %transpose3A_202 = tpu.transpose %add3A_198, [1, 0] : vector<64x1280xf32> -> vector<1280x64xf32>
    %swap3A_203 = arith.constant 0 : index
    %swap3A_204 = arith.constant 0 : index
    %swap3A_205 = vector.load %arg7[%swap3A_203, %swap3A_204] : memref<1280x128xf32, #tpu.memory_space<vmem>>, vector<1280x64xf32>
    tpu.vector_store %arg7[%swap3A_203, %swap3A_204], %transpose3A_202 {strides = array<i32>} : memref<1280x128xf32, #tpu.memory_space<vmem>>, vector<1280x64xf32>,
    return
  }
  func.func @transform_0(%arg0: i32) -> (i32, i32) {
    %c0_i32 = arith.constant 0 : i32
    %c0_i32_0 = arith.constant 0 : i32
    return %c0_i32, %arg0 : i32, i32
  }
  func.func @transform_1(%arg0: i32) -> (i32, i32) {
    %c0_i32 = arith.constant 0 : i32
    %c0_i32_0 = arith.constant 0 : i32
    return %arg0, %c0_i32 : i32, i32
  }
  func.func @transform_2(%arg0: i32) -> (i32, i32) {
    %c0_i32 = arith.constant 0 : i32
    %c0_i32_0 = arith.constant 0 : i32
    %c0_i32_1 = arith.constant 0 : i32
    return %c0_i32, %c0_i32_0 : i32, i32
  }
  func.func @transform_3(%arg0: i32) -> (i32, i32) {
    %c0_i32 = arith.constant 0 : i32
    %c0_i32_0 = arith.constant 0 : i32
    %c0_i32_1 = arith.constant 0 : i32
    return %c0_i32, %c0_i32_0 : i32, i32
  }
  func.func @transform_4(%arg0: i32) -> (i32, i32) {
    %c0_i32 = arith.constant 0 : i32
    %c0_i32_0 = arith.constant 0 : i32
    %c0_i32_1 = arith.constant 0 : i32
    return %c0_i32, %c0_i32_0 : i32, i32
  }
  func.func @transform_5(%arg0: i32) -> (i32, i32) {
    %c0_i32 = arith.constant 0 : i32
    %c0_i32_0 = arith.constant 0 : i32
    %c0_i32_1 = arith.constant 0 : i32
    return %c0_i32, %c0_i32_0 : i32, i32
  }
  func.func @transform_6(%arg0: i32) -> (i32, i32) {
    %c0_i32 = arith.constant 0 : i32
    %c0_i32_0 = arith.constant 0 : i32
    return %arg0, %c0_i32 : i32, i32
  }
}

module attributes {stable_mosaic.version = 14 : i64} {
  func.func @body(%arg0: i32, %arg1: memref<2x400x128xf32, #tpu.memory_space<vmem>>, %arg2: memref<400x128xf32, #tpu.memory_space<vmem>>, %arg3: memref<32x64xf32, #tpu.memory_space<vmem>>, %arg4: memref<64xf32, #tpu.memory_space<vmem>>, %arg5: memref<400x128xf32, #tpu.memory_space<vmem>>) attributes {dimension_semantics = [#tpu.dimension_semantics<arbitrary>], iteration_bounds = array<i64: 25>, scalar_prefetch = 0 : i64, scratch_operands = 0 : i64, tpu.core_type = #tpu.core_type<tc>, window_params = [{transform_indices = @transform_0, window_bounds = array<i64: 2, 400, 128>}, {transform_indices = @transform_1, window_bounds = array<i64: 400, 128>}, {pipeline_mode = #tpu.pipeline_mode<synchronous>, transform_indices = @transform_2, window_bounds = array<i64: 32, 64>}, {pipeline_mode = #tpu.pipeline_mode<synchronous>, transform_indices = @transform_3, window_bounds = array<i64: 64>}, {transform_indices = @transform_4, window_bounds = array<i64: 400, 128>}]} {
    %get3A = arith.constant 0 : index
    %get3A_0 = arith.constant 0 : index
    %get3A_1 = vector.load %arg2[%get3A, %get3A_0] : memref<400x128xf32, #tpu.memory_space<vmem>>, vector<400x128xf32>
    %slice3A = vector.extract_strided_slice %get3A_1 {offsets = [0, 0], sizes = [400, 32], strides = [1, 1]} : vector<400x128xf32> to vector<400x32xf32>
    %get3A_2 = arith.constant 0 : index
    %get3A_3 = arith.constant 0 : index
    %get3A_4 = arith.constant 0 : index
    %get3A_5 = vector.load %arg1[%get3A_2, %get3A_3, %get3A_4] : memref<2x400x128xf32, #tpu.memory_space<vmem>>, vector<1x400x128xf32>
    %get3A_6 = vector.shape_cast %get3A_5 : vector<1x400x128xf32> to vector<400x128xf32>
    %slice3A_7 = vector.extract_strided_slice %get3A_6 {offsets = [0, 0], sizes = [400, 64], strides = [1, 1]} : vector<400x128xf32> to vector<400x64xf32>
    %get3A_8 = arith.constant 1 : index
    %get3A_9 = arith.constant 0 : index
    %get3A_10 = arith.constant 0 : index
    %get3A_11 = vector.load %arg1[%get3A_8, %get3A_9, %get3A_10] : memref<2x400x128xf32, #tpu.memory_space<vmem>>, vector<1x400x128xf32>
    %get3A_12 = vector.shape_cast %get3A_11 : vector<1x400x128xf32> to vector<400x128xf32>
    %slice3A_13 = vector.extract_strided_slice %get3A_12 {offsets = [0, 0], sizes = [400, 64], strides = [1, 1]} : vector<400x128xf32> to vector<400x64xf32>
    %add3A = arith.addf %slice3A_7, %slice3A_13 : vector<400x64xf32>
    %get3A_14 = arith.constant 0 : index
    %get3A_15 = arith.constant 0 : index
    %get3A_16 = vector.load %arg3[%get3A_14, %get3A_15] : memref<32x64xf32, #tpu.memory_space<vmem>>, vector<32x64xf32>
    %dot_general3A = arith.constant dense<0.000000e+00> : vector<400x64xf32>
    %dot_general3A_17 = tpu.matmul %slice3A, %get3A_16, %dot_general3A {dimension_numbers = #tpu.dot_dimension_numbers<[1], [0], [0], [1], [0, 0, 1, 1], [], []>, transpose_lhs_hint = false} : vector<400x32xf32>, vector<32x64xf32>, vector<400x64xf32> -> vector<400x64xf32>
    %add3A_18 = arith.addf %add3A, %dot_general3A_17 : vector<400x64xf32>
    %get3A_19 = arith.constant 0 : index
    %get3A_20 = vector.load %arg4[%get3A_19] : memref<64xf32, #tpu.memory_space<vmem>>, vector<64xf32>
    %broadcast_in_dim3A = vector.shape_cast %get3A_20 : vector<64xf32> to vector<1x64xf32>
    %add3A_21 = vector.broadcast %broadcast_in_dim3A : vector<1x64xf32> to vector<400x64xf32>
    %add3A_22 = arith.addf %add3A_18, %add3A_21 : vector<400x64xf32>
    %broadcast_in_dim3A_23 = arith.constant 0.000000e+00 : f32
    %broadcast_in_dim3A_24 = vector.broadcast %broadcast_in_dim3A_23 : f32 to vector<400x128xf32>
    %swap3A = arith.constant 0 : index
    %swap3A_25 = arith.constant 0 : index
    %swap3A_26 = vector.load %arg5[%swap3A, %swap3A_25] : memref<400x128xf32, #tpu.memory_space<vmem>>, vector<400x128xf32>
    tpu.vector_store %arg5[%swap3A, %swap3A_25], %broadcast_in_dim3A_24 {strides = array<i32>} : memref<400x128xf32, #tpu.memory_space<vmem>>, vector<400x128xf32>,
    %gt3A = arith.constant 0.000000e+00 : f32
    %gt3A_27 = vector.broadcast %gt3A : f32 to vector<400x64xf32>
    %gt3A_28 = arith.cmpf ogt, %add3A_22, %gt3A_27 : vector<400x64xf32>
    %min3A = arith.constant 0.000000e+00 : f32
    %min3A_29 = vector.broadcast %min3A : f32 to vector<400x64xf32>
    %min3A_30 = arith.minimumf %add3A_22, %min3A_29 : vector<400x64xf32>
    %exp3A = math.exp %min3A_30 : vector<400x64xf32>
    %sub3A = arith.constant 1.000000e+00 : f32
    %sub3A_31 = vector.broadcast %sub3A : f32 to vector<400x64xf32>
    %sub3A_32 = arith.subf %exp3A, %sub3A_31 : vector<400x64xf32>
    %select_n3A = arith.select %gt3A_28, %add3A_22, %sub3A_32 : vector<400x64xi1>, vector<400x64xf32>
    %swap3A_33 = arith.constant 0 : index
    %swap3A_34 = arith.constant 0 : index
    %swap3A_35 = vector.load %arg5[%swap3A_33, %swap3A_34] : memref<400x128xf32, #tpu.memory_space<vmem>>, vector<400x64xf32>
    tpu.vector_store %arg5[%swap3A_33, %swap3A_34], %select_n3A {strides = array<i32>} : memref<400x128xf32, #tpu.memory_space<vmem>>, vector<400x64xf32>,
    return
  }
  func.func @transform_0(%arg0: i32) -> (i32, i32, i32) {
    %c0_i32 = arith.constant 0 : i32
    %c0_i32_0 = arith.constant 0 : i32
    %c0_i32_1 = arith.constant 0 : i32
    return %c0_i32, %arg0, %c0_i32_0 : i32, i32, i32
  }
  func.func @transform_1(%arg0: i32) -> (i32, i32) {
    %c0_i32 = arith.constant 0 : i32
    %c0_i32_0 = arith.constant 0 : i32
    return %arg0, %c0_i32 : i32, i32
  }
  func.func @transform_2(%arg0: i32) -> (i32, i32) {
    %c0_i32 = arith.constant 0 : i32
    %c0_i32_0 = arith.constant 0 : i32
    %c0_i32_1 = arith.constant 0 : i32
    return %c0_i32, %c0_i32_0 : i32, i32
  }
  func.func @transform_3(%arg0: i32) -> i32 {
    %c0_i32 = arith.constant 0 : i32
    %c0_i32_0 = arith.constant 0 : i32
    return %c0_i32 : i32
  }
  func.func @transform_4(%arg0: i32) -> (i32, i32) {
    %c0_i32 = arith.constant 0 : i32
    %c0_i32_0 = arith.constant 0 : i32
    return %arg0, %c0_i32 : i32, i32
  }
}

module attributes {stable_mosaic.version = 14 : i64} {
  func.func @body(%arg0: i32, %arg1: memref<5x1280xf32, #tpu.memory_space<vmem>>, %arg2: memref<1280x128xf32, #tpu.memory_space<vmem>>, %arg3: memref<128x5xf32, #tpu.memory_space<vmem>>, %arg4: memref<128x1xf32, #tpu.memory_space<vmem>>, %arg5: memref<4096x128xf32, #tpu.memory_space<vmem>>, %arg6: memref<64x64xf32, #tpu.memory_space<vmem>>, %arg7: memref<1280x128xf32, #tpu.memory_space<vmem>>) attributes {dimension_semantics = [#tpu.dimension_semantics<arbitrary>], iteration_bounds = array<i64: 125>, scalar_prefetch = 0 : i64, scratch_operands = 0 : i64, tpu.core_type = #tpu.core_type<tc>, window_params = [{transform_indices = @transform_0, window_bounds = array<i64: 5, 1280>}, {transform_indices = @transform_1, window_bounds = array<i64: 1280, 128>}, {pipeline_mode = #tpu.pipeline_mode<synchronous>, transform_indices = @transform_2, window_bounds = array<i64: 128, 5>}, {pipeline_mode = #tpu.pipeline_mode<synchronous>, transform_indices = @transform_3, window_bounds = array<i64: 128, 1>}, {pipeline_mode = #tpu.pipeline_mode<synchronous>, transform_indices = @transform_4, window_bounds = array<i64: 4096, 128>}, {pipeline_mode = #tpu.pipeline_mode<synchronous>, transform_indices = @transform_5, window_bounds = array<i64: 64, 64>}, {transform_indices = @transform_6, window_bounds = array<i64: 1280, 128>}]} {
    %get3A = arith.constant 0 : index
    %get3A_0 = arith.constant 0 : index
    %get3A_1 = vector.load %arg3[%get3A, %get3A_0] : memref<128x5xf32, #tpu.memory_space<vmem>>, vector<128x5xf32>
    %get3A_2 = arith.constant 0 : index
    %get3A_3 = arith.constant 0 : index
    %get3A_4 = vector.load %arg1[%get3A_2, %get3A_3] : memref<5x1280xf32, #tpu.memory_space<vmem>>, vector<5x1280xf32>
    %dot_general3A = arith.constant dense<0.000000e+00> : vector<128x1280xf32>
    %dot_general3A_5 = tpu.matmul %get3A_1, %get3A_4, %dot_general3A {dimension_numbers = #tpu.dot_dimension_numbers<[1], [0], [0], [1], [0, 0, 1, 1], [], []>, transpose_lhs_hint = false} : vector<128x5xf32>, vector<5x1280xf32>, vector<128x1280xf32> -> vector<128x1280xf32>
    %get3A_6 = arith.constant 0 : index
    %get3A_7 = arith.constant 0 : index
    %get3A_8 = vector.load %arg4[%get3A_6, %get3A_7] : memref<128x1xf32, #tpu.memory_space<vmem>>, vector<128x1xf32>
    %add3A = vector.broadcast %get3A_8 : vector<128x1xf32> to vector<128x1280xf32>
    %add3A_9 = arith.addf %dot_general3A_5, %add3A : vector<128x1280xf32>
    %max3A = arith.constant 0.000000e+00 : f32
    %max3A_10 = vector.broadcast %max3A : f32 to vector<128x1280xf32>
    %max3A_11 = arith.maximumf %add3A_9, %max3A_10 : vector<128x1280xf32>
    %get3A_12 = arith.constant 0 : index
    %get3A_13 = arith.constant 0 : index
    %get3A_14 = vector.load %arg2[%get3A_12, %get3A_13] : memref<1280x128xf32, #tpu.memory_space<vmem>>, vector<1280x128xf32>
    %transpose3A = tpu.transpose %get3A_14, [1, 0] : vector<1280x128xf32> -> vector<128x1280xf32>
    %get3A_15 = arith.constant 0 : index
    %get3A_16 = arith.constant 0 : index
    %get3A_17 = vector.load %arg6[%get3A_15, %get3A_16] : memref<64x64xf32, #tpu.memory_space<vmem>>, vector<64x64xf32>
    %slice3A = vector.extract_strided_slice %transpose3A {offsets = [0, 0], sizes = [64, 1280], strides = [1, 1]} : vector<128x1280xf32> to vector<64x1280xf32>
    %dot_general3A_18 = arith.constant dense<0.000000e+00> : vector<64x1280xf32>
    %dot_general3A_19 = tpu.matmul %get3A_17, %slice3A, %dot_general3A_18 {dimension_numbers = #tpu.dot_dimension_numbers<[1], [0], [0], [1], [0, 0, 1, 1], [], []>, precision = #tpu.contract_precision<fp32>, transpose_lhs_hint = false} : vector<64x64xf32>, vector<64x1280xf32>, vector<64x1280xf32> -> vector<64x1280xf32>
    %get3A_20 = arith.constant 0 : index
    %get3A_21 = arith.constant 0 : index
    %get3A_22 = vector.load %arg5[%get3A_20, %get3A_21] : memref<4096x128xf32, #tpu.memory_space<vmem>>, vector<512x128xf32>
    %dot_general3A_23 = arith.constant dense<0.000000e+00> : vector<512x1280xf32>
    %dot_general3A_24 = tpu.matmul %get3A_22, %max3A_11, %dot_general3A_23 {dimension_numbers = #tpu.dot_dimension_numbers<[1], [0], [0], [1], [0, 0, 1, 1], [], []>, transpose_lhs_hint = false} : vector<512x128xf32>, vector<128x1280xf32>, vector<512x1280xf32> -> vector<512x1280xf32>
    %slice3A_25 = vector.extract_strided_slice %dot_general3A_24 {offsets = [0, 0], sizes = [64, 1280], strides = [1, 1]} : vector<512x1280xf32> to vector<64x1280xf32>
    %slice3A_26 = vector.extract_strided_slice %transpose3A {offsets = [0, 0], sizes = [1, 1280], strides = [1, 1]} : vector<128x1280xf32> to vector<1x1280xf32>
    %mul3A = vector.broadcast %slice3A_26 : vector<1x1280xf32> to vector<64x1280xf32>
    %mul3A_27 = arith.mulf %slice3A_25, %mul3A : vector<64x1280xf32>
    %add3A_28 = arith.addf %dot_general3A_19, %mul3A_27 : vector<64x1280xf32>
    %slice3A_29 = vector.extract_strided_slice %dot_general3A_24 {offsets = [64, 0], sizes = [64, 1280], strides = [1, 1]} : vector<512x1280xf32> to vector<64x1280xf32>
    %slice3A_30 = vector.extract_strided_slice %transpose3A {offsets = [1, 0], sizes = [1, 1280], strides = [1, 1]} : vector<128x1280xf32> to vector<1x1280xf32>
    %mul3A_31 = vector.broadcast %slice3A_30 : vector<1x1280xf32> to vector<64x1280xf32>
    %mul3A_32 = arith.mulf %slice3A_29, %mul3A_31 : vector<64x1280xf32>
    %add3A_33 = arith.addf %add3A_28, %mul3A_32 : vector<64x1280xf32>
    %slice3A_34 = vector.extract_strided_slice %dot_general3A_24 {offsets = [128, 0], sizes = [64, 1280], strides = [1, 1]} : vector<512x1280xf32> to vector<64x1280xf32>
    %slice3A_35 = vector.extract_strided_slice %transpose3A {offsets = [2, 0], sizes = [1, 1280], strides = [1, 1]} : vector<128x1280xf32> to vector<1x1280xf32>
    %mul3A_36 = vector.broadcast %slice3A_35 : vector<1x1280xf32> to vector<64x1280xf32>
    %mul3A_37 = arith.mulf %slice3A_34, %mul3A_36 : vector<64x1280xf32>
    %add3A_38 = arith.addf %add3A_33, %mul3A_37 : vector<64x1280xf32>
    %slice3A_39 = vector.extract_strided_slice %dot_general3A_24 {offsets = [192, 0], sizes = [64, 1280], strides = [1, 1]} : vector<512x1280xf32> to vector<64x1280xf32>
    %slice3A_40 = vector.extract_strided_slice %transpose3A {offsets = [3, 0], sizes = [1, 1280], strides = [1, 1]} : vector<128x1280xf32> to vector<1x1280xf32>
    %mul3A_41 = vector.broadcast %slice3A_40 : vector<1x1280xf32> to vector<64x1280xf32>
    %mul3A_42 = arith.mulf %slice3A_39, %mul3A_41 : vector<64x1280xf32>
    %add3A_43 = arith.addf %add3A_38, %mul3A_42 : vector<64x1280xf32>
    %slice3A_44 = vector.extract_strided_slice %dot_general3A_24 {offsets = [256, 0], sizes = [64, 1280], strides = [1, 1]} : vector<512x1280xf32> to vector<64x1280xf32>
    %slice3A_45 = vector.extract_strided_slice %transpose3A {offsets = [4, 0], sizes = [1, 1280], strides = [1, 1]} : vector<128x1280xf32> to vector<1x1280xf32>
    %mul3A_46 = vector.broadcast %slice3A_45 : vector<1x1280xf32> to vector<64x1280xf32>
    %mul3A_47 = arith.mulf %slice3A_44, %mul3A_46 : vector<64x1280xf32>
    %add3A_48 = arith.addf %add3A_43, %mul3A_47 : vector<64x1280xf32>
    %slice3A_49 = vector.extract_strided_slice %dot_general3A_24 {offsets = [320, 0], sizes = [64, 1280], strides = [1, 1]} : vector<512x1280xf32> to vector<64x1280xf32>
    %slice3A_50 = vector.extract_strided_slice %transpose3A {offsets = [5, 0], sizes = [1, 1280], strides = [1, 1]} : vector<128x1280xf32> to vector<1x1280xf32>
    %mul3A_51 = vector.broadcast %slice3A_50 : vector<1x1280xf32> to vector<64x1280xf32>
    %mul3A_52 = arith.mulf %slice3A_49, %mul3A_51 : vector<64x1280xf32>
    %add3A_53 = arith.addf %add3A_48, %mul3A_52 : vector<64x1280xf32>
    %slice3A_54 = vector.extract_strided_slice %dot_general3A_24 {offsets = [384, 0], sizes = [64, 1280], strides = [1, 1]} : vector<512x1280xf32> to vector<64x1280xf32>
    %slice3A_55 = vector.extract_strided_slice %transpose3A {offsets = [6, 0], sizes = [1, 1280], strides = [1, 1]} : vector<128x1280xf32> to vector<1x1280xf32>
    %mul3A_56 = vector.broadcast %slice3A_55 : vector<1x1280xf32> to vector<64x1280xf32>
    %mul3A_57 = arith.mulf %slice3A_54, %mul3A_56 : vector<64x1280xf32>
    %add3A_58 = arith.addf %add3A_53, %mul3A_57 : vector<64x1280xf32>
    %slice3A_59 = vector.extract_strided_slice %dot_general3A_24 {offsets = [448, 0], sizes = [64, 1280], strides = [1, 1]} : vector<512x1280xf32> to vector<64x1280xf32>
    %slice3A_60 = vector.extract_strided_slice %transpose3A {offsets = [7, 0], sizes = [1, 1280], strides = [1, 1]} : vector<128x1280xf32> to vector<1x1280xf32>
    %mul3A_61 = vector.broadcast %slice3A_60 : vector<1x1280xf32> to vector<64x1280xf32>
    %mul3A_62 = arith.mulf %slice3A_59, %mul3A_61 : vector<64x1280xf32>
    %add3A_63 = arith.addf %add3A_58, %mul3A_62 : vector<64x1280xf32>
    %get3A_64 = arith.constant 512 : index
    %get3A_65 = arith.constant 0 : index
    %get3A_66 = vector.load %arg5[%get3A_64, %get3A_65] : memref<4096x128xf32, #tpu.memory_space<vmem>>, vector<512x128xf32>
    %dot_general3A_67 = arith.constant dense<0.000000e+00> : vector<512x1280xf32>
    %dot_general3A_68 = tpu.matmul %get3A_66, %max3A_11, %dot_general3A_67 {dimension_numbers = #tpu.dot_dimension_numbers<[1], [0], [0], [1], [0, 0, 1, 1], [], []>, transpose_lhs_hint = false} : vector<512x128xf32>, vector<128x1280xf32>, vector<512x1280xf32> -> vector<512x1280xf32>
    %slice3A_69 = vector.extract_strided_slice %dot_general3A_68 {offsets = [0, 0], sizes = [64, 1280], strides = [1, 1]} : vector<512x1280xf32> to vector<64x1280xf32>
    %slice3A_70 = vector.extract_strided_slice %transpose3A {offsets = [8, 0], sizes = [1, 1280], strides = [1, 1]} : vector<128x1280xf32> to vector<1x1280xf32>
    %mul3A_71 = vector.broadcast %slice3A_70 : vector<1x1280xf32> to vector<64x1280xf32>
    %mul3A_72 = arith.mulf %slice3A_69, %mul3A_71 : vector<64x1280xf32>
    %add3A_73 = arith.addf %add3A_63, %mul3A_72 : vector<64x1280xf32>
    %slice3A_74 = vector.extract_strided_slice %dot_general3A_68 {offsets = [64, 0], sizes = [64, 1280], strides = [1, 1]} : vector<512x1280xf32> to vector<64x1280xf32>
    %slice3A_75 = vector.extract_strided_slice %transpose3A {offsets = [9, 0], sizes = [1, 1280], strides = [1, 1]} : vector<128x1280xf32> to vector<1x1280xf32>
    %mul3A_76 = vector.broadcast %slice3A_75 : vector<1x1280xf32> to vector<64x1280xf32>
    %mul3A_77 = arith.mulf %slice3A_74, %mul3A_76 : vector<64x1280xf32>
    %add3A_78 = arith.addf %add3A_73, %mul3A_77 : vector<64x1280xf32>
    %slice3A_79 = vector.extract_strided_slice %dot_general3A_68 {offsets = [128, 0], sizes = [64, 1280], strides = [1, 1]} : vector<512x1280xf32> to vector<64x1280xf32>
    %slice3A_80 = vector.extract_strided_slice %transpose3A {offsets = [10, 0], sizes = [1, 1280], strides = [1, 1]} : vector<128x1280xf32> to vector<1x1280xf32>
    %mul3A_81 = vector.broadcast %slice3A_80 : vector<1x1280xf32> to vector<64x1280xf32>
    %mul3A_82 = arith.mulf %slice3A_79, %mul3A_81 : vector<64x1280xf32>
    %add3A_83 = arith.addf %add3A_78, %mul3A_82 : vector<64x1280xf32>
    %slice3A_84 = vector.extract_strided_slice %dot_general3A_68 {offsets = [192, 0], sizes = [64, 1280], strides = [1, 1]} : vector<512x1280xf32> to vector<64x1280xf32>
    %slice3A_85 = vector.extract_strided_slice %transpose3A {offsets = [11, 0], sizes = [1, 1280], strides = [1, 1]} : vector<128x1280xf32> to vector<1x1280xf32>
    %mul3A_86 = vector.broadcast %slice3A_85 : vector<1x1280xf32> to vector<64x1280xf32>
    %mul3A_87 = arith.mulf %slice3A_84, %mul3A_86 : vector<64x1280xf32>
    %add3A_88 = arith.addf %add3A_83, %mul3A_87 : vector<64x1280xf32>
    %slice3A_89 = vector.extract_strided_slice %dot_general3A_68 {offsets = [256, 0], sizes = [64, 1280], strides = [1, 1]} : vector<512x1280xf32> to vector<64x1280xf32>
    %slice3A_90 = vector.extract_strided_slice %transpose3A {offsets = [12, 0], sizes = [1, 1280], strides = [1, 1]} : vector<128x1280xf32> to vector<1x1280xf32>
    %mul3A_91 = vector.broadcast %slice3A_90 : vector<1x1280xf32> to vector<64x1280xf32>
    %mul3A_92 = arith.mulf %slice3A_89, %mul3A_91 : vector<64x1280xf32>
    %add3A_93 = arith.addf %add3A_88, %mul3A_92 : vector<64x1280xf32>
    %slice3A_94 = vector.extract_strided_slice %dot_general3A_68 {offsets = [320, 0], sizes = [64, 1280], strides = [1, 1]} : vector<512x1280xf32> to vector<64x1280xf32>
    %slice3A_95 = vector.extract_strided_slice %transpose3A {offsets = [13, 0], sizes = [1, 1280], strides = [1, 1]} : vector<128x1280xf32> to vector<1x1280xf32>
    %mul3A_96 = vector.broadcast %slice3A_95 : vector<1x1280xf32> to vector<64x1280xf32>
    %mul3A_97 = arith.mulf %slice3A_94, %mul3A_96 : vector<64x1280xf32>
    %add3A_98 = arith.addf %add3A_93, %mul3A_97 : vector<64x1280xf32>
    %slice3A_99 = vector.extract_strided_slice %dot_general3A_68 {offsets = [384, 0], sizes = [64, 1280], strides = [1, 1]} : vector<512x1280xf32> to vector<64x1280xf32>
    %slice3A_100 = vector.extract_strided_slice %transpose3A {offsets = [14, 0], sizes = [1, 1280], strides = [1, 1]} : vector<128x1280xf32> to vector<1x1280xf32>
    %mul3A_101 = vector.broadcast %slice3A_100 : vector<1x1280xf32> to vector<64x1280xf32>
    %mul3A_102 = arith.mulf %slice3A_99, %mul3A_101 : vector<64x1280xf32>
    %add3A_103 = arith.addf %add3A_98, %mul3A_102 : vector<64x1280xf32>
    %slice3A_104 = vector.extract_strided_slice %dot_general3A_68 {offsets = [448, 0], sizes = [64, 1280], strides = [1, 1]} : vector<512x1280xf32> to vector<64x1280xf32>
    %slice3A_105 = vector.extract_strided_slice %transpose3A {offsets = [15, 0], sizes = [1, 1280], strides = [1, 1]} : vector<128x1280xf32> to vector<1x1280xf32>
    %mul3A_106 = vector.broadcast %slice3A_105 : vector<1x1280xf32> to vector<64x1280xf32>
    %mul3A_107 = arith.mulf %slice3A_104, %mul3A_106 : vector<64x1280xf32>
    %add3A_108 = arith.addf %add3A_103, %mul3A_107 : vector<64x1280xf32>
    %get3A_109 = arith.constant 1024 : index
    %get3A_110 = arith.constant 0 : index
    %get3A_111 = vector.load %arg5[%get3A_109, %get3A_110] : memref<4096x128xf32, #tpu.memory_space<vmem>>, vector<512x128xf32>
    %dot_general3A_112 = arith.constant dense<0.000000e+00> : vector<512x1280xf32>
    %dot_general3A_113 = tpu.matmul %get3A_111, %max3A_11, %dot_general3A_112 {dimension_numbers = #tpu.dot_dimension_numbers<[1], [0], [0], [1], [0, 0, 1, 1], [], []>, transpose_lhs_hint = false} : vector<512x128xf32>, vector<128x1280xf32>, vector<512x1280xf32> -> vector<512x1280xf32>
    %slice3A_114 = vector.extract_strided_slice %dot_general3A_113 {offsets = [0, 0], sizes = [64, 1280], strides = [1, 1]} : vector<512x1280xf32> to vector<64x1280xf32>
    %slice3A_115 = vector.extract_strided_slice %transpose3A {offsets = [16, 0], sizes = [1, 1280], strides = [1, 1]} : vector<128x1280xf32> to vector<1x1280xf32>
    %mul3A_116 = vector.broadcast %slice3A_115 : vector<1x1280xf32> to vector<64x1280xf32>
    %mul3A_117 = arith.mulf %slice3A_114, %mul3A_116 : vector<64x1280xf32>
    %add3A_118 = arith.addf %add3A_108, %mul3A_117 : vector<64x1280xf32>
    %slice3A_119 = vector.extract_strided_slice %dot_general3A_113 {offsets = [64, 0], sizes = [64, 1280], strides = [1, 1]} : vector<512x1280xf32> to vector<64x1280xf32>
    %slice3A_120 = vector.extract_strided_slice %transpose3A {offsets = [17, 0], sizes = [1, 1280], strides = [1, 1]} : vector<128x1280xf32> to vector<1x1280xf32>
    %mul3A_121 = vector.broadcast %slice3A_120 : vector<1x1280xf32> to vector<64x1280xf32>
    %mul3A_122 = arith.mulf %slice3A_119, %mul3A_121 : vector<64x1280xf32>
    %add3A_123 = arith.addf %add3A_118, %mul3A_122 : vector<64x1280xf32>
    %slice3A_124 = vector.extract_strided_slice %dot_general3A_113 {offsets = [128, 0], sizes = [64, 1280], strides = [1, 1]} : vector<512x1280xf32> to vector<64x1280xf32>
    %slice3A_125 = vector.extract_strided_slice %transpose3A {offsets = [18, 0], sizes = [1, 1280], strides = [1, 1]} : vector<128x1280xf32> to vector<1x1280xf32>
    %mul3A_126 = vector.broadcast %slice3A_125 : vector<1x1280xf32> to vector<64x1280xf32>
    %mul3A_127 = arith.mulf %slice3A_124, %mul3A_126 : vector<64x1280xf32>
    %add3A_128 = arith.addf %add3A_123, %mul3A_127 : vector<64x1280xf32>
    %slice3A_129 = vector.extract_strided_slice %dot_general3A_113 {offsets = [192, 0], sizes = [64, 1280], strides = [1, 1]} : vector<512x1280xf32> to vector<64x1280xf32>
    %slice3A_130 = vector.extract_strided_slice %transpose3A {offsets = [19, 0], sizes = [1, 1280], strides = [1, 1]} : vector<128x1280xf32> to vector<1x1280xf32>
    %mul3A_131 = vector.broadcast %slice3A_130 : vector<1x1280xf32> to vector<64x1280xf32>
    %mul3A_132 = arith.mulf %slice3A_129, %mul3A_131 : vector<64x1280xf32>
    %add3A_133 = arith.addf %add3A_128, %mul3A_132 : vector<64x1280xf32>
    %slice3A_134 = vector.extract_strided_slice %dot_general3A_113 {offsets = [256, 0], sizes = [64, 1280], strides = [1, 1]} : vector<512x1280xf32> to vector<64x1280xf32>
    %slice3A_135 = vector.extract_strided_slice %transpose3A {offsets = [20, 0], sizes = [1, 1280], strides = [1, 1]} : vector<128x1280xf32> to vector<1x1280xf32>
    %mul3A_136 = vector.broadcast %slice3A_135 : vector<1x1280xf32> to vector<64x1280xf32>
    %mul3A_137 = arith.mulf %slice3A_134, %mul3A_136 : vector<64x1280xf32>
    %add3A_138 = arith.addf %add3A_133, %mul3A_137 : vector<64x1280xf32>
    %slice3A_139 = vector.extract_strided_slice %dot_general3A_113 {offsets = [320, 0], sizes = [64, 1280], strides = [1, 1]} : vector<512x1280xf32> to vector<64x1280xf32>
    %slice3A_140 = vector.extract_strided_slice %transpose3A {offsets = [21, 0], sizes = [1, 1280], strides = [1, 1]} : vector<128x1280xf32> to vector<1x1280xf32>
    %mul3A_141 = vector.broadcast %slice3A_140 : vector<1x1280xf32> to vector<64x1280xf32>
    %mul3A_142 = arith.mulf %slice3A_139, %mul3A_141 : vector<64x1280xf32>
    %add3A_143 = arith.addf %add3A_138, %mul3A_142 : vector<64x1280xf32>
    %slice3A_144 = vector.extract_strided_slice %dot_general3A_113 {offsets = [384, 0], sizes = [64, 1280], strides = [1, 1]} : vector<512x1280xf32> to vector<64x1280xf32>
    %slice3A_145 = vector.extract_strided_slice %transpose3A {offsets = [22, 0], sizes = [1, 1280], strides = [1, 1]} : vector<128x1280xf32> to vector<1x1280xf32>
    %mul3A_146 = vector.broadcast %slice3A_145 : vector<1x1280xf32> to vector<64x1280xf32>
    %mul3A_147 = arith.mulf %slice3A_144, %mul3A_146 : vector<64x1280xf32>
    %add3A_148 = arith.addf %add3A_143, %mul3A_147 : vector<64x1280xf32>
    %slice3A_149 = vector.extract_strided_slice %dot_general3A_113 {offsets = [448, 0], sizes = [64, 1280], strides = [1, 1]} : vector<512x1280xf32> to vector<64x1280xf32>
    %slice3A_150 = vector.extract_strided_slice %transpose3A {offsets = [23, 0], sizes = [1, 1280], strides = [1, 1]} : vector<128x1280xf32> to vector<1x1280xf32>
    %mul3A_151 = vector.broadcast %slice3A_150 : vector<1x1280xf32> to vector<64x1280xf32>
    %mul3A_152 = arith.mulf %slice3A_149, %mul3A_151 : vector<64x1280xf32>
    %add3A_153 = arith.addf %add3A_148, %mul3A_152 : vector<64x1280xf32>
    %get3A_154 = arith.constant 1536 : index
    %get3A_155 = arith.constant 0 : index
    %get3A_156 = vector.load %arg5[%get3A_154, %get3A_155] : memref<4096x128xf32, #tpu.memory_space<vmem>>, vector<512x128xf32>
    %dot_general3A_157 = arith.constant dense<0.000000e+00> : vector<512x1280xf32>
    %dot_general3A_158 = tpu.matmul %get3A_156, %max3A_11, %dot_general3A_157 {dimension_numbers = #tpu.dot_dimension_numbers<[1], [0], [0], [1], [0, 0, 1, 1], [], []>, transpose_lhs_hint = false} : vector<512x128xf32>, vector<128x1280xf32>, vector<512x1280xf32> -> vector<512x1280xf32>
    %slice3A_159 = vector.extract_strided_slice %dot_general3A_158 {offsets = [0, 0], sizes = [64, 1280], strides = [1, 1]} : vector<512x1280xf32> to vector<64x1280xf32>
    %slice3A_160 = vector.extract_strided_slice %transpose3A {offsets = [24, 0], sizes = [1, 1280], strides = [1, 1]} : vector<128x1280xf32> to vector<1x1280xf32>
    %mul3A_161 = vector.broadcast %slice3A_160 : vector<1x1280xf32> to vector<64x1280xf32>
    %mul3A_162 = arith.mulf %slice3A_159, %mul3A_161 : vector<64x1280xf32>
    %add3A_163 = arith.addf %add3A_153, %mul3A_162 : vector<64x1280xf32>
    %slice3A_164 = vector.extract_strided_slice %dot_general3A_158 {offsets = [64, 0], sizes = [64, 1280], strides = [1, 1]} : vector<512x1280xf32> to vector<64x1280xf32>
    %slice3A_165 = vector.extract_strided_slice %transpose3A {offsets = [25, 0], sizes = [1, 1280], strides = [1, 1]} : vector<128x1280xf32> to vector<1x1280xf32>
    %mul3A_166 = vector.broadcast %slice3A_165 : vector<1x1280xf32> to vector<64x1280xf32>
    %mul3A_167 = arith.mulf %slice3A_164, %mul3A_166 : vector<64x1280xf32>
    %add3A_168 = arith.addf %add3A_163, %mul3A_167 : vector<64x1280xf32>
    %slice3A_169 = vector.extract_strided_slice %dot_general3A_158 {offsets = [128, 0], sizes = [64, 1280], strides = [1, 1]} : vector<512x1280xf32> to vector<64x1280xf32>
    %slice3A_170 = vector.extract_strided_slice %transpose3A {offsets = [26, 0], sizes = [1, 1280], strides = [1, 1]} : vector<128x1280xf32> to vector<1x1280xf32>
    %mul3A_171 = vector.broadcast %slice3A_170 : vector<1x1280xf32> to vector<64x1280xf32>
    %mul3A_172 = arith.mulf %slice3A_169, %mul3A_171 : vector<64x1280xf32>
    %add3A_173 = arith.addf %add3A_168, %mul3A_172 : vector<64x1280xf32>
    %slice3A_174 = vector.extract_strided_slice %dot_general3A_158 {offsets = [192, 0], sizes = [64, 1280], strides = [1, 1]} : vector<512x1280xf32> to vector<64x1280xf32>
    %slice3A_175 = vector.extract_strided_slice %transpose3A {offsets = [27, 0], sizes = [1, 1280], strides = [1, 1]} : vector<128x1280xf32> to vector<1x1280xf32>
    %mul3A_176 = vector.broadcast %slice3A_175 : vector<1x1280xf32> to vector<64x1280xf32>
    %mul3A_177 = arith.mulf %slice3A_174, %mul3A_176 : vector<64x1280xf32>
    %add3A_178 = arith.addf %add3A_173, %mul3A_177 : vector<64x1280xf32>
    %slice3A_179 = vector.extract_strided_slice %dot_general3A_158 {offsets = [256, 0], sizes = [64, 1280], strides = [1, 1]} : vector<512x1280xf32> to vector<64x1280xf32>
    %slice3A_180 = vector.extract_strided_slice %transpose3A {offsets = [28, 0], sizes = [1, 1280], strides = [1, 1]} : vector<128x1280xf32> to vector<1x1280xf32>
    %mul3A_181 = vector.broadcast %slice3A_180 : vector<1x1280xf32> to vector<64x1280xf32>
    %mul3A_182 = arith.mulf %slice3A_179, %mul3A_181 : vector<64x1280xf32>
    %add3A_183 = arith.addf %add3A_178, %mul3A_182 : vector<64x1280xf32>
    %slice3A_184 = vector.extract_strided_slice %dot_general3A_158 {offsets = [320, 0], sizes = [64, 1280], strides = [1, 1]} : vector<512x1280xf32> to vector<64x1280xf32>
    %slice3A_185 = vector.extract_strided_slice %transpose3A {offsets = [29, 0], sizes = [1, 1280], strides = [1, 1]} : vector<128x1280xf32> to vector<1x1280xf32>
    %mul3A_186 = vector.broadcast %slice3A_185 : vector<1x1280xf32> to vector<64x1280xf32>
    %mul3A_187 = arith.mulf %slice3A_184, %mul3A_186 : vector<64x1280xf32>
    %add3A_188 = arith.addf %add3A_183, %mul3A_187 : vector<64x1280xf32>
    %slice3A_189 = vector.extract_strided_slice %dot_general3A_158 {offsets = [384, 0], sizes = [64, 1280], strides = [1, 1]} : vector<512x1280xf32> to vector<64x1280xf32>
    %slice3A_190 = vector.extract_strided_slice %transpose3A {offsets = [30, 0], sizes = [1, 1280], strides = [1, 1]} : vector<128x1280xf32> to vector<1x1280xf32>
    %mul3A_191 = vector.broadcast %slice3A_190 : vector<1x1280xf32> to vector<64x1280xf32>
    %mul3A_192 = arith.mulf %slice3A_189, %mul3A_191 : vector<64x1280xf32>
    %add3A_193 = arith.addf %add3A_188, %mul3A_192 : vector<64x1280xf32>
    %slice3A_194 = vector.extract_strided_slice %dot_general3A_158 {offsets = [448, 0], sizes = [64, 1280], strides = [1, 1]} : vector<512x1280xf32> to vector<64x1280xf32>
    %slice3A_195 = vector.extract_strided_slice %transpose3A {offsets = [31, 0], sizes = [1, 1280], strides = [1, 1]} : vector<128x1280xf32> to vector<1x1280xf32>
    %mul3A_196 = vector.broadcast %slice3A_195 : vector<1x1280xf32> to vector<64x1280xf32>
    %mul3A_197 = arith.mulf %slice3A_194, %mul3A_196 : vector<64x1280xf32>
    %add3A_198 = arith.addf %add3A_193, %mul3A_197 : vector<64x1280xf32>
    %get3A_199 = arith.constant 2048 : index
    %get3A_200 = arith.constant 0 : index
    %get3A_201 = vector.load %arg5[%get3A_199, %get3A_200] : memref<4096x128xf32, #tpu.memory_space<vmem>>, vector<512x128xf32>
    %dot_general3A_202 = arith.constant dense<0.000000e+00> : vector<512x1280xf32>
    %dot_general3A_203 = tpu.matmul %get3A_201, %max3A_11, %dot_general3A_202 {dimension_numbers = #tpu.dot_dimension_numbers<[1], [0], [0], [1], [0, 0, 1, 1], [], []>, transpose_lhs_hint = false} : vector<512x128xf32>, vector<128x1280xf32>, vector<512x1280xf32> -> vector<512x1280xf32>
    %slice3A_204 = vector.extract_strided_slice %dot_general3A_203 {offsets = [0, 0], sizes = [64, 1280], strides = [1, 1]} : vector<512x1280xf32> to vector<64x1280xf32>
    %slice3A_205 = vector.extract_strided_slice %transpose3A {offsets = [32, 0], sizes = [1, 1280], strides = [1, 1]} : vector<128x1280xf32> to vector<1x1280xf32>
    %mul3A_206 = vector.broadcast %slice3A_205 : vector<1x1280xf32> to vector<64x1280xf32>
    %mul3A_207 = arith.mulf %slice3A_204, %mul3A_206 : vector<64x1280xf32>
    %add3A_208 = arith.addf %add3A_198, %mul3A_207 : vector<64x1280xf32>
    %slice3A_209 = vector.extract_strided_slice %dot_general3A_203 {offsets = [64, 0], sizes = [64, 1280], strides = [1, 1]} : vector<512x1280xf32> to vector<64x1280xf32>
    %slice3A_210 = vector.extract_strided_slice %transpose3A {offsets = [33, 0], sizes = [1, 1280], strides = [1, 1]} : vector<128x1280xf32> to vector<1x1280xf32>
    %mul3A_211 = vector.broadcast %slice3A_210 : vector<1x1280xf32> to vector<64x1280xf32>
    %mul3A_212 = arith.mulf %slice3A_209, %mul3A_211 : vector<64x1280xf32>
    %add3A_213 = arith.addf %add3A_208, %mul3A_212 : vector<64x1280xf32>
    %slice3A_214 = vector.extract_strided_slice %dot_general3A_203 {offsets = [128, 0], sizes = [64, 1280], strides = [1, 1]} : vector<512x1280xf32> to vector<64x1280xf32>
    %slice3A_215 = vector.extract_strided_slice %transpose3A {offsets = [34, 0], sizes = [1, 1280], strides = [1, 1]} : vector<128x1280xf32> to vector<1x1280xf32>
    %mul3A_216 = vector.broadcast %slice3A_215 : vector<1x1280xf32> to vector<64x1280xf32>
    %mul3A_217 = arith.mulf %slice3A_214, %mul3A_216 : vector<64x1280xf32>
    %add3A_218 = arith.addf %add3A_213, %mul3A_217 : vector<64x1280xf32>
    %slice3A_219 = vector.extract_strided_slice %dot_general3A_203 {offsets = [192, 0], sizes = [64, 1280], strides = [1, 1]} : vector<512x1280xf32> to vector<64x1280xf32>
    %slice3A_220 = vector.extract_strided_slice %transpose3A {offsets = [35, 0], sizes = [1, 1280], strides = [1, 1]} : vector<128x1280xf32> to vector<1x1280xf32>
    %mul3A_221 = vector.broadcast %slice3A_220 : vector<1x1280xf32> to vector<64x1280xf32>
    %mul3A_222 = arith.mulf %slice3A_219, %mul3A_221 : vector<64x1280xf32>
    %add3A_223 = arith.addf %add3A_218, %mul3A_222 : vector<64x1280xf32>
    %slice3A_224 = vector.extract_strided_slice %dot_general3A_203 {offsets = [256, 0], sizes = [64, 1280], strides = [1, 1]} : vector<512x1280xf32> to vector<64x1280xf32>
    %slice3A_225 = vector.extract_strided_slice %transpose3A {offsets = [36, 0], sizes = [1, 1280], strides = [1, 1]} : vector<128x1280xf32> to vector<1x1280xf32>
    %mul3A_226 = vector.broadcast %slice3A_225 : vector<1x1280xf32> to vector<64x1280xf32>
    %mul3A_227 = arith.mulf %slice3A_224, %mul3A_226 : vector<64x1280xf32>
    %add3A_228 = arith.addf %add3A_223, %mul3A_227 : vector<64x1280xf32>
    %slice3A_229 = vector.extract_strided_slice %dot_general3A_203 {offsets = [320, 0], sizes = [64, 1280], strides = [1, 1]} : vector<512x1280xf32> to vector<64x1280xf32>
    %slice3A_230 = vector.extract_strided_slice %transpose3A {offsets = [37, 0], sizes = [1, 1280], strides = [1, 1]} : vector<128x1280xf32> to vector<1x1280xf32>
    %mul3A_231 = vector.broadcast %slice3A_230 : vector<1x1280xf32> to vector<64x1280xf32>
    %mul3A_232 = arith.mulf %slice3A_229, %mul3A_231 : vector<64x1280xf32>
    %add3A_233 = arith.addf %add3A_228, %mul3A_232 : vector<64x1280xf32>
    %slice3A_234 = vector.extract_strided_slice %dot_general3A_203 {offsets = [384, 0], sizes = [64, 1280], strides = [1, 1]} : vector<512x1280xf32> to vector<64x1280xf32>
    %slice3A_235 = vector.extract_strided_slice %transpose3A {offsets = [38, 0], sizes = [1, 1280], strides = [1, 1]} : vector<128x1280xf32> to vector<1x1280xf32>
    %mul3A_236 = vector.broadcast %slice3A_235 : vector<1x1280xf32> to vector<64x1280xf32>
    %mul3A_237 = arith.mulf %slice3A_234, %mul3A_236 : vector<64x1280xf32>
    %add3A_238 = arith.addf %add3A_233, %mul3A_237 : vector<64x1280xf32>
    %slice3A_239 = vector.extract_strided_slice %dot_general3A_203 {offsets = [448, 0], sizes = [64, 1280], strides = [1, 1]} : vector<512x1280xf32> to vector<64x1280xf32>
    %slice3A_240 = vector.extract_strided_slice %transpose3A {offsets = [39, 0], sizes = [1, 1280], strides = [1, 1]} : vector<128x1280xf32> to vector<1x1280xf32>
    %mul3A_241 = vector.broadcast %slice3A_240 : vector<1x1280xf32> to vector<64x1280xf32>
    %mul3A_242 = arith.mulf %slice3A_239, %mul3A_241 : vector<64x1280xf32>
    %add3A_243 = arith.addf %add3A_238, %mul3A_242 : vector<64x1280xf32>
    %get3A_244 = arith.constant 2560 : index
    %get3A_245 = arith.constant 0 : index
    %get3A_246 = vector.load %arg5[%get3A_244, %get3A_245] : memref<4096x128xf32, #tpu.memory_space<vmem>>, vector<512x128xf32>
    %dot_general3A_247 = arith.constant dense<0.000000e+00> : vector<512x1280xf32>
    %dot_general3A_248 = tpu.matmul %get3A_246, %max3A_11, %dot_general3A_247 {dimension_numbers = #tpu.dot_dimension_numbers<[1], [0], [0], [1], [0, 0, 1, 1], [], []>, transpose_lhs_hint = false} : vector<512x128xf32>, vector<128x1280xf32>, vector<512x1280xf32> -> vector<512x1280xf32>
    %slice3A_249 = vector.extract_strided_slice %dot_general3A_248 {offsets = [0, 0], sizes = [64, 1280], strides = [1, 1]} : vector<512x1280xf32> to vector<64x1280xf32>
    %slice3A_250 = vector.extract_strided_slice %transpose3A {offsets = [40, 0], sizes = [1, 1280], strides = [1, 1]} : vector<128x1280xf32> to vector<1x1280xf32>
    %mul3A_251 = vector.broadcast %slice3A_250 : vector<1x1280xf32> to vector<64x1280xf32>
    %mul3A_252 = arith.mulf %slice3A_249, %mul3A_251 : vector<64x1280xf32>
    %add3A_253 = arith.addf %add3A_243, %mul3A_252 : vector<64x1280xf32>
    %slice3A_254 = vector.extract_strided_slice %dot_general3A_248 {offsets = [64, 0], sizes = [64, 1280], strides = [1, 1]} : vector<512x1280xf32> to vector<64x1280xf32>
    %slice3A_255 = vector.extract_strided_slice %transpose3A {offsets = [41, 0], sizes = [1, 1280], strides = [1, 1]} : vector<128x1280xf32> to vector<1x1280xf32>
    %mul3A_256 = vector.broadcast %slice3A_255 : vector<1x1280xf32> to vector<64x1280xf32>
    %mul3A_257 = arith.mulf %slice3A_254, %mul3A_256 : vector<64x1280xf32>
    %add3A_258 = arith.addf %add3A_253, %mul3A_257 : vector<64x1280xf32>
    %slice3A_259 = vector.extract_strided_slice %dot_general3A_248 {offsets = [128, 0], sizes = [64, 1280], strides = [1, 1]} : vector<512x1280xf32> to vector<64x1280xf32>
    %slice3A_260 = vector.extract_strided_slice %transpose3A {offsets = [42, 0], sizes = [1, 1280], strides = [1, 1]} : vector<128x1280xf32> to vector<1x1280xf32>
    %mul3A_261 = vector.broadcast %slice3A_260 : vector<1x1280xf32> to vector<64x1280xf32>
    %mul3A_262 = arith.mulf %slice3A_259, %mul3A_261 : vector<64x1280xf32>
    %add3A_263 = arith.addf %add3A_258, %mul3A_262 : vector<64x1280xf32>
    %slice3A_264 = vector.extract_strided_slice %dot_general3A_248 {offsets = [192, 0], sizes = [64, 1280], strides = [1, 1]} : vector<512x1280xf32> to vector<64x1280xf32>
    %slice3A_265 = vector.extract_strided_slice %transpose3A {offsets = [43, 0], sizes = [1, 1280], strides = [1, 1]} : vector<128x1280xf32> to vector<1x1280xf32>
    %mul3A_266 = vector.broadcast %slice3A_265 : vector<1x1280xf32> to vector<64x1280xf32>
    %mul3A_267 = arith.mulf %slice3A_264, %mul3A_266 : vector<64x1280xf32>
    %add3A_268 = arith.addf %add3A_263, %mul3A_267 : vector<64x1280xf32>
    %slice3A_269 = vector.extract_strided_slice %dot_general3A_248 {offsets = [256, 0], sizes = [64, 1280], strides = [1, 1]} : vector<512x1280xf32> to vector<64x1280xf32>
    %slice3A_270 = vector.extract_strided_slice %transpose3A {offsets = [44, 0], sizes = [1, 1280], strides = [1, 1]} : vector<128x1280xf32> to vector<1x1280xf32>
    %mul3A_271 = vector.broadcast %slice3A_270 : vector<1x1280xf32> to vector<64x1280xf32>
    %mul3A_272 = arith.mulf %slice3A_269, %mul3A_271 : vector<64x1280xf32>
    %add3A_273 = arith.addf %add3A_268, %mul3A_272 : vector<64x1280xf32>
    %slice3A_274 = vector.extract_strided_slice %dot_general3A_248 {offsets = [320, 0], sizes = [64, 1280], strides = [1, 1]} : vector<512x1280xf32> to vector<64x1280xf32>
    %slice3A_275 = vector.extract_strided_slice %transpose3A {offsets = [45, 0], sizes = [1, 1280], strides = [1, 1]} : vector<128x1280xf32> to vector<1x1280xf32>
    %mul3A_276 = vector.broadcast %slice3A_275 : vector<1x1280xf32> to vector<64x1280xf32>
    %mul3A_277 = arith.mulf %slice3A_274, %mul3A_276 : vector<64x1280xf32>
    %add3A_278 = arith.addf %add3A_273, %mul3A_277 : vector<64x1280xf32>
    %slice3A_279 = vector.extract_strided_slice %dot_general3A_248 {offsets = [384, 0], sizes = [64, 1280], strides = [1, 1]} : vector<512x1280xf32> to vector<64x1280xf32>
    %slice3A_280 = vector.extract_strided_slice %transpose3A {offsets = [46, 0], sizes = [1, 1280], strides = [1, 1]} : vector<128x1280xf32> to vector<1x1280xf32>
    %mul3A_281 = vector.broadcast %slice3A_280 : vector<1x1280xf32> to vector<64x1280xf32>
    %mul3A_282 = arith.mulf %slice3A_279, %mul3A_281 : vector<64x1280xf32>
    %add3A_283 = arith.addf %add3A_278, %mul3A_282 : vector<64x1280xf32>
    %slice3A_284 = vector.extract_strided_slice %dot_general3A_248 {offsets = [448, 0], sizes = [64, 1280], strides = [1, 1]} : vector<512x1280xf32> to vector<64x1280xf32>
    %slice3A_285 = vector.extract_strided_slice %transpose3A {offsets = [47, 0], sizes = [1, 1280], strides = [1, 1]} : vector<128x1280xf32> to vector<1x1280xf32>
    %mul3A_286 = vector.broadcast %slice3A_285 : vector<1x1280xf32> to vector<64x1280xf32>
    %mul3A_287 = arith.mulf %slice3A_284, %mul3A_286 : vector<64x1280xf32>
    %add3A_288 = arith.addf %add3A_283, %mul3A_287 : vector<64x1280xf32>
    %get3A_289 = arith.constant 3072 : index
    %get3A_290 = arith.constant 0 : index
    %get3A_291 = vector.load %arg5[%get3A_289, %get3A_290] : memref<4096x128xf32, #tpu.memory_space<vmem>>, vector<512x128xf32>
    %dot_general3A_292 = arith.constant dense<0.000000e+00> : vector<512x1280xf32>
    %dot_general3A_293 = tpu.matmul %get3A_291, %max3A_11, %dot_general3A_292 {dimension_numbers = #tpu.dot_dimension_numbers<[1], [0], [0], [1], [0, 0, 1, 1], [], []>, transpose_lhs_hint = false} : vector<512x128xf32>, vector<128x1280xf32>, vector<512x1280xf32> -> vector<512x1280xf32>
    %slice3A_294 = vector.extract_strided_slice %dot_general3A_293 {offsets = [0, 0], sizes = [64, 1280], strides = [1, 1]} : vector<512x1280xf32> to vector<64x1280xf32>
    %slice3A_295 = vector.extract_strided_slice %transpose3A {offsets = [48, 0], sizes = [1, 1280], strides = [1, 1]} : vector<128x1280xf32> to vector<1x1280xf32>
    %mul3A_296 = vector.broadcast %slice3A_295 : vector<1x1280xf32> to vector<64x1280xf32>
    %mul3A_297 = arith.mulf %slice3A_294, %mul3A_296 : vector<64x1280xf32>
    %add3A_298 = arith.addf %add3A_288, %mul3A_297 : vector<64x1280xf32>
    %slice3A_299 = vector.extract_strided_slice %dot_general3A_293 {offsets = [64, 0], sizes = [64, 1280], strides = [1, 1]} : vector<512x1280xf32> to vector<64x1280xf32>
    %slice3A_300 = vector.extract_strided_slice %transpose3A {offsets = [49, 0], sizes = [1, 1280], strides = [1, 1]} : vector<128x1280xf32> to vector<1x1280xf32>
    %mul3A_301 = vector.broadcast %slice3A_300 : vector<1x1280xf32> to vector<64x1280xf32>
    %mul3A_302 = arith.mulf %slice3A_299, %mul3A_301 : vector<64x1280xf32>
    %add3A_303 = arith.addf %add3A_298, %mul3A_302 : vector<64x1280xf32>
    %slice3A_304 = vector.extract_strided_slice %dot_general3A_293 {offsets = [128, 0], sizes = [64, 1280], strides = [1, 1]} : vector<512x1280xf32> to vector<64x1280xf32>
    %slice3A_305 = vector.extract_strided_slice %transpose3A {offsets = [50, 0], sizes = [1, 1280], strides = [1, 1]} : vector<128x1280xf32> to vector<1x1280xf32>
    %mul3A_306 = vector.broadcast %slice3A_305 : vector<1x1280xf32> to vector<64x1280xf32>
    %mul3A_307 = arith.mulf %slice3A_304, %mul3A_306 : vector<64x1280xf32>
    %add3A_308 = arith.addf %add3A_303, %mul3A_307 : vector<64x1280xf32>
    %slice3A_309 = vector.extract_strided_slice %dot_general3A_293 {offsets = [192, 0], sizes = [64, 1280], strides = [1, 1]} : vector<512x1280xf32> to vector<64x1280xf32>
    %slice3A_310 = vector.extract_strided_slice %transpose3A {offsets = [51, 0], sizes = [1, 1280], strides = [1, 1]} : vector<128x1280xf32> to vector<1x1280xf32>
    %mul3A_311 = vector.broadcast %slice3A_310 : vector<1x1280xf32> to vector<64x1280xf32>
    %mul3A_312 = arith.mulf %slice3A_309, %mul3A_311 : vector<64x1280xf32>
    %add3A_313 = arith.addf %add3A_308, %mul3A_312 : vector<64x1280xf32>
    %slice3A_314 = vector.extract_strided_slice %dot_general3A_293 {offsets = [256, 0], sizes = [64, 1280], strides = [1, 1]} : vector<512x1280xf32> to vector<64x1280xf32>
    %slice3A_315 = vector.extract_strided_slice %transpose3A {offsets = [52, 0], sizes = [1, 1280], strides = [1, 1]} : vector<128x1280xf32> to vector<1x1280xf32>
    %mul3A_316 = vector.broadcast %slice3A_315 : vector<1x1280xf32> to vector<64x1280xf32>
    %mul3A_317 = arith.mulf %slice3A_314, %mul3A_316 : vector<64x1280xf32>
    %add3A_318 = arith.addf %add3A_313, %mul3A_317 : vector<64x1280xf32>
    %slice3A_319 = vector.extract_strided_slice %dot_general3A_293 {offsets = [320, 0], sizes = [64, 1280], strides = [1, 1]} : vector<512x1280xf32> to vector<64x1280xf32>
    %slice3A_320 = vector.extract_strided_slice %transpose3A {offsets = [53, 0], sizes = [1, 1280], strides = [1, 1]} : vector<128x1280xf32> to vector<1x1280xf32>
    %mul3A_321 = vector.broadcast %slice3A_320 : vector<1x1280xf32> to vector<64x1280xf32>
    %mul3A_322 = arith.mulf %slice3A_319, %mul3A_321 : vector<64x1280xf32>
    %add3A_323 = arith.addf %add3A_318, %mul3A_322 : vector<64x1280xf32>
    %slice3A_324 = vector.extract_strided_slice %dot_general3A_293 {offsets = [384, 0], sizes = [64, 1280], strides = [1, 1]} : vector<512x1280xf32> to vector<64x1280xf32>
    %slice3A_325 = vector.extract_strided_slice %transpose3A {offsets = [54, 0], sizes = [1, 1280], strides = [1, 1]} : vector<128x1280xf32> to vector<1x1280xf32>
    %mul3A_326 = vector.broadcast %slice3A_325 : vector<1x1280xf32> to vector<64x1280xf32>
    %mul3A_327 = arith.mulf %slice3A_324, %mul3A_326 : vector<64x1280xf32>
    %add3A_328 = arith.addf %add3A_323, %mul3A_327 : vector<64x1280xf32>
    %slice3A_329 = vector.extract_strided_slice %dot_general3A_293 {offsets = [448, 0], sizes = [64, 1280], strides = [1, 1]} : vector<512x1280xf32> to vector<64x1280xf32>
    %slice3A_330 = vector.extract_strided_slice %transpose3A {offsets = [55, 0], sizes = [1, 1280], strides = [1, 1]} : vector<128x1280xf32> to vector<1x1280xf32>
    %mul3A_331 = vector.broadcast %slice3A_330 : vector<1x1280xf32> to vector<64x1280xf32>
    %mul3A_332 = arith.mulf %slice3A_329, %mul3A_331 : vector<64x1280xf32>
    %add3A_333 = arith.addf %add3A_328, %mul3A_332 : vector<64x1280xf32>
    %get3A_334 = arith.constant 3584 : index
    %get3A_335 = arith.constant 0 : index
    %get3A_336 = vector.load %arg5[%get3A_334, %get3A_335] : memref<4096x128xf32, #tpu.memory_space<vmem>>, vector<512x128xf32>
    %dot_general3A_337 = arith.constant dense<0.000000e+00> : vector<512x1280xf32>
    %dot_general3A_338 = tpu.matmul %get3A_336, %max3A_11, %dot_general3A_337 {dimension_numbers = #tpu.dot_dimension_numbers<[1], [0], [0], [1], [0, 0, 1, 1], [], []>, transpose_lhs_hint = false} : vector<512x128xf32>, vector<128x1280xf32>, vector<512x1280xf32> -> vector<512x1280xf32>
    %slice3A_339 = vector.extract_strided_slice %dot_general3A_338 {offsets = [0, 0], sizes = [64, 1280], strides = [1, 1]} : vector<512x1280xf32> to vector<64x1280xf32>
    %slice3A_340 = vector.extract_strided_slice %transpose3A {offsets = [56, 0], sizes = [1, 1280], strides = [1, 1]} : vector<128x1280xf32> to vector<1x1280xf32>
    %mul3A_341 = vector.broadcast %slice3A_340 : vector<1x1280xf32> to vector<64x1280xf32>
    %mul3A_342 = arith.mulf %slice3A_339, %mul3A_341 : vector<64x1280xf32>
    %add3A_343 = arith.addf %add3A_333, %mul3A_342 : vector<64x1280xf32>
    %slice3A_344 = vector.extract_strided_slice %dot_general3A_338 {offsets = [64, 0], sizes = [64, 1280], strides = [1, 1]} : vector<512x1280xf32> to vector<64x1280xf32>
    %slice3A_345 = vector.extract_strided_slice %transpose3A {offsets = [57, 0], sizes = [1, 1280], strides = [1, 1]} : vector<128x1280xf32> to vector<1x1280xf32>
    %mul3A_346 = vector.broadcast %slice3A_345 : vector<1x1280xf32> to vector<64x1280xf32>
    %mul3A_347 = arith.mulf %slice3A_344, %mul3A_346 : vector<64x1280xf32>
    %add3A_348 = arith.addf %add3A_343, %mul3A_347 : vector<64x1280xf32>
    %slice3A_349 = vector.extract_strided_slice %dot_general3A_338 {offsets = [128, 0], sizes = [64, 1280], strides = [1, 1]} : vector<512x1280xf32> to vector<64x1280xf32>
    %slice3A_350 = vector.extract_strided_slice %transpose3A {offsets = [58, 0], sizes = [1, 1280], strides = [1, 1]} : vector<128x1280xf32> to vector<1x1280xf32>
    %mul3A_351 = vector.broadcast %slice3A_350 : vector<1x1280xf32> to vector<64x1280xf32>
    %mul3A_352 = arith.mulf %slice3A_349, %mul3A_351 : vector<64x1280xf32>
    %add3A_353 = arith.addf %add3A_348, %mul3A_352 : vector<64x1280xf32>
    %slice3A_354 = vector.extract_strided_slice %dot_general3A_338 {offsets = [192, 0], sizes = [64, 1280], strides = [1, 1]} : vector<512x1280xf32> to vector<64x1280xf32>
    %slice3A_355 = vector.extract_strided_slice %transpose3A {offsets = [59, 0], sizes = [1, 1280], strides = [1, 1]} : vector<128x1280xf32> to vector<1x1280xf32>
    %mul3A_356 = vector.broadcast %slice3A_355 : vector<1x1280xf32> to vector<64x1280xf32>
    %mul3A_357 = arith.mulf %slice3A_354, %mul3A_356 : vector<64x1280xf32>
    %add3A_358 = arith.addf %add3A_353, %mul3A_357 : vector<64x1280xf32>
    %slice3A_359 = vector.extract_strided_slice %dot_general3A_338 {offsets = [256, 0], sizes = [64, 1280], strides = [1, 1]} : vector<512x1280xf32> to vector<64x1280xf32>
    %slice3A_360 = vector.extract_strided_slice %transpose3A {offsets = [60, 0], sizes = [1, 1280], strides = [1, 1]} : vector<128x1280xf32> to vector<1x1280xf32>
    %mul3A_361 = vector.broadcast %slice3A_360 : vector<1x1280xf32> to vector<64x1280xf32>
    %mul3A_362 = arith.mulf %slice3A_359, %mul3A_361 : vector<64x1280xf32>
    %add3A_363 = arith.addf %add3A_358, %mul3A_362 : vector<64x1280xf32>
    %slice3A_364 = vector.extract_strided_slice %dot_general3A_338 {offsets = [320, 0], sizes = [64, 1280], strides = [1, 1]} : vector<512x1280xf32> to vector<64x1280xf32>
    %slice3A_365 = vector.extract_strided_slice %transpose3A {offsets = [61, 0], sizes = [1, 1280], strides = [1, 1]} : vector<128x1280xf32> to vector<1x1280xf32>
    %mul3A_366 = vector.broadcast %slice3A_365 : vector<1x1280xf32> to vector<64x1280xf32>
    %mul3A_367 = arith.mulf %slice3A_364, %mul3A_366 : vector<64x1280xf32>
    %add3A_368 = arith.addf %add3A_363, %mul3A_367 : vector<64x1280xf32>
    %slice3A_369 = vector.extract_strided_slice %dot_general3A_338 {offsets = [384, 0], sizes = [64, 1280], strides = [1, 1]} : vector<512x1280xf32> to vector<64x1280xf32>
    %slice3A_370 = vector.extract_strided_slice %transpose3A {offsets = [62, 0], sizes = [1, 1280], strides = [1, 1]} : vector<128x1280xf32> to vector<1x1280xf32>
    %mul3A_371 = vector.broadcast %slice3A_370 : vector<1x1280xf32> to vector<64x1280xf32>
    %mul3A_372 = arith.mulf %slice3A_369, %mul3A_371 : vector<64x1280xf32>
    %add3A_373 = arith.addf %add3A_368, %mul3A_372 : vector<64x1280xf32>
    %slice3A_374 = vector.extract_strided_slice %dot_general3A_338 {offsets = [448, 0], sizes = [64, 1280], strides = [1, 1]} : vector<512x1280xf32> to vector<64x1280xf32>
    %slice3A_375 = vector.extract_strided_slice %transpose3A {offsets = [63, 0], sizes = [1, 1280], strides = [1, 1]} : vector<128x1280xf32> to vector<1x1280xf32>
    %mul3A_376 = vector.broadcast %slice3A_375 : vector<1x1280xf32> to vector<64x1280xf32>
    %mul3A_377 = arith.mulf %slice3A_374, %mul3A_376 : vector<64x1280xf32>
    %add3A_378 = arith.addf %add3A_373, %mul3A_377 : vector<64x1280xf32>
    %broadcast_in_dim3A = arith.constant 0.000000e+00 : f32
    %broadcast_in_dim3A_379 = vector.broadcast %broadcast_in_dim3A : f32 to vector<1280x128xf32>
    %swap3A = arith.constant 0 : index
    %swap3A_380 = arith.constant 0 : index
    %swap3A_381 = vector.load %arg7[%swap3A, %swap3A_380] : memref<1280x128xf32, #tpu.memory_space<vmem>>, vector<1280x128xf32>
    tpu.vector_store %arg7[%swap3A, %swap3A_380], %broadcast_in_dim3A_379 {strides = array<i32>} : memref<1280x128xf32, #tpu.memory_space<vmem>>, vector<1280x128xf32>,
    %transpose3A_382 = tpu.transpose %add3A_378, [1, 0] : vector<64x1280xf32> -> vector<1280x64xf32>
    %swap3A_383 = arith.constant 0 : index
    %swap3A_384 = arith.constant 0 : index
    %swap3A_385 = vector.load %arg7[%swap3A_383, %swap3A_384] : memref<1280x128xf32, #tpu.memory_space<vmem>>, vector<1280x64xf32>
    tpu.vector_store %arg7[%swap3A_383, %swap3A_384], %transpose3A_382 {strides = array<i32>} : memref<1280x128xf32, #tpu.memory_space<vmem>>, vector<1280x64xf32>,
    return
  }
  func.func @transform_0(%arg0: i32) -> (i32, i32) {
    %c0_i32 = arith.constant 0 : i32
    %c0_i32_0 = arith.constant 0 : i32
    return %c0_i32, %arg0 : i32, i32
  }
  func.func @transform_1(%arg0: i32) -> (i32, i32) {
    %c0_i32 = arith.constant 0 : i32
    %c0_i32_0 = arith.constant 0 : i32
    return %arg0, %c0_i32 : i32, i32
  }
  func.func @transform_2(%arg0: i32) -> (i32, i32) {
    %c0_i32 = arith.constant 0 : i32
    %c0_i32_0 = arith.constant 0 : i32
    %c0_i32_1 = arith.constant 0 : i32
    return %c0_i32, %c0_i32_0 : i32, i32
  }
  func.func @transform_3(%arg0: i32) -> (i32, i32) {
    %c0_i32 = arith.constant 0 : i32
    %c0_i32_0 = arith.constant 0 : i32
    %c0_i32_1 = arith.constant 0 : i32
    return %c0_i32, %c0_i32_0 : i32, i32
  }
  func.func @transform_4(%arg0: i32) -> (i32, i32) {
    %c0_i32 = arith.constant 0 : i32
    %c0_i32_0 = arith.constant 0 : i32
    %c0_i32_1 = arith.constant 0 : i32
    return %c0_i32, %c0_i32_0 : i32, i32
  }
  func.func @transform_5(%arg0: i32) -> (i32, i32) {
    %c0_i32 = arith.constant 0 : i32
    %c0_i32_0 = arith.constant 0 : i32
    %c0_i32_1 = arith.constant 0 : i32
    return %c0_i32, %c0_i32_0 : i32, i32
  }
  func.func @transform_6(%arg0: i32) -> (i32, i32) {
    %c0_i32 = arith.constant 0 : i32
    %c0_i32_0 = arith.constant 0 : i32
    return %arg0, %c0_i32 : i32, i32
  }
}

module attributes {stable_mosaic.version = 14 : i64} {
  func.func @body(%arg0: i32, %arg1: memref<2x400x128xf32, #tpu.memory_space<vmem>>, %arg2: memref<400x128xf32, #tpu.memory_space<vmem>>, %arg3: memref<64x64xf32, #tpu.memory_space<vmem>>, %arg4: memref<64xf32, #tpu.memory_space<vmem>>, %arg5: memref<400x128xf32, #tpu.memory_space<vmem>>) attributes {dimension_semantics = [#tpu.dimension_semantics<arbitrary>], iteration_bounds = array<i64: 25>, scalar_prefetch = 0 : i64, scratch_operands = 0 : i64, tpu.core_type = #tpu.core_type<tc>, window_params = [{transform_indices = @transform_0, window_bounds = array<i64: 2, 400, 128>}, {transform_indices = @transform_1, window_bounds = array<i64: 400, 128>}, {pipeline_mode = #tpu.pipeline_mode<synchronous>, transform_indices = @transform_2, window_bounds = array<i64: 64, 64>}, {pipeline_mode = #tpu.pipeline_mode<synchronous>, transform_indices = @transform_3, window_bounds = array<i64: 64>}, {transform_indices = @transform_4, window_bounds = array<i64: 400, 128>}]} {
    %get3A = arith.constant 0 : index
    %get3A_0 = arith.constant 0 : index
    %get3A_1 = vector.load %arg2[%get3A, %get3A_0] : memref<400x128xf32, #tpu.memory_space<vmem>>, vector<400x128xf32>
    %slice3A = vector.extract_strided_slice %get3A_1 {offsets = [0, 0], sizes = [400, 64], strides = [1, 1]} : vector<400x128xf32> to vector<400x64xf32>
    %get3A_2 = arith.constant 0 : index
    %get3A_3 = arith.constant 0 : index
    %get3A_4 = arith.constant 0 : index
    %get3A_5 = vector.load %arg1[%get3A_2, %get3A_3, %get3A_4] : memref<2x400x128xf32, #tpu.memory_space<vmem>>, vector<1x400x128xf32>
    %get3A_6 = vector.shape_cast %get3A_5 : vector<1x400x128xf32> to vector<400x128xf32>
    %slice3A_7 = vector.extract_strided_slice %get3A_6 {offsets = [0, 0], sizes = [400, 64], strides = [1, 1]} : vector<400x128xf32> to vector<400x64xf32>
    %get3A_8 = arith.constant 1 : index
    %get3A_9 = arith.constant 0 : index
    %get3A_10 = arith.constant 0 : index
    %get3A_11 = vector.load %arg1[%get3A_8, %get3A_9, %get3A_10] : memref<2x400x128xf32, #tpu.memory_space<vmem>>, vector<1x400x128xf32>
    %get3A_12 = vector.shape_cast %get3A_11 : vector<1x400x128xf32> to vector<400x128xf32>
    %slice3A_13 = vector.extract_strided_slice %get3A_12 {offsets = [0, 0], sizes = [400, 64], strides = [1, 1]} : vector<400x128xf32> to vector<400x64xf32>
    %add3A = arith.addf %slice3A_7, %slice3A_13 : vector<400x64xf32>
    %get3A_14 = arith.constant 0 : index
    %get3A_15 = arith.constant 0 : index
    %get3A_16 = vector.load %arg3[%get3A_14, %get3A_15] : memref<64x64xf32, #tpu.memory_space<vmem>>, vector<64x64xf32>
    %dot_general3A = arith.constant dense<0.000000e+00> : vector<400x64xf32>
    %dot_general3A_17 = tpu.matmul %slice3A, %get3A_16, %dot_general3A {dimension_numbers = #tpu.dot_dimension_numbers<[1], [0], [0], [1], [0, 0, 1, 1], [], []>, transpose_lhs_hint = false} : vector<400x64xf32>, vector<64x64xf32>, vector<400x64xf32> -> vector<400x64xf32>
    %add3A_18 = arith.addf %add3A, %dot_general3A_17 : vector<400x64xf32>
    %get3A_19 = arith.constant 0 : index
    %get3A_20 = vector.load %arg4[%get3A_19] : memref<64xf32, #tpu.memory_space<vmem>>, vector<64xf32>
    %broadcast_in_dim3A = vector.shape_cast %get3A_20 : vector<64xf32> to vector<1x64xf32>
    %add3A_21 = vector.broadcast %broadcast_in_dim3A : vector<1x64xf32> to vector<400x64xf32>
    %add3A_22 = arith.addf %add3A_18, %add3A_21 : vector<400x64xf32>
    %broadcast_in_dim3A_23 = arith.constant 0.000000e+00 : f32
    %broadcast_in_dim3A_24 = vector.broadcast %broadcast_in_dim3A_23 : f32 to vector<400x128xf32>
    %swap3A = arith.constant 0 : index
    %swap3A_25 = arith.constant 0 : index
    %swap3A_26 = vector.load %arg5[%swap3A, %swap3A_25] : memref<400x128xf32, #tpu.memory_space<vmem>>, vector<400x128xf32>
    tpu.vector_store %arg5[%swap3A, %swap3A_25], %broadcast_in_dim3A_24 {strides = array<i32>} : memref<400x128xf32, #tpu.memory_space<vmem>>, vector<400x128xf32>,
    %gt3A = arith.constant 0.000000e+00 : f32
    %gt3A_27 = vector.broadcast %gt3A : f32 to vector<400x64xf32>
    %gt3A_28 = arith.cmpf ogt, %add3A_22, %gt3A_27 : vector<400x64xf32>
    %min3A = arith.constant 0.000000e+00 : f32
    %min3A_29 = vector.broadcast %min3A : f32 to vector<400x64xf32>
    %min3A_30 = arith.minimumf %add3A_22, %min3A_29 : vector<400x64xf32>
    %exp3A = math.exp %min3A_30 : vector<400x64xf32>
    %sub3A = arith.constant 1.000000e+00 : f32
    %sub3A_31 = vector.broadcast %sub3A : f32 to vector<400x64xf32>
    %sub3A_32 = arith.subf %exp3A, %sub3A_31 : vector<400x64xf32>
    %select_n3A = arith.select %gt3A_28, %add3A_22, %sub3A_32 : vector<400x64xi1>, vector<400x64xf32>
    %swap3A_33 = arith.constant 0 : index
    %swap3A_34 = arith.constant 0 : index
    %swap3A_35 = vector.load %arg5[%swap3A_33, %swap3A_34] : memref<400x128xf32, #tpu.memory_space<vmem>>, vector<400x64xf32>
    tpu.vector_store %arg5[%swap3A_33, %swap3A_34], %select_n3A {strides = array<i32>} : memref<400x128xf32, #tpu.memory_space<vmem>>, vector<400x64xf32>,
    return
  }
  func.func @transform_0(%arg0: i32) -> (i32, i32, i32) {
    %c0_i32 = arith.constant 0 : i32
    %c0_i32_0 = arith.constant 0 : i32
    %c0_i32_1 = arith.constant 0 : i32
    return %c0_i32, %arg0, %c0_i32_0 : i32, i32, i32
  }
  func.func @transform_1(%arg0: i32) -> (i32, i32) {
    %c0_i32 = arith.constant 0 : i32
    %c0_i32_0 = arith.constant 0 : i32
    return %arg0, %c0_i32 : i32, i32
  }
  func.func @transform_2(%arg0: i32) -> (i32, i32) {
    %c0_i32 = arith.constant 0 : i32
    %c0_i32_0 = arith.constant 0 : i32
    %c0_i32_1 = arith.constant 0 : i32
    return %c0_i32, %c0_i32_0 : i32, i32
  }
  func.func @transform_3(%arg0: i32) -> i32 {
    %c0_i32 = arith.constant 0 : i32
    %c0_i32_0 = arith.constant 0 : i32
    return %c0_i32 : i32
  }
  func.func @transform_4(%arg0: i32) -> (i32, i32) {
    %c0_i32 = arith.constant 0 : i32
    %c0_i32_0 = arith.constant 0 : i32
    return %arg0, %c0_i32 : i32, i32
  }
}

module attributes {stable_mosaic.version = 14 : i64} {
  func.func @body(%arg0: i32, %arg1: memref<400x128xf32, #tpu.memory_space<vmem>>, %arg2: memref<400x17xf32, #tpu.memory_space<vmem>>, %arg3: memref<1x1x400xi32, #tpu.memory_space<vmem>>, %arg4: memref<64x64xf32, #tpu.memory_space<vmem>>, %arg5: memref<64x17xf32, #tpu.memory_space<vmem>>) attributes {dimension_semantics = [#tpu.dimension_semantics<arbitrary>], iteration_bounds = array<i64: 25>, scalar_prefetch = 0 : i64, scratch_operands = 0 : i64, tpu.core_type = #tpu.core_type<tc>, window_params = [{transform_indices = @transform_0, window_bounds = array<i64: 400, 128>}, {transform_indices = @transform_1, window_bounds = array<i64: 400, 17>}, {transform_indices = @transform_2, window_bounds = array<i64: 1, 1, 400>}, {pipeline_mode = #tpu.pipeline_mode<synchronous>, transform_indices = @transform_3, window_bounds = array<i64: 64, 64>}, {pipeline_mode = #tpu.pipeline_mode<synchronous>, transform_indices = @transform_4, window_bounds = array<i64: 64, 17>}]} {
    %eq3A = arith.constant 0 : i32
    %eq3A_0 = arith.cmpi eq, %arg0, %eq3A : i32
    %convert_element_type3A = arith.extui %eq3A_0 : i1 to i32
    %cond3A = arith.constant 0 : i32
    %cond3A_1 = arith.cmpi ne, %convert_element_type3A, %cond3A : i32
    scf.if %cond3A_1 {
      %broadcast_in_dim3A_31 = arith.constant 0.000000e+00 : f32
      %broadcast_in_dim3A_32 = vector.broadcast %broadcast_in_dim3A_31 : f32 to vector<64x64xf32>
      %swap3A_33 = arith.constant 0 : index
      %swap3A_34 = arith.constant 0 : index
      %swap3A_35 = vector.load %arg4[%swap3A_33, %swap3A_34] : memref<64x64xf32, #tpu.memory_space<vmem>>, vector<64x64xf32>
      tpu.vector_store %arg4[%swap3A_33, %swap3A_34], %broadcast_in_dim3A_32 {strides = array<i32>} : memref<64x64xf32, #tpu.memory_space<vmem>>, vector<64x64xf32>,
      %broadcast_in_dim3A_36 = arith.constant 0.000000e+00 : f32
      %broadcast_in_dim3A_37 = vector.broadcast %broadcast_in_dim3A_36 : f32 to vector<64x17xf32>
      %swap3A_38 = arith.constant 0 : index
      %swap3A_39 = arith.constant 0 : index
      %swap3A_40 = vector.load %arg5[%swap3A_38, %swap3A_39] : memref<64x17xf32, #tpu.memory_space<vmem>>, vector<64x17xf32>
      tpu.vector_store %arg5[%swap3A_38, %swap3A_39], %broadcast_in_dim3A_37 {strides = array<i32>} : memref<64x17xf32, #tpu.memory_space<vmem>>, vector<64x17xf32>,
    } else {
    }
    %get3A = arith.constant 0 : index
    %get3A_2 = arith.constant 0 : index
    %get3A_3 = arith.constant 0 : index
    %get3A_4 = vector.load %arg3[%get3A, %get3A_2, %get3A_3] : memref<1x1x400xi32, #tpu.memory_space<vmem>>, vector<1x1x400xi32>
    %get3A_5 = vector.shape_cast %get3A_4 : vector<1x1x400xi32> to vector<400xi32>
    %iota3A = tpu.iota {dimensions = array<i32: 0>} : vector<64x400xi32>
    %broadcast_in_dim3A = vector.shape_cast %get3A_5 : vector<400xi32> to vector<1x400xi32>
    %eq3A_6 = vector.broadcast %broadcast_in_dim3A : vector<1x400xi32> to vector<64x400xi32>
    %eq3A_7 = arith.cmpi eq, %eq3A_6, %iota3A : vector<64x400xi32>
    %convert_element_type3A_8 = arith.extui %eq3A_7 : vector<64x400xi1> to vector<64x400xi32>
    %convert_element_type3A_9 = arith.sitofp %convert_element_type3A_8 : vector<64x400xi32> to vector<64x400xf32>
    %get3A_10 = arith.constant 0 : index
    %get3A_11 = arith.constant 0 : index
    %get3A_12 = vector.load %arg4[%get3A_10, %get3A_11] : memref<64x64xf32, #tpu.memory_space<vmem>>, vector<64x64xf32>
    %get3A_13 = arith.constant 0 : index
    %get3A_14 = arith.constant 0 : index
    %get3A_15 = vector.load %arg1[%get3A_13, %get3A_14] : memref<400x128xf32, #tpu.memory_space<vmem>>, vector<400x128xf32>
    %slice3A = vector.extract_strided_slice %get3A_15 {offsets = [0, 0], sizes = [400, 64], strides = [1, 1]} : vector<400x128xf32> to vector<400x64xf32>
    %dot_general3A = arith.constant dense<0.000000e+00> : vector<64x64xf32>
    %dot_general3A_16 = tpu.matmul %convert_element_type3A_9, %slice3A, %dot_general3A {dimension_numbers = #tpu.dot_dimension_numbers<[1], [0], [0], [1], [0, 0, 1, 1], [], []>, precision = #tpu.contract_precision<fp32>, transpose_lhs_hint = false} : vector<64x400xf32>, vector<400x64xf32>, vector<64x64xf32> -> vector<64x64xf32>
    %add3A = arith.addf %get3A_12, %dot_general3A_16 : vector<64x64xf32>
    %swap3A = arith.constant 0 : index
    %swap3A_17 = arith.constant 0 : index
    %swap3A_18 = vector.load %arg4[%swap3A, %swap3A_17] : memref<64x64xf32, #tpu.memory_space<vmem>>, vector<64x64xf32>
    tpu.vector_store %arg4[%swap3A, %swap3A_17], %add3A {strides = array<i32>} : memref<64x64xf32, #tpu.memory_space<vmem>>, vector<64x64xf32>,
    %get3A_19 = arith.constant 0 : index
    %get3A_20 = arith.constant 0 : index
    %get3A_21 = vector.load %arg5[%get3A_19, %get3A_20] : memref<64x17xf32, #tpu.memory_space<vmem>>, vector<64x17xf32>
    %get3A_22 = arith.constant 0 : index
    %get3A_23 = arith.constant 0 : index
    %get3A_24 = vector.load %arg2[%get3A_22, %get3A_23] : memref<400x17xf32, #tpu.memory_space<vmem>>, vector<400x17xf32>
    %dot_general3A_25 = arith.constant dense<0.000000e+00> : vector<64x17xf32>
    %dot_general3A_26 = tpu.matmul %convert_element_type3A_9, %get3A_24, %dot_general3A_25 {dimension_numbers = #tpu.dot_dimension_numbers<[1], [0], [0], [1], [0, 0, 1, 1], [], []>, precision = #tpu.contract_precision<fp32>, transpose_lhs_hint = false} : vector<64x400xf32>, vector<400x17xf32>, vector<64x17xf32> -> vector<64x17xf32>
    %add3A_27 = arith.addf %get3A_21, %dot_general3A_26 : vector<64x17xf32>
    %swap3A_28 = arith.constant 0 : index
    %swap3A_29 = arith.constant 0 : index
    %swap3A_30 = vector.load %arg5[%swap3A_28, %swap3A_29] : memref<64x17xf32, #tpu.memory_space<vmem>>, vector<64x17xf32>
    tpu.vector_store %arg5[%swap3A_28, %swap3A_29], %add3A_27 {strides = array<i32>} : memref<64x17xf32, #tpu.memory_space<vmem>>, vector<64x17xf32>,
    return
  }
  func.func @transform_0(%arg0: i32) -> (i32, i32) {
    %c0_i32 = arith.constant 0 : i32
    %c0_i32_0 = arith.constant 0 : i32
    return %arg0, %c0_i32 : i32, i32
  }
  func.func @transform_1(%arg0: i32) -> (i32, i32) {
    %c0_i32 = arith.constant 0 : i32
    %c0_i32_0 = arith.constant 0 : i32
    return %arg0, %c0_i32 : i32, i32
  }
  func.func @transform_2(%arg0: i32) -> (i32, i32, i32) {
    %c0_i32 = arith.constant 0 : i32
    %c0_i32_0 = arith.constant 0 : i32
    %c0_i32_1 = arith.constant 0 : i32
    return %arg0, %c0_i32, %c0_i32_0 : i32, i32, i32
  }
  func.func @transform_3(%arg0: i32) -> (i32, i32) {
    %c0_i32 = arith.constant 0 : i32
    %c0_i32_0 = arith.constant 0 : i32
    %c0_i32_1 = arith.constant 0 : i32
    return %c0_i32, %c0_i32_0 : i32, i32
  }
  func.func @transform_4(%arg0: i32) -> (i32, i32) {
    %c0_i32 = arith.constant 0 : i32
    %c0_i32_0 = arith.constant 0 : i32
    %c0_i32_1 = arith.constant 0 : i32
    return %c0_i32, %c0_i32_0 : i32, i32
  }
}

module attributes {stable_mosaic.version = 14 : i64} {
  func.func @body(%arg0: memref<64x64xf32, #tpu.memory_space<vmem>>, %arg1: memref<64x17xf32, #tpu.memory_space<vmem>>, %arg2: memref<64x32xf32, #tpu.memory_space<vmem>>, %arg3: memref<17x32xf32, #tpu.memory_space<vmem>>, %arg4: memref<32xf32, #tpu.memory_space<vmem>>, %arg5: memref<32x16xf32, #tpu.memory_space<vmem>>, %arg6: memref<16xf32, #tpu.memory_space<vmem>>, %arg7: memref<16x1xf32, #tpu.memory_space<vmem>>, %arg8: memref<1xf32, #tpu.memory_space<vmem>>, %arg9: memref<64x1xf32, #tpu.memory_space<vmem>>) attributes {dimension_semantics = [], scalar_prefetch = 0 : i64, scratch_operands = 0 : i64, tpu.core_type = #tpu.core_type<tc>} {
    %get3A = arith.constant 0 : index
    %get3A_0 = arith.constant 0 : index
    %get3A_1 = vector.load %arg1[%get3A, %get3A_0] : memref<64x17xf32, #tpu.memory_space<vmem>>, vector<64x17xf32>
    %slice3A = vector.extract_strided_slice %get3A_1 {offsets = [0, 16], sizes = [64, 1], strides = [1, 1]} : vector<64x17xf32> to vector<64x1xf32>
    %squeeze3A = vector.shape_cast %slice3A : vector<64x1xf32> to vector<64xf32>
    %broadcast_in_dim3A = vector.shape_cast %squeeze3A : vector<64xf32> to vector<64x1xf32>
    %max3A = arith.constant 1.000000e+00 : f32
    %max3A_2 = vector.broadcast %max3A : f32 to vector<64x1xf32>
    %max3A_3 = arith.maximumf %broadcast_in_dim3A, %max3A_2 : vector<64x1xf32>
    %div3A = arith.constant 1.000000e+00 : f32
    %div3A_4 = vector.broadcast %div3A : f32 to vector<64x1xf32>
    %div3A_5 = arith.divf %div3A_4, %max3A_3 : vector<64x1xf32>
    %get3A_6 = arith.constant 0 : index
    %get3A_7 = arith.constant 0 : index
    %get3A_8 = vector.load %arg0[%get3A_6, %get3A_7] : memref<64x64xf32, #tpu.memory_space<vmem>>, vector<64x64xf32>
    %mul3A = vector.broadcast %div3A_5 : vector<64x1xf32> to vector<64x64xf32>
    %mul3A_9 = arith.mulf %get3A_8, %mul3A : vector<64x64xf32>
    %mul3A_10 = vector.broadcast %div3A_5 : vector<64x1xf32> to vector<64x17xf32>
    %mul3A_11 = arith.mulf %get3A_1, %mul3A_10 : vector<64x17xf32>
    %get3A_12 = arith.constant 0 : index
    %get3A_13 = arith.constant 0 : index
    %get3A_14 = vector.load %arg2[%get3A_12, %get3A_13] : memref<64x32xf32, #tpu.memory_space<vmem>>, vector<64x32xf32>
    %dot_general3A = arith.constant dense<0.000000e+00> : vector<64x32xf32>
    %dot_general3A_15 = tpu.matmul %mul3A_9, %get3A_14, %dot_general3A {dimension_numbers = #tpu.dot_dimension_numbers<[1], [0], [0], [1], [0, 0, 1, 1], [], []>, transpose_lhs_hint = false} : vector<64x64xf32>, vector<64x32xf32>, vector<64x32xf32> -> vector<64x32xf32>
    %get3A_16 = arith.constant 0 : index
    %get3A_17 = arith.constant 0 : index
    %get3A_18 = vector.load %arg3[%get3A_16, %get3A_17] : memref<17x32xf32, #tpu.memory_space<vmem>>, vector<17x32xf32>
    %dot_general3A_19 = arith.constant dense<0.000000e+00> : vector<64x32xf32>
    %dot_general3A_20 = tpu.matmul %mul3A_11, %get3A_18, %dot_general3A_19 {dimension_numbers = #tpu.dot_dimension_numbers<[1], [0], [0], [1], [0, 0, 1, 1], [], []>, transpose_lhs_hint = false} : vector<64x17xf32>, vector<17x32xf32>, vector<64x32xf32> -> vector<64x32xf32>
    %add3A = arith.addf %dot_general3A_15, %dot_general3A_20 : vector<64x32xf32>
    %get3A_21 = arith.constant 0 : index
    %get3A_22 = vector.load %arg4[%get3A_21] : memref<32xf32, #tpu.memory_space<vmem>>, vector<32xf32>
    %broadcast_in_dim3A_23 = vector.shape_cast %get3A_22 : vector<32xf32> to vector<1x32xf32>
    %add3A_24 = vector.broadcast %broadcast_in_dim3A_23 : vector<1x32xf32> to vector<64x32xf32>
    %add3A_25 = arith.addf %add3A, %add3A_24 : vector<64x32xf32>
    %gt3A = arith.constant 0.000000e+00 : f32
    %gt3A_26 = vector.broadcast %gt3A : f32 to vector<64x32xf32>
    %gt3A_27 = arith.cmpf ogt, %add3A_25, %gt3A_26 : vector<64x32xf32>
    %min3A = arith.constant 0.000000e+00 : f32
    %min3A_28 = vector.broadcast %min3A : f32 to vector<64x32xf32>
    %min3A_29 = arith.minimumf %add3A_25, %min3A_28 : vector<64x32xf32>
    %exp3A = math.exp %min3A_29 : vector<64x32xf32>
    %sub3A = arith.constant 1.000000e+00 : f32
    %sub3A_30 = vector.broadcast %sub3A : f32 to vector<64x32xf32>
    %sub3A_31 = arith.subf %exp3A, %sub3A_30 : vector<64x32xf32>
    %select_n3A = arith.select %gt3A_27, %add3A_25, %sub3A_31 : vector<64x32xi1>, vector<64x32xf32>
    %get3A_32 = arith.constant 0 : index
    %get3A_33 = arith.constant 0 : index
    %get3A_34 = vector.load %arg5[%get3A_32, %get3A_33] : memref<32x16xf32, #tpu.memory_space<vmem>>, vector<32x16xf32>
    %dot_general3A_35 = arith.constant dense<0.000000e+00> : vector<64x16xf32>
    %dot_general3A_36 = tpu.matmul %select_n3A, %get3A_34, %dot_general3A_35 {dimension_numbers = #tpu.dot_dimension_numbers<[1], [0], [0], [1], [0, 0, 1, 1], [], []>, transpose_lhs_hint = false} : vector<64x32xf32>, vector<32x16xf32>, vector<64x16xf32> -> vector<64x16xf32>
    %get3A_37 = arith.constant 0 : index
    %get3A_38 = vector.load %arg6[%get3A_37] : memref<16xf32, #tpu.memory_space<vmem>>, vector<16xf32>
    %broadcast_in_dim3A_39 = vector.shape_cast %get3A_38 : vector<16xf32> to vector<1x16xf32>
    %add3A_40 = vector.broadcast %broadcast_in_dim3A_39 : vector<1x16xf32> to vector<64x16xf32>
    %add3A_41 = arith.addf %dot_general3A_36, %add3A_40 : vector<64x16xf32>
    %gt3A_42 = arith.constant 0.000000e+00 : f32
    %gt3A_43 = vector.broadcast %gt3A_42 : f32 to vector<64x16xf32>
    %gt3A_44 = arith.cmpf ogt, %add3A_41, %gt3A_43 : vector<64x16xf32>
    %min3A_45 = arith.constant 0.000000e+00 : f32
    %min3A_46 = vector.broadcast %min3A_45 : f32 to vector<64x16xf32>
    %min3A_47 = arith.minimumf %add3A_41, %min3A_46 : vector<64x16xf32>
    %exp3A_48 = math.exp %min3A_47 : vector<64x16xf32>
    %sub3A_49 = arith.constant 1.000000e+00 : f32
    %sub3A_50 = vector.broadcast %sub3A_49 : f32 to vector<64x16xf32>
    %sub3A_51 = arith.subf %exp3A_48, %sub3A_50 : vector<64x16xf32>
    %select_n3A_52 = arith.select %gt3A_44, %add3A_41, %sub3A_51 : vector<64x16xi1>, vector<64x16xf32>
    %get3A_53 = arith.constant 0 : index
    %get3A_54 = arith.constant 0 : index
    %get3A_55 = vector.load %arg7[%get3A_53, %get3A_54] : memref<16x1xf32, #tpu.memory_space<vmem>>, vector<16x1xf32>
    %dot_general3A_56 = arith.constant dense<0.000000e+00> : vector<64x1xf32>
    %dot_general3A_57 = tpu.matmul %select_n3A_52, %get3A_55, %dot_general3A_56 {dimension_numbers = #tpu.dot_dimension_numbers<[1], [0], [0], [1], [0, 0, 1, 1], [], []>, transpose_lhs_hint = false} : vector<64x16xf32>, vector<16x1xf32>, vector<64x1xf32> -> vector<64x1xf32>
    %get3A_58 = arith.constant 0 : index
    %get3A_59 = vector.load %arg8[%get3A_58] : memref<1xf32, #tpu.memory_space<vmem>>, vector<1xf32>
    %broadcast_in_dim3A_60 = vector.shape_cast %get3A_59 : vector<1xf32> to vector<1x1xf32>
    %add3A_61 = vector.broadcast %broadcast_in_dim3A_60 : vector<1x1xf32> to vector<64x1xf32>
    %add3A_62 = arith.addf %dot_general3A_57, %add3A_61 : vector<64x1xf32>
    %swap3A = arith.constant 0 : index
    %swap3A_63 = arith.constant 0 : index
    %swap3A_64 = vector.load %arg9[%swap3A, %swap3A_63] : memref<64x1xf32, #tpu.memory_space<vmem>>, vector<64x1xf32>
    tpu.vector_store %arg9[%swap3A, %swap3A_63], %add3A_62 {strides = array<i32>} : memref<64x1xf32, #tpu.memory_space<vmem>>, vector<64x1xf32>,
    return
  }
}

</mosaic_0001>

<sc_bundles>
// kernel: kernel.16.cloned.1.call-start
scs
__scs_entry_jumppad:
0x0: {  	(pc) =	sbr.rel $0x88, $3  }
0x1: {  	(tag) =	ssettag $0x0;
	lr =	simm.s32 $0x1  }
0x2: {  	[smem:$0x3F85] =	sst lr;
	_ =	strace $0xD0000000  }
0x3: {  	_ = 	snop  }
0x4: {  	_ = 	snop  }
0x5: {  	_ = 	snop  }
0x6: {  	_ = 	snop  }
0x7: {  	_ = 	snop  }
__scs_overlays_trampoline_lowered:
0x8: {  	[smem:$0x3F94] =	sst s0  }
0x9: {  	[smem:$0x3F95] =	sst s1  }
0xa: {  	[smem:$0x3F96] =	sst s2  }
0xb: {  	[smem:$0x3F97] =	sst s3  }
0xc: {  	[smem:$0x3F98] =	sst s4  }
0xd: {  	[smem:$0x3F99] =	sst s5  }
0xe: {  	[smem:$0x3F9A] =	sst s6  }
0xf: {  	[smem:$0x3F9B] =	sst s7  }
0x10: {  	[smem:$0x3F9C] =	sst s8  }
0x11: {  	[smem:$0x3F9D] =	sst s9;
	s0 =	simm.s32 @!p0 $0x0  }
0x12: {  	s1 =	sld [smem:$0x3F83];
	s0 =	simm.s32 @p0 $0x1  }
0x13: {  	[smem:$0x3F9E] =	sst s0;
	s0 =	simm.s32 @!p1 $0x0  }
0x14: {  	s2 =	sld [smem:$0x3F82];
	s0 =	simm.s32 @p1 $0x1  }
0x15: {  	[smem:$0x3F9F] =	sst s0;
	s0 =	simm.s32 @!p2 $0x0  }
0x16: {  	s3 =	sld [smem:$0x3FDB];
	s0 =	simm.s32 @p2 $0x1  }
0x17: {  	s4 =	simm.s32 $0x1BF5;
	[smem:$0x3FA1] =	sst s0  }
0x18: {  	s0 =	sld [smem:$0x3F84];
	_ =	swait.ge [sflag:s4], $0x0  }
0x19: {  	s7 =	sld [smem:$0x3F85]  }
0x1a: {  	s8 =	sadd.s32 $0xFFFFE003, lr  }
0x1b: {  	s9 =	sadd.s32 $0xFFFFFEF7, lr;
	s5 =	simm.s32 $0xFFFFFFFF;
	p2 =	slt.u32 s8, $0xFFFFF086  }
0x1c: {  	p1 =	slt.u32 s9, $0xF7A;
	s5 =	simm.s32 @!p2 $0x0  }
0x1d: {  	s5 =	simm.s32 @p1 $0x1;
	p0 =	seq.s32 s7, s2  }
0x1e: {  	s7 =	smul.u32 @!p0 $0xF7A, s2;
	p2 =	seq.s32 @!p0 s5, $0x0  }
0x1f: {  	s9 =	smul.u32 $0xF7A, s1;
	s8 =	simm.s32 @!p0 $0x1BF5;
	p2 =	por !p2, p0  }
0x20: {  	[sflag:s8] =	ssyncset.s32 @!p0 $0xFFFFF086;
	s6 =	sadd.s32 @!p0 s3, s7;
	s7 =	simm.s32 @!p0 $0x108  }
0x21: {  	s3 =	sadd.s32 s3, s9;
	s6 =	sadd.s32 @!p0 $0x88, s6;
	s7 =	simm.s32 @p2 $0x1082  }
0x22: {  	[simem:s7], [sflag:s8] =	dma.local @!p0 [hbm:s6], $0xF7A  }
0x23: {  	s9 =	sor.u32 $0xD0000000, s2;
	s6 =	simm.s32 $0x108;
	_ =	swait.ge @!p0 [sflag:s8], $0x0  }
0x24: {  	s3 =	sadd.s32 $0x88, s3;
	s6 =	simm.s32 @!p1 $0x1082;
	[sflag:s4] =	ssyncset.s32 $0xFFFFF086  }
0x25: {  	[simem:s6], [sflag:s4] =	dma.local [hbm:s3], $0xF7A  }
0x26: {  	[smem:$0x3F85] =	sst s1;
	(tag) =	ssettag s2;
	_ =	strace s9  }
0x27: {  	s1 =	sld [smem:$0x3F95]  }
0x28: {  	s2 =	sld [smem:$0x3F96]  }
0x29: {  	s4 =	sld [smem:$0x3F98]  }
0x2a: {  	p0 =	seq.s32 s5, $0x0;
	s5 =	sld [smem:$0x3F99]  }
0x2b: {  	s6 =	sld [smem:$0x3F9A]  }
0x2c: {  	s7 =	sld [smem:$0x3F9B]  }
0x2d: {  	s3 =	simm.s32 $0x108;
	s8 =	sld [smem:$0x3F9C]  }
0x2e: {  	s3 =	simm.s32 @!p0 $0x1082;
	s9 =	sld [smem:$0x3F9D]  }
0x2f: {  	lr =	sadd.s32 s0, s3;
	s0 =	sld [smem:$0x3F94]  }
0x30: {  	s3 =	sld [smem:$0x3F97]  }
0x31: {  	[smem:$0x3FA0] =	sst s10  }
0x32: {  	s10 =	sld [smem:$0x3F9E];
	_ =	sdelay $0x3  }
0x33: {  	p0 =	seq.s32 s10, $0x1;
	s10 =	sld [smem:$0x3FA0];
	_ =	sdelay $0x3  }
0x34: {  	[smem:$0x3FA0] =	sst s10  }
0x35: {  	s10 =	sld [smem:$0x3F9F];
	_ =	sdelay $0x3  }
0x36: {  	p1 =	seq.s32 s10, $0x1;
	s10 =	sld [smem:$0x3FA0];
	_ =	sdelay $0x3  }
0x37: {  	[smem:$0x3FA0] =	sst s10  }
0x38: {  	s10 =	sld [smem:$0x3FA1]  }
0x39: {  	_ = 	snop;
	(pc) =	sbr.ind lr, $3  }
0x3a: {  	_ = 	snop  }
0x3b: {  	_ = 	snop  }
0x3c: {  	p2 =	seq.s32 s10, $0x1;
	s10 =	sld [smem:$0x3FA0]  }
0x3d: {  	_ =	shalt  }
0x3e: {  	_ =	shalt  }
0x3f: {  	_ =	shalt  }
0x40: {  	_ =	shalt  }
0x41: {  	_ =	shalt  }
0x42: {  	_ =	shalt  }
0x43: {  	_ =	shalt  }
0x44: {  	_ =	shalt  }
0x45: {  	_ =	shalt  }
0x46: {  	_ =	shalt  }
0x47: {  	_ =	shalt  }
0x48: {  	_ =	shalt  }
0x49: {  	_ =	shalt  }
0x4a: {  	_ =	shalt  }
0x4b: {  	_ =	shalt  }
0x4c: {  	_ =	shalt  }
0x4d: {  	_ =	shalt  }
0x4e: {  	_ =	shalt  }
0x4f: {  	_ =	shalt  }
0x50: {  	_ =	shalt  }
0x51: {  	_ =	shalt  }
0x52: {  	_ =	shalt  }
0x53: {  	_ =	shalt  }
0x54: {  	_ =	shalt  }
0x55: {  	_ =	shalt  }
0x56: {  	_ =	shalt  }
0x57: {  	_ =	shalt  }
0x58: {  	_ =	shalt  }
0x59: {  	_ =	shalt  }
0x5a: {  	_ =	shalt  }
0x5b: {  	_ =	shalt  }
0x5c: {  	_ =	shalt  }
0x5d: {  	_ =	shalt  }
0x5e: {  	_ =	shalt  }
0x5f: {  	_ =	shalt  }
0x60: {  	_ =	shalt  }
0x61: {  	_ =	shalt  }
0x62: {  	_ =	shalt  }
0x63: {  	_ =	shalt  }
0x64: {  	_ =	shalt  }
0x65: {  	_ =	shalt  }
0x66: {  	_ =	shalt  }
0x67: {  	_ =	shalt  }
0x68: {  	_ =	shalt  }
0x69: {  	_ =	shalt  }
0x6a: {  	_ =	shalt  }
0x6b: {  	_ =	shalt  }
0x6c: {  	_ =	shalt  }
0x6d: {  	_ =	shalt  }
0x6e: {  	_ =	shalt  }
0x6f: {  	_ =	shalt  }
0x70: {  	_ =	shalt  }
0x71: {  	_ =	shalt  }
0x72: {  	_ =	shalt  }
0x73: {  	_ =	shalt  }
0x74: {  	_ =	shalt  }
0x75: {  	_ =	shalt  }
0x76: {  	_ =	shalt  }
0x77: {  	_ =	shalt  }
0x78: {  	_ =	shalt  }
0x79: {  	_ =	shalt  }
0x7a: {  	_ =	shalt  }
0x7b: {  	_ =	shalt  }
0x7c: {  	_ =	shalt  }
0x7d: {  	_ =	shalt  }
0x7e: {  	_ =	shalt  }
0x7f: {  	_ =	shalt  }
0x80: {  	_ =	shalt  }
0x81: {  	_ =	shalt  }
0x82: {  	_ =	shalt  }
0x83: {  	_ =	shalt  }
0x84: {  	_ =	shalt  }
0x85: {  	_ =	shalt  }
0x86: {  	_ =	shalt  }
0x87: {  	_ =	shalt  }
.Lfunc_end0:
.L_simem_size_0:
called_computation_lowered:
.L_overlay_start_0:
0x88: {  	s2 =	sld [smem:$0x3FD9]  }
0x89: {  	s3 =	sld [smem:$0x3FFE];
	_ =	sdelay $0x1  }
0x8a: {  	s1 =	srdreg.scid  }
0x8b: {  	s0 =	sand.u32 $0x1, s1  }
0x8c: {  	s16 =	sshll.u32 s0, $0xA;
	s2 =	sadd.s32 s3, s2  }
0x8d: {  	s2 =	sadd.s32 s2, s16  }
0x8e: {  	[smem:$0x3FAC] =	sst s2  }
0x8f: {  	_ = 	snop  }
0x90: {  	(tm) =	ssettm $0x1  }
0x91: {  	s17 =	sld [smem:$0x3FFB];
	_ =	sdelay $0x3  }
0x92: {  	_ =	strace s17  }
0x93: {  	s2 =	sld [smem:$0x3FFC];
	_ =	sdelay $0x3  }
0x94: {  	_ =	strace s2  }
0x95: {  	s2 =	sld [smem:$0x3FFD];
	_ =	sdelay $0x3  }
0x96: {  	_ =	strace s2  }
0x97: {  	_ =	strace $0x8FFFFFFF  }
0x98: {  	s18 =	sld [smem:$0x3FDB];
	_ =	sdelay $0x1  }
0x99: {  	s19 =	simm.s32 $_scs_section_size  }
0x9a: {  	s4 =	simm.s32 $_size__tile_overlayer_lowered;
	s5 =	simm.s32 $_tile_overlayer_lowered  }
0x9b: {  	s22 =	simm.s32 $0x1BFF;
	s21 =	sshll.u32 s5, $0x1;
	s2 =	sadd.s32 s19, s18  }
0x9c: {  	s6 =	simm.s32 $0x0;
	s20 =	sshll.u32 s4, $0x1;
	s4 =	sadd.s32 s21, s2  }
0x9d: {  	[timem:s6], [sflag:s22] =	dma.local [hbm:s4], s20  }
0x9e: {  	_ =	swait.ge [sflag:s22], s20  }
0x9f: {  	s3 =	ssub.s32 $0x0, s20;
	[sflag:s22] =	ssyncset.done $0x0  }
0xa0: {  	[sflag:s22] =	ssyncadd.s32 s3;
	_ =	sdelay $0x1  }
0xa1: {  	s23 =	simm.s32 $0x1B8B  }
0xa2: {  	_ =	swait.ge [sflag:s23], $0x1  }
0xa3: {  	[sflag:s23] =	ssyncset.done $0x0  }
0xa4: {  	s25 =	simm.s32 $0x1B8E;
	s24 =	sld [smem:$0x3FFE];
	[sflag:s23] =	ssyncadd.s32 $0xFFFFFFFF  }
0xa5: {  	s26 =	simm.s32 $execute0_lowered;
	[smem:$0x3FD2] =	sst s25  }
0xa6: {  	s4 =	sshll.u32 s26, $0x1;
	_ =	strace $0x80000046;
	[dreg:$0x1] =	wrdreg $0xFFFFFFFF  }
0xa7: {  	s28 =	simm.s32 $_size_execute0_lowered;
	s2 =	sadd.s32 s2, s4;
	[dreg:$0x0] =	wrdreg $0x0  }
0xa8: {  	s4 =	sshll.u32 s28, $0x1;
	[dreg:$0x2] =	wrdreg s2  }
0xa9: {  	[dreg:$0x3] =	wrdreg s4  }
0xaa: {  	[dreg:$0x4] =	wrdreg $0xC0  }
0xab: {  	_ =	task [dreg:s6], $0x5FFFF  }
0xac: {  	[dreg:$0x1] =	wrdreg $0xFFFFFFFF  }
0xad: {  	[dreg:$0x0] =	wrdreg $0x60  }
0xae: {  	[dreg:$0x2] =	wrdreg s24  }
0xaf: {  	[dreg:$0x3] =	wrdreg $0x9  }
0xb0: {  	_ =	task.clear_ibuf [dreg:s6], $0x4FFFF;
	_ =	strace $0x90000046  }
0xb1: {  	s29 =	simm.s32 $0x9;
	_ =	strace $0x80000048  }
0xb2: {  	_ =	swait.ge [sflag:s29], $0x1  }
0xb3: {  	[sflag:s29] =	ssyncadd.s32 $0xFFFFFFFF  }
0xb4: {  	_ =	strace $0x90000048  }
0xb5: {  	_ =	sfence  }
0xb6: {  	s30 =	sld [smem:$0x0];
	_ =	sdelay $0x2  }
0xb7: {  	s31 =	sshll.u32 s1, $0xD;
	s1 =	sshrl.u32 s1, $0x2  }
0xb8: {  	s3 =	sand.u32 $0x4000, s31;
	s1 =	sadd.s32 s1, s30  }
0xb9: {  	s0 =	sor.u32 s3, s0;
	s1 =	sshll.u32 s1, $0x11  }
0xba: {  	s0 =	sor.u32 s1, s0  }
0xbb: {  	s0 =	sadd.s32 $0x8F2B, s0  }
0xbc: {  	[sflag:s0] =	ssyncadd.remote.s32 $0x1  }
0xbd: {  	_ =	sfence.sel $0xFFFF  }
0xbe: {  	[dreg:$0x0] =	wrdreg $0xFFFFFFFF;
	(pc) =	sbr.abs _section_cstart, $3  }
0xbf: {  	[dreg:$0x1] =	wrdreg $0xFFFFFFFF  }
0xc0: {  	_ =	task.clear_ibuf [dreg:s6], $0x2FFFF;
	_ =	strace $0x9FFFFFFF  }
0xc1: {  	(tm) =	ssettm $0x7FFFFFFF  }
tec
execute0_lowered:
.L_overlay_start_1:
0x0: {  	(tag) =	ssettag $0x1  }
0x1: {  	s3 =	rddreg [dreg:$0x0]  }
0x2: {  	s0 =	rddreg [dreg:$0x1]  }
0x3: {  	s1 =	simm.s32 $0x0;
	s2 =	srdreg.scid;
	s11 =	stileid.u32  }
0x4: {  	[smem:$0x7FF] =	sst s1;
	s4 =	sadd.s32 $0x5FE00, s3;
	s8 =	smul.u32 $0x27000, s11  }
0x5: {  	s5 =	sand.u32 $0x1, s2;
	s9 =	smul.u32 $0x2700, s11;
	s12 =	sadd.s32 $0x7A00, s3  }
0x6: {  	s3 =	sadd.s32 $0x38C00, s3;
	p0 =	sne.s32 s11, $0x0;
	s11 =	simm.s32 $0x0  }
0x7: {  	_ =	strace $0x80000047;
	s2 =	ssub.s32 $0x2, s5;
	s10 =	smul.u32 $0x1380, s5  }
0x8: {  	s6 =	sshll.u32 s5, $0x7;
	s30 =	smul.u32 $0x13800, s5;
	s7 =	sshrl.u32 s2, $0x1  }
0x9: {  	s6 =	sor.u32 $0x27000, s6;
	s8 =	sadd.s32 s8, s4;
	s7 =	ssub.s32 s2, s7  }
0xa: {  	s28 =	sshll.u32 s6, $0x4;
	s29 =	sshrl.u32 s6, $0x3;
	s9 =	sadd.s32 s10, s9  }
0xb: {  	s6 =	sadd.s32 s30, s8;
	s8 =	simm.s32 $0x2;
	s10 =	simm.s32 $0x1  }
0xc: {  	s2 =	sadd.s32 s4, s28;
	s4 =	sadd.s32 s12, s29;
	s31 =	sshrl.u32 s9, $0x3  }
0xd: {  	s5 =	smax.u32 s7, $0x1;
	s9 =	simm.s32 $0x80;
	s7 =	sadd.s32 s31, s12  }
.LBB2_1:
0xe: {  	s12 =	sadd.s32 $0x0, s7  }
0xf: {  	[tilespmem:s1], [sflag:$0x2] =	stream.linear.gather [hbm4b:s12+s1], $0x80, $0x38;
	[tilespmem:$0x4080] =	vst v63  }
0x10: {  	_ =	swait.ge [sflag:s8], $0x80  }
0x11: {  	[sflag:s8] =	ssyncset.done $0x0  }
0x12: {  	[sflag:s8] =	ssyncadd.s32 $0xFFFFFF80  }
0x13: {  	[tilespmem:s9], [sflag:$0x1] =	stream.indirect.gather [hbm4b:s3+s9], $0x80, s1, s9, $0xb8;
	[tilespmem:$0x4080] =	vst v63  }
0x14: {  	_ =	swait.ge [sflag:s10], $0x4000  }
0x15: {  	[sflag:s10] =	ssyncset.done $0x0  }
0x16: {  	[sflag:s10] =	ssyncadd.s32 $0xFFFFC000  }
0x17: {  	[hbm4b:s6+s1] =	stream.linear.scatter [tilespmem:s9], [sflag:$0x2], $0x4000, $0x38;
	[tilespmem:$0x4080] =	vst v63  }
0x18: {  	s13 =	simm.s32 $0x10;
	_ =	swait.ge [sflag:s8], $0x4000  }
0x19: {  	s14 =	simm.s32 $0x20;
	s12 =	sadd.s32 $0x800, s6;
	[sflag:s8] =	ssyncset.done $0x0  }
.LBB2_2:
0x1a: {  	s15 =	sadd.s32 s13, s7  }
0x1b: {  	[sflag:s8] =	ssyncadd.s32 $0xFFFFC000;
	s13 =	smov.u32 s14;
	s16 =	sadd.s32 $0x10, s14  }
0x1c: {  	[tilespmem:s1], [sflag:$0x2] =	stream.linear.gather [hbm4b:s15+s1], $0x80, $0x38;
	[tilespmem:$0x4080] =	vst v63  }
0x1d: {  	p1 =	sne.s32 s14, $0x260;
	_ =	swait.ge [sflag:s8], $0x80  }
0x1e: {  	[sflag:s8] =	ssyncset.done $0x0  }
0x1f: {  	[sflag:s8] =	ssyncadd.s32 $0xFFFFFF80  }
0x20: {  	[tilespmem:s9], [sflag:$0x1] =	stream.indirect.gather [hbm4b:s3+s9], $0x80, s1, s9, $0xb8;
	[tilespmem:$0x4080] =	vst v63  }
0x21: {  	_ =	swait.ge [sflag:s10], $0x4000  }
.Ltmp0:
0x22: {  	[sflag:s10] =	ssyncset.done $0x0;
	(pc) =	sbr.rel @p1 .LBB2_2-.Ltmp0, $4  }
0x23: {  	[sflag:s10] =	ssyncadd.s32 $0xFFFFC000  }
0x24: {  	[hbm4b:s12+s1] =	stream.linear.scatter [tilespmem:s9], [sflag:$0x2], $0x4000, $0x38;
	[tilespmem:$0x4080] =	vst v63  }
0x25: {  	_ =	swait.ge [sflag:s8], $0x4000  }
0x26: {  	s14 =	smov.u32 s16;
	s12 =	sadd.s32 $0x800, s12;
	[sflag:s8] =	ssyncset.done $0x0  }
0x27: {  	s13 =	sadd.s32 s13, s7;
	[sflag:s8] =	ssyncadd.s32 $0xFFFFC000  }
0x28: {  	[tilespmem:s1], [sflag:$0x2] =	stream.linear.gather [hbm4b:s13+s1], $0x80, $0x38;
	[tilespmem:$0x4080] =	vst v63  }
0x29: {  	_ =	swait.ge [sflag:s8], $0x80  }
0x2a: {  	[sflag:s8] =	ssyncset.done $0x0  }
0x2b: {  	[sflag:s8] =	ssyncadd.s32 $0xFFFFFF80  }
0x2c: {  	[tilespmem:s9], [sflag:$0x1] =	stream.indirect.gather [hbm4b:s3+s9], $0x80, s1, s9, $0xb8;
	[tilespmem:$0x4080] =	vst v63  }
0x2d: {  	_ =	swait.ge [sflag:s10], $0x4000  }
0x2e: {  	[sflag:s10] =	ssyncset.done $0x0  }
0x2f: {  	[sflag:s10] =	ssyncadd.s32 $0xFFFFC000  }
0x30: {  	[hbm4b:s12+s1] =	stream.linear.scatter [tilespmem:s9], [sflag:$0x2], $0x4000, $0x38;
	[tilespmem:$0x4080] =	vst v63  }
0x31: {  	_ =	swait.ge [sflag:s8], $0x4000  }
0x32: {  	[sflag:s8] =	ssyncset.done $0x0  }
0x33: {  	s13 =	simm.s32 @!p0 $0x2;
	s12 =	simm.s32 @!p0 $0x0;
	[sflag:s8] =	ssyncadd.s32 $0xFFFFC000  }
0x34: {  	[tilespmem:s12], [sflag:$0x2] =	stream.linear.gather @!p0 [hbm4b:s4+s12], $0x80, $0x38;
	[tilespmem:$0x4080] =	vst v63  }
0x35: {  	_ =	swait.ge @!p0 [sflag:s13], $0x80  }
0x36: {  	[sflag:s13] =	ssyncset.done @!p0 $0x0  }
0x37: {  	s14 =	simm.s32 @!p0 $0x80;
	s15 =	simm.s32 @!p0 $0x1;
	[sflag:s13] =	ssyncadd.s32 @!p0 $0xFFFFFF80  }
0x38: {  	[tilespmem:s14], [sflag:$0x1] =	stream.indirect.gather @!p0 [hbm4b:s3+s14], $0x80, s12, s14, $0xb8;
	[tilespmem:$0x4080] =	vst v63  }
0x39: {  	s11 =	sadd.s32 $0x1, s11;
	_ =	swait.ge @!p0 [sflag:s15], $0x4000  }
0x3a: {  	p1 =	sne.s32 s11, s5;
	[sflag:s15] =	ssyncset.done @!p0 $0x0  }
.Ltmp1:
0x3b: {  	[sflag:s15] =	ssyncadd.s32 @!p0 $0xFFFFC000;
	(pc) =	sbr.rel @p1 .LBB2_1-.Ltmp1, $4  }
0x3c: {  	[hbm4b:s2+s12] =	stream.linear.scatter @!p0 [tilespmem:s14], [sflag:$0x2], $0x4000, $0x38;
	[tilespmem:$0x4080] =	vst v63  }
0x3d: {  	_ =	swait.ge @!p0 [sflag:s13], $0x4000  }
0x3e: {  	[sflag:s13] =	ssyncset.done @!p0 $0x0  }
0x3f: {  	[sflag:s13] =	ssyncadd.s32 @!p0 $0xFFFFC000  }
0x40: {  	_ =	sfence.sel $0x180000  }
0x41: {  	[bflag:$0x0] =	sbarrier.arrive $0xFFFF  }
0x42: {  	_ =	strace $0x90000047  }
0x43: {  	s0 =	sadd.s32 @!p0 $0x100000, s0;
	[bflag:$0x2] =	sbarrier.arrive $0xFFFF  }
0x44: {  	[sflag:s0] =	ssyncadd.tile.s32 @!p0 $0x1;
	_ =	shalt  }
.Lfunc_end2:
_tile_overlayer_lowered:
.L_overlay_start_2:
0x45: {  	(tag) =	ssettag $0x2  }
0x46: {  	s0 =	rddreg [dreg:$0x0];
	s2 =	stileid.u32  }
0x47: {  	s1 =	rddreg [dreg:$0x1];
	p0 =	sne.s32 s2, $0x0  }
0x48: {  	s3 =	rddreg [dreg:$0x2];
	[bflag:$0x3] =	sbarrier.arrive $0xFFFF;
	s2 =	simm.s32 @!p0 $0x1C02  }
0x49: {  	[timem:s3], [sflag:s2] =	dma.local @!p0 [hbm:s0], s1  }
0x4a: {  	s0 =	simm.s32 @!p0 $0x2  }
0x4b: {  	_ =	swait.ge @!p0 [sflag:s0], s1  }
0x4c: {  	s1 =	ssub.s32 @!p0 $0x0, s1;
	[sflag:s0] =	ssyncset.done @!p0 $0x0  }
0x4d: {  	[sflag:s0] =	ssyncadd.s32 @!p0 s1  }
0x4e: {  	[bflag:$0x3] =	sbarrier.arrive $0xFFFF  }
0x4f: {  	_ =	shalt  }

// kernel: kernel.19.cloned.1.call-start
scs
__scs_entry_jumppad:
0x0: {  	(pc) =	sbr.rel $0x88, $3  }
0x1: {  	(tag) =	ssettag $0x0;
	lr =	simm.s32 $0x1  }
0x2: {  	[smem:$0x3F85] =	sst lr;
	_ =	strace $0xD0000000  }
0x3: {  	_ = 	snop  }
0x4: {  	_ = 	snop  }
0x5: {  	_ = 	snop  }
0x6: {  	_ = 	snop  }
0x7: {  	_ = 	snop  }
__scs_overlays_trampoline_lowered:
0x8: {  	[smem:$0x3F94] =	sst s0  }
0x9: {  	[smem:$0x3F95] =	sst s1  }
0xa: {  	[smem:$0x3F96] =	sst s2  }
0xb: {  	[smem:$0x3F97] =	sst s3  }
0xc: {  	[smem:$0x3F98] =	sst s4  }
0xd: {  	[smem:$0x3F99] =	sst s5  }
0xe: {  	[smem:$0x3F9A] =	sst s6  }
0xf: {  	[smem:$0x3F9B] =	sst s7  }
0x10: {  	[smem:$0x3F9C] =	sst s8  }
0x11: {  	[smem:$0x3F9D] =	sst s9;
	s0 =	simm.s32 @!p0 $0x0  }
0x12: {  	s1 =	sld [smem:$0x3F83];
	s0 =	simm.s32 @p0 $0x1  }
0x13: {  	[smem:$0x3F9E] =	sst s0;
	s0 =	simm.s32 @!p1 $0x0  }
0x14: {  	s2 =	sld [smem:$0x3F82];
	s0 =	simm.s32 @p1 $0x1  }
0x15: {  	[smem:$0x3F9F] =	sst s0;
	s0 =	simm.s32 @!p2 $0x0  }
0x16: {  	s3 =	sld [smem:$0x3FDB];
	s0 =	simm.s32 @p2 $0x1  }
0x17: {  	s4 =	simm.s32 $0x1BF5;
	[smem:$0x3FA1] =	sst s0  }
0x18: {  	s0 =	sld [smem:$0x3F84];
	_ =	swait.ge [sflag:s4], $0x0  }
0x19: {  	s7 =	sld [smem:$0x3F85]  }
0x1a: {  	s8 =	sadd.s32 $0xFFFFE003, lr  }
0x1b: {  	s9 =	sadd.s32 $0xFFFFFEF7, lr;
	s5 =	simm.s32 $0xFFFFFFFF;
	p2 =	slt.u32 s8, $0xFFFFF086  }
0x1c: {  	p1 =	slt.u32 s9, $0xF7A;
	s5 =	simm.s32 @!p2 $0x0  }
0x1d: {  	s5 =	simm.s32 @p1 $0x1;
	p0 =	seq.s32 s7, s2  }
0x1e: {  	s7 =	smul.u32 @!p0 $0xF7A, s2;
	p2 =	seq.s32 @!p0 s5, $0x0  }
0x1f: {  	s9 =	smul.u32 $0xF7A, s1;
	s8 =	simm.s32 @!p0 $0x1BF5;
	p2 =	por !p2, p0  }
0x20: {  	[sflag:s8] =	ssyncset.s32 @!p0 $0xFFFFF086;
	s6 =	sadd.s32 @!p0 s3, s7;
	s7 =	simm.s32 @!p0 $0x108  }
0x21: {  	s3 =	sadd.s32 s3, s9;
	s6 =	sadd.s32 @!p0 $0x88, s6;
	s7 =	simm.s32 @p2 $0x1082  }
0x22: {  	[simem:s7], [sflag:s8] =	dma.local @!p0 [hbm:s6], $0xF7A  }
0x23: {  	s9 =	sor.u32 $0xD0000000, s2;
	s6 =	simm.s32 $0x108;
	_ =	swait.ge @!p0 [sflag:s8], $0x0  }
0x24: {  	s3 =	sadd.s32 $0x88, s3;
	s6 =	simm.s32 @!p1 $0x1082;
	[sflag:s4] =	ssyncset.s32 $0xFFFFF086  }
0x25: {  	[simem:s6], [sflag:s4] =	dma.local [hbm:s3], $0xF7A  }
0x26: {  	[smem:$0x3F85] =	sst s1;
	(tag) =	ssettag s2;
	_ =	strace s9  }
0x27: {  	s1 =	sld [smem:$0x3F95]  }
0x28: {  	s2 =	sld [smem:$0x3F96]  }
0x29: {  	s4 =	sld [smem:$0x3F98]  }
0x2a: {  	p0 =	seq.s32 s5, $0x0;
	s5 =	sld [smem:$0x3F99]  }
0x2b: {  	s6 =	sld [smem:$0x3F9A]  }
0x2c: {  	s7 =	sld [smem:$0x3F9B]  }
0x2d: {  	s3 =	simm.s32 $0x108;
	s8 =	sld [smem:$0x3F9C]  }
0x2e: {  	s3 =	simm.s32 @!p0 $0x1082;
	s9 =	sld [smem:$0x3F9D]  }
0x2f: {  	lr =	sadd.s32 s0, s3;
	s0 =	sld [smem:$0x3F94]  }
0x30: {  	s3 =	sld [smem:$0x3F97]  }
0x31: {  	[smem:$0x3FA0] =	sst s10  }
0x32: {  	s10 =	sld [smem:$0x3F9E];
	_ =	sdelay $0x3  }
0x33: {  	p0 =	seq.s32 s10, $0x1;
	s10 =	sld [smem:$0x3FA0];
	_ =	sdelay $0x3  }
0x34: {  	[smem:$0x3FA0] =	sst s10  }
0x35: {  	s10 =	sld [smem:$0x3F9F];
	_ =	sdelay $0x3  }
0x36: {  	p1 =	seq.s32 s10, $0x1;
	s10 =	sld [smem:$0x3FA0];
	_ =	sdelay $0x3  }
0x37: {  	[smem:$0x3FA0] =	sst s10  }
0x38: {  	s10 =	sld [smem:$0x3FA1]  }
0x39: {  	_ = 	snop;
	(pc) =	sbr.ind lr, $3  }
0x3a: {  	_ = 	snop  }
0x3b: {  	_ = 	snop  }
0x3c: {  	p2 =	seq.s32 s10, $0x1;
	s10 =	sld [smem:$0x3FA0]  }
0x3d: {  	_ =	shalt  }
0x3e: {  	_ =	shalt  }
0x3f: {  	_ =	shalt  }
0x40: {  	_ =	shalt  }
0x41: {  	_ =	shalt  }
0x42: {  	_ =	shalt  }
0x43: {  	_ =	shalt  }
0x44: {  	_ =	shalt  }
0x45: {  	_ =	shalt  }
0x46: {  	_ =	shalt  }
0x47: {  	_ =	shalt  }
0x48: {  	_ =	shalt  }
0x49: {  	_ =	shalt  }
0x4a: {  	_ =	shalt  }
0x4b: {  	_ =	shalt  }
0x4c: {  	_ =	shalt  }
0x4d: {  	_ =	shalt  }
0x4e: {  	_ =	shalt  }
0x4f: {  	_ =	shalt  }
0x50: {  	_ =	shalt  }
0x51: {  	_ =	shalt  }
0x52: {  	_ =	shalt  }
0x53: {  	_ =	shalt  }
0x54: {  	_ =	shalt  }
0x55: {  	_ =	shalt  }
0x56: {  	_ =	shalt  }
0x57: {  	_ =	shalt  }
0x58: {  	_ =	shalt  }
0x59: {  	_ =	shalt  }
0x5a: {  	_ =	shalt  }
0x5b: {  	_ =	shalt  }
0x5c: {  	_ =	shalt  }
0x5d: {  	_ =	shalt  }
0x5e: {  	_ =	shalt  }
0x5f: {  	_ =	shalt  }
0x60: {  	_ =	shalt  }
0x61: {  	_ =	shalt  }
0x62: {  	_ =	shalt  }
0x63: {  	_ =	shalt  }
0x64: {  	_ =	shalt  }
0x65: {  	_ =	shalt  }
0x66: {  	_ =	shalt  }
0x67: {  	_ =	shalt  }
0x68: {  	_ =	shalt  }
0x69: {  	_ =	shalt  }
0x6a: {  	_ =	shalt  }
0x6b: {  	_ =	shalt  }
0x6c: {  	_ =	shalt  }
0x6d: {  	_ =	shalt  }
0x6e: {  	_ =	shalt  }
0x6f: {  	_ =	shalt  }
0x70: {  	_ =	shalt  }
0x71: {  	_ =	shalt  }
0x72: {  	_ =	shalt  }
0x73: {  	_ =	shalt  }
0x74: {  	_ =	shalt  }
0x75: {  	_ =	shalt  }
0x76: {  	_ =	shalt  }
0x77: {  	_ =	shalt  }
0x78: {  	_ =	shalt  }
0x79: {  	_ =	shalt  }
0x7a: {  	_ =	shalt  }
0x7b: {  	_ =	shalt  }
0x7c: {  	_ =	shalt  }
0x7d: {  	_ =	shalt  }
0x7e: {  	_ =	shalt  }
0x7f: {  	_ =	shalt  }
0x80: {  	_ =	shalt  }
0x81: {  	_ =	shalt  }
0x82: {  	_ =	shalt  }
0x83: {  	_ =	shalt  }
0x84: {  	_ =	shalt  }
0x85: {  	_ =	shalt  }
0x86: {  	_ =	shalt  }
0x87: {  	_ =	shalt  }
.Lfunc_end0:
.L_simem_size_0:
called_computation.1_lowered:
.L_overlay_start_0:
0x88: {  	s2 =	sld [smem:$0x3FD9]  }
0x89: {  	s3 =	sld [smem:$0x3FFE];
	_ =	sdelay $0x1  }
0x8a: {  	s1 =	srdreg.scid  }
0x8b: {  	s0 =	sand.u32 $0x1, s1  }
0x8c: {  	s16 =	sshll.u32 s0, $0xA;
	s2 =	sadd.s32 s3, s2  }
0x8d: {  	s2 =	sadd.s32 s2, s16  }
0x8e: {  	[smem:$0x3FAC] =	sst s2  }
0x8f: {  	_ = 	snop  }
0x90: {  	(tm) =	ssettm $0x1  }
0x91: {  	s17 =	sld [smem:$0x3FFB];
	_ =	sdelay $0x3  }
0x92: {  	_ =	strace s17  }
0x93: {  	s2 =	sld [smem:$0x3FFC];
	_ =	sdelay $0x3  }
0x94: {  	_ =	strace s2  }
0x95: {  	s2 =	sld [smem:$0x3FFD];
	_ =	sdelay $0x3  }
0x96: {  	_ =	strace s2  }
0x97: {  	_ =	strace $0x8FFFFFFF  }
0x98: {  	s18 =	sld [smem:$0x3FDB];
	_ =	sdelay $0x1  }
0x99: {  	s19 =	simm.s32 $_scs_section_size  }
0x9a: {  	s4 =	simm.s32 $_size__tile_overlayer_lowered;
	s5 =	simm.s32 $_tile_overlayer_lowered  }
0x9b: {  	s22 =	simm.s32 $0x1BFF;
	s21 =	sshll.u32 s5, $0x1;
	s2 =	sadd.s32 s19, s18  }
0x9c: {  	s6 =	simm.s32 $0x0;
	s20 =	sshll.u32 s4, $0x1;
	s4 =	sadd.s32 s21, s2  }
0x9d: {  	[timem:s6], [sflag:s22] =	dma.local [hbm:s4], s20  }
0x9e: {  	_ =	swait.ge [sflag:s22], s20  }
0x9f: {  	s3 =	ssub.s32 $0x0, s20;
	[sflag:s22] =	ssyncset.done $0x0  }
0xa0: {  	[sflag:s22] =	ssyncadd.s32 s3;
	_ =	sdelay $0x1  }
0xa1: {  	s23 =	simm.s32 $0x1B8B  }
0xa2: {  	_ =	swait.ge [sflag:s23], $0x1  }
0xa3: {  	[sflag:s23] =	ssyncset.done $0x0  }
0xa4: {  	s25 =	simm.s32 $0x1B8E;
	s24 =	sld [smem:$0x3FFE];
	[sflag:s23] =	ssyncadd.s32 $0xFFFFFFFF  }
0xa5: {  	s26 =	simm.s32 $execute0_lowered;
	[smem:$0x3FD2] =	sst s25  }
0xa6: {  	s4 =	sshll.u32 s26, $0x1;
	_ =	strace $0x80000049;
	[dreg:$0x1] =	wrdreg $0xFFFFFFFF  }
0xa7: {  	s28 =	simm.s32 $_size_execute0_lowered;
	s2 =	sadd.s32 s2, s4;
	[dreg:$0x0] =	wrdreg $0x0  }
0xa8: {  	s4 =	sshll.u32 s28, $0x1;
	[dreg:$0x2] =	wrdreg s2  }
0xa9: {  	[dreg:$0x3] =	wrdreg s4  }
0xaa: {  	[dreg:$0x4] =	wrdreg $0xC0  }
0xab: {  	_ =	task [dreg:s6], $0x5FFFF  }
0xac: {  	[dreg:$0x1] =	wrdreg $0xFFFFFFFF  }
0xad: {  	[dreg:$0x0] =	wrdreg $0x60  }
0xae: {  	[dreg:$0x2] =	wrdreg s24  }
0xaf: {  	[dreg:$0x3] =	wrdreg $0x40800  }
0xb0: {  	[dreg:$0x4] =	wrdreg $0x9  }
0xb1: {  	_ =	task.clear_ibuf [dreg:s6], $0x5FFFF;
	_ =	strace $0x90000049  }
0xb2: {  	s29 =	simm.s32 $0x9;
	_ =	strace $0x8000004B  }
0xb3: {  	_ =	swait.ge [sflag:s29], $0x1  }
0xb4: {  	[sflag:s29] =	ssyncadd.s32 $0xFFFFFFFF  }
0xb5: {  	_ =	strace $0x9000004B  }
0xb6: {  	_ =	sfence  }
0xb7: {  	s30 =	sld [smem:$0x0];
	_ =	sdelay $0x2  }
0xb8: {  	s31 =	sshll.u32 s1, $0xD;
	s1 =	sshrl.u32 s1, $0x2  }
0xb9: {  	s3 =	sand.u32 $0x4000, s31;
	s1 =	sadd.s32 s1, s30  }
0xba: {  	s0 =	sor.u32 s3, s0;
	s1 =	sshll.u32 s1, $0x11  }
0xbb: {  	s0 =	sor.u32 s1, s0  }
0xbc: {  	s0 =	sadd.s32 $0x8F2B, s0  }
0xbd: {  	[sflag:s0] =	ssyncadd.remote.s32 $0x1  }
0xbe: {  	_ =	sfence.sel $0xFFFF  }
0xbf: {  	[dreg:$0x0] =	wrdreg $0xFFFFFFFF;
	(pc) =	sbr.abs _section_cstart, $3  }
0xc0: {  	[dreg:$0x1] =	wrdreg $0xFFFFFFFF  }
0xc1: {  	_ =	task.clear_ibuf [dreg:s6], $0x2FFFF;
	_ =	strace $0x9FFFFFFF  }
0xc2: {  	(tm) =	ssettm $0x7FFFFFFF  }
0xc3: {  	_ =	shalt  }
tec
execute0_lowered:
.L_overlay_start_1:
0x0: {  	(tag) =	ssettag $0x1  }
0x1: {  	s4 =	rddreg [dreg:$0x0];
	s14 =	stileid.u32  }
0x2: {  	s0 =	srdreg.scid;
	s3 =	smul.u32 $0x14000, s14  }
0x3: {  	s1 =	rddreg [dreg:$0x1];
	s2 =	simm.s32 $0x0;
	s9 =	smul.u32 $0x50000, s14  }
0x4: {  	s5 =	sand.u32 $0x1, s0;
	s0 =	rddreg [dreg:$0x2];
	s12 =	smul.u32 $0x27000, s14  }
0x5: {  	[smem:$0x7FF] =	sst s2;
	s22 =	sadd.s32 $0x2D0E00, s4;
	s13 =	smul.u32 $0x2700, s14  }
0x6: {  	s15 =	sadd.s32 $0xCA00, s4;
	s28 =	sshll.u32 s14, $0x6;
	p0 =	sne.s32 s14, $0x0  }
0x7: {  	s14 =	simm.s32 $0x0;
	s6 =	smul.u32 $0x140000, s5;
	_ =	strace $0x8000004A  }
0x8: {  	s23 =	ssub.s32 $0x2, s5;
	s10 =	sshll.u32 s5, $0x7;
	s25 =	smul.u32 $0x1380, s5  }
0x9: {  	s30 =	smul.u32 $0x13800, s5;
	s5 =	sor.u32 $0x1C01, s28;
	s7 =	sshrl.u32 s3, $0x3  }
0xa: {  	s11 =	sshrl.u32 s23, $0x1;
	s10 =	sor.u32 $0x27000, s10;
	s12 =	sadd.s32 s12, s22  }
0xb: {  	s26 =	sshrl.u32 s9, $0x2;
	s3 =	sadd.s32 s3, s6;
	s7 =	sadd.s32 s7, s4  }
0xc: {  	s11 =	ssub.s32 s23, s11;
	s24 =	sshll.u32 s10, $0x4;
	s16 =	sadd.s32 s26, s1  }
0xd: {  	s13 =	sadd.s32 s25, s13;
	s29 =	sshrl.u32 s10, $0x3;
	s9 =	sadd.s32 s30, s12  }
0xe: {  	s12 =	simm.s32 $0x1;
	s8 =	sshrl.u32 s3, $0x3;
	s3 =	sadd.s32 s22, s24  }
0xf: {  	s6 =	sadd.s32 s15, s29;
	s31 =	sshrl.u32 s13, $0x3;
	s13 =	simm.s32 $0x80  }
0x10: {  	s8 =	sadd.s32 s8, s4;
	s4 =	sadd.s32 $0x38C00, s7;
	s10 =	sadd.s32 s31, s15  }
0x11: {  	s7 =	sadd.s32 $0x60C00, s8;
	s8 =	smax.u32 s11, $0x1;
	s11 =	sshrl.u32 s16, $0x3  }
.LBB2_1:
0x12: {  	[spmem:s11], [sflag:s5] =	dma.local [hbm:s4], $0x2800  }
0x13: {  	_ =	swait.ge [sflag:s12], $0x2800  }
0x14: {  	[sflag:s12] =	ssyncset.done $0x0  }
0x15: {  	[sflag:s12] =	ssyncadd.s32 $0xFFFFD800  }
0x16: {  	s15 =	sadd.s32 $0x0, s10;
	[bflag:$0x0] =	sbarrier.arrive $0xFFFF  }
0x17: {  	[tilespmem:s2], [sflag:$0x1] =	stream.linear.gather [hbm4b:s15+s2], $0x80, $0x38;
	[tilespmem:$0x18080] =	vst v63  }
0x18: {  	_ =	swait.ge [sflag:s12], $0x80  }
0x19: {  	[sflag:s12] =	ssyncset.done $0x0  }
0x1a: {  	[sflag:s12] =	ssyncadd.s32 $0xFFFFFF80  }
0x1b: {  	[tilespmem:s13], [sflag:$0x1] =	stream.linear.gather [hbm4b:s9+s2], $0x4000, $0x38;
	[tilespmem:$0x18080] =	vst v63  }
0x1c: {  	_ =	swait.ge [sflag:s12], $0x4000  }
0x1d: {  	[sflag:s12] =	ssyncset.done $0x0  }
0x1e: {  	[sflag:s12] =	ssyncadd.s32 $0xFFFFC000  }
0x1f: {  	[spmem:s1] =	stream.indirect.scatter.add.f32 [tilespmem:s13], [sflag:$0x1], $0x80, s2, s13, $0xb8;
	[tilespmem:$0x18080] =	vst v63  }
0x20: {  	s16 =	simm.s32 $0x10;
	_ =	swait.ge [sflag:s12], $0x4000  }
0x21: {  	s17 =	simm.s32 $0x20;
	s15 =	sadd.s32 $0x800, s9;
	[sflag:s12] =	ssyncset.done $0x0  }
.LBB2_2:
0x22: {  	s18 =	sadd.s32 s16, s10  }
0x23: {  	[sflag:s12] =	ssyncadd.s32 $0xFFFFC000;
	s16 =	smov.u32 s17;
	s19 =	sadd.s32 $0x10, s17  }
0x24: {  	[tilespmem:s2], [sflag:$0x1] =	stream.linear.gather [hbm4b:s18+s2], $0x80, $0x38;
	[tilespmem:$0x18080] =	vst v63  }
0x25: {  	p1 =	sne.s32 s17, $0x260;
	_ =	swait.ge [sflag:s12], $0x80  }
0x26: {  	[sflag:s12] =	ssyncset.done $0x0  }
0x27: {  	[sflag:s12] =	ssyncadd.s32 $0xFFFFFF80  }
0x28: {  	[tilespmem:s13], [sflag:$0x1] =	stream.linear.gather [hbm4b:s15+s2], $0x4000, $0x38;
	[tilespmem:$0x18080] =	vst v63  }
0x29: {  	_ =	swait.ge [sflag:s12], $0x4000  }
.Ltmp0:
0x2a: {  	[sflag:s12] =	ssyncset.done $0x0;
	(pc) =	sbr.rel @p1 .LBB2_2-.Ltmp0, $4  }
0x2b: {  	[sflag:s12] =	ssyncadd.s32 $0xFFFFC000  }
0x2c: {  	[spmem:s1] =	stream.indirect.scatter.add.f32 [tilespmem:s13], [sflag:$0x1], $0x80, s2, s13, $0xb8;
	[tilespmem:$0x18080] =	vst v63  }
0x2d: {  	_ =	swait.ge [sflag:s12], $0x4000  }
0x2e: {  	s17 =	smov.u32 s19;
	s15 =	sadd.s32 $0x800, s15;
	[sflag:s12] =	ssyncset.done $0x0  }
0x2f: {  	s16 =	sadd.s32 s16, s10;
	[sflag:s12] =	ssyncadd.s32 $0xFFFFC000  }
0x30: {  	[tilespmem:s2], [sflag:$0x1] =	stream.linear.gather [hbm4b:s16+s2], $0x80, $0x38;
	[tilespmem:$0x18080] =	vst v63  }
0x31: {  	_ =	swait.ge [sflag:s12], $0x80  }
0x32: {  	[sflag:s12] =	ssyncset.done $0x0  }
0x33: {  	[sflag:s12] =	ssyncadd.s32 $0xFFFFFF80  }
0x34: {  	[tilespmem:s13], [sflag:$0x1] =	stream.linear.gather [hbm4b:s15+s2], $0x4000, $0x38;
	[tilespmem:$0x18080] =	vst v63  }
0x35: {  	_ =	swait.ge [sflag:s12], $0x4000  }
0x36: {  	[sflag:s12] =	ssyncset.done $0x0  }
0x37: {  	[sflag:s12] =	ssyncadd.s32 $0xFFFFC000  }
0x38: {  	[spmem:s1] =	stream.indirect.scatter.add.f32 [tilespmem:s13], [sflag:$0x1], $0x80, s2, s13, $0xb8;
	[tilespmem:$0x18080] =	vst v63  }
0x39: {  	_ =	swait.ge [sflag:s12], $0x4000  }
0x3a: {  	[sflag:s12] =	ssyncset.done $0x0  }
0x3b: {  	s16 =	simm.s32 @!p0 $0x1;
	s15 =	simm.s32 @!p0 $0x0;
	[sflag:s12] =	ssyncadd.s32 $0xFFFFC000  }
0x3c: {  	[tilespmem:s15], [sflag:$0x1] =	stream.linear.gather @!p0 [hbm4b:s6+s15], $0x80, $0x38;
	[tilespmem:$0x18080] =	vst v63  }
0x3d: {  	_ =	swait.ge @!p0 [sflag:s16], $0x80  }
0x3e: {  	[sflag:s16] =	ssyncset.done @!p0 $0x0  }
0x3f: {  	s17 =	simm.s32 @!p0 $0x80;
	[sflag:s16] =	ssyncadd.s32 @!p0 $0xFFFFFF80  }
0x40: {  	[tilespmem:s17], [sflag:$0x1] =	stream.linear.gather @!p0 [hbm4b:s3+s15], $0x4000, $0x38;
	[tilespmem:$0x18080] =	vst v63  }
0x41: {  	_ =	swait.ge @!p0 [sflag:s16], $0x4000  }
0x42: {  	[sflag:s16] =	ssyncset.done @!p0 $0x0  }
0x43: {  	[sflag:s16] =	ssyncadd.s32 @!p0 $0xFFFFC000  }
0x44: {  	[spmem:s1] =	stream.indirect.scatter.add.f32 @!p0 [tilespmem:s17], [sflag:$0x1], $0x80, s15, s17, $0xb8;
	[tilespmem:$0x18080] =	vst v63  }
0x45: {  	_ =	swait.ge @!p0 [sflag:s16], $0x4000  }
0x46: {  	s14 =	sadd.s32 $0x1, s14;
	[sflag:s16] =	ssyncset.done @!p0 $0x0  }
0x47: {  	p1 =	sne.s32 s14, s8;
	[sflag:s16] =	ssyncadd.s32 @!p0 $0xFFFFC000  }
.Ltmp1:
0x48: {  	[bflag:$0x0] =	sbarrier.arrive $0xFFFF;
	(pc) =	sbr.rel @p1 .LBB2_1-.Ltmp1, $4  }
0x49: {  	[hbm:s7], [sflag:s5] =	dma.local [spmem:s11], $0x2800  }
0x4a: {  	_ =	swait.ge [sflag:s12], $0x2800  }
0x4b: {  	[sflag:s12] =	ssyncset.done $0x0  }
0x4c: {  	[sflag:s12] =	ssyncadd.s32 $0xFFFFD800  }
0x4d: {  	_ =	sfence.sel $0x180000  }
0x4e: {  	[bflag:$0x0] =	sbarrier.arrive $0xFFFF  }
0x4f: {  	_ =	strace $0x9000004A  }
0x50: {  	s0 =	sadd.s32 @!p0 $0x100000, s0;
	[bflag:$0x2] =	sbarrier.arrive $0xFFFF  }
0x51: {  	[sflag:s0] =	ssyncadd.tile.s32 @!p0 $0x1;
	_ =	shalt  }
.Lfunc_end2:
_tile_overlayer_lowered:
.L_overlay_start_2:
0x52: {  	(tag) =	ssettag $0x2  }
0x53: {  	s0 =	rddreg [dreg:$0x0];
	s2 =	stileid.u32  }
0x54: {  	s1 =	rddreg [dreg:$0x1];
	p0 =	sne.s32 s2, $0x0  }
0x55: {  	s3 =	rddreg [dreg:$0x2];
	[bflag:$0x3] =	sbarrier.arrive $0xFFFF;
	s2 =	simm.s32 @!p0 $0x1C01  }
0x56: {  	[timem:s3], [sflag:s2] =	dma.local @!p0 [hbm:s0], s1  }
0x57: {  	s0 =	simm.s32 @!p0 $0x1  }
0x58: {  	_ =	swait.ge @!p0 [sflag:s0], s1  }
0x59: {  	s1 =	ssub.s32 @!p0 $0x0, s1;
	[sflag:s0] =	ssyncset.done @!p0 $0x0  }
0x5a: {  	[sflag:s0] =	ssyncadd.s32 @!p0 s1  }
0x5b: {  	[bflag:$0x3] =	sbarrier.arrive $0xFFFF  }
0x5c: {  	_ =	shalt  }

// kernel: kernel.22.cloned.1.call-start
scs
__scs_entry_jumppad:
0x0: {  	(pc) =	sbr.rel $0x88, $3  }
0x1: {  	(tag) =	ssettag $0x0;
	lr =	simm.s32 $0x1  }
0x2: {  	[smem:$0x3F85] =	sst lr;
	_ =	strace $0xD0000000  }
0x3: {  	_ = 	snop  }
0x4: {  	_ = 	snop  }
0x5: {  	_ = 	snop  }
0x6: {  	_ = 	snop  }
0x7: {  	_ = 	snop  }
__scs_overlays_trampoline_lowered:
0x8: {  	[smem:$0x3F94] =	sst s0  }
0x9: {  	[smem:$0x3F95] =	sst s1  }
0xa: {  	[smem:$0x3F96] =	sst s2  }
0xb: {  	[smem:$0x3F97] =	sst s3  }
0xc: {  	[smem:$0x3F98] =	sst s4  }
0xd: {  	[smem:$0x3F99] =	sst s5  }
0xe: {  	[smem:$0x3F9A] =	sst s6  }
0xf: {  	[smem:$0x3F9B] =	sst s7  }
0x10: {  	[smem:$0x3F9C] =	sst s8  }
0x11: {  	[smem:$0x3F9D] =	sst s9;
	s0 =	simm.s32 @!p0 $0x0  }
0x12: {  	s1 =	sld [smem:$0x3F83];
	s0 =	simm.s32 @p0 $0x1  }
0x13: {  	[smem:$0x3F9E] =	sst s0;
	s0 =	simm.s32 @!p1 $0x0  }
0x14: {  	s2 =	sld [smem:$0x3F82];
	s0 =	simm.s32 @p1 $0x1  }
0x15: {  	[smem:$0x3F9F] =	sst s0;
	s0 =	simm.s32 @!p2 $0x0  }
0x16: {  	s3 =	sld [smem:$0x3FDB];
	s0 =	simm.s32 @p2 $0x1  }
0x17: {  	s4 =	simm.s32 $0x1BF5;
	[smem:$0x3FA1] =	sst s0  }
0x18: {  	s0 =	sld [smem:$0x3F84];
	_ =	swait.ge [sflag:s4], $0x0  }
0x19: {  	s7 =	sld [smem:$0x3F85]  }
0x1a: {  	s8 =	sadd.s32 $0xFFFFE003, lr  }
0x1b: {  	s9 =	sadd.s32 $0xFFFFFEF7, lr;
	s5 =	simm.s32 $0xFFFFFFFF;
	p2 =	slt.u32 s8, $0xFFFFF086  }
0x1c: {  	p1 =	slt.u32 s9, $0xF7A;
	s5 =	simm.s32 @!p2 $0x0  }
0x1d: {  	s5 =	simm.s32 @p1 $0x1;
	p0 =	seq.s32 s7, s2  }
0x1e: {  	s7 =	smul.u32 @!p0 $0xF7A, s2;
	p2 =	seq.s32 @!p0 s5, $0x0  }
0x1f: {  	s9 =	smul.u32 $0xF7A, s1;
	s8 =	simm.s32 @!p0 $0x1BF5;
	p2 =	por !p2, p0  }
0x20: {  	[sflag:s8] =	ssyncset.s32 @!p0 $0xFFFFF086;
	s6 =	sadd.s32 @!p0 s3, s7;
	s7 =	simm.s32 @!p0 $0x108  }
0x21: {  	s3 =	sadd.s32 s3, s9;
	s6 =	sadd.s32 @!p0 $0x88, s6;
	s7 =	simm.s32 @p2 $0x1082  }
0x22: {  	[simem:s7], [sflag:s8] =	dma.local @!p0 [hbm:s6], $0xF7A  }
0x23: {  	s9 =	sor.u32 $0xD0000000, s2;
	s6 =	simm.s32 $0x108;
	_ =	swait.ge @!p0 [sflag:s8], $0x0  }
0x24: {  	s3 =	sadd.s32 $0x88, s3;
	s6 =	simm.s32 @!p1 $0x1082;
	[sflag:s4] =	ssyncset.s32 $0xFFFFF086  }
0x25: {  	[simem:s6], [sflag:s4] =	dma.local [hbm:s3], $0xF7A  }
0x26: {  	[smem:$0x3F85] =	sst s1;
	(tag) =	ssettag s2;
	_ =	strace s9  }
0x27: {  	s1 =	sld [smem:$0x3F95]  }
0x28: {  	s2 =	sld [smem:$0x3F96]  }
0x29: {  	s4 =	sld [smem:$0x3F98]  }
0x2a: {  	p0 =	seq.s32 s5, $0x0;
	s5 =	sld [smem:$0x3F99]  }
0x2b: {  	s6 =	sld [smem:$0x3F9A]  }
0x2c: {  	s7 =	sld [smem:$0x3F9B]  }
0x2d: {  	s3 =	simm.s32 $0x108;
	s8 =	sld [smem:$0x3F9C]  }
0x2e: {  	s3 =	simm.s32 @!p0 $0x1082;
	s9 =	sld [smem:$0x3F9D]  }
0x2f: {  	lr =	sadd.s32 s0, s3;
	s0 =	sld [smem:$0x3F94]  }
0x30: {  	s3 =	sld [smem:$0x3F97]  }
0x31: {  	[smem:$0x3FA0] =	sst s10  }
0x32: {  	s10 =	sld [smem:$0x3F9E];
	_ =	sdelay $0x3  }
0x33: {  	p0 =	seq.s32 s10, $0x1;
	s10 =	sld [smem:$0x3FA0];
	_ =	sdelay $0x3  }
0x34: {  	[smem:$0x3FA0] =	sst s10  }
0x35: {  	s10 =	sld [smem:$0x3F9F];
	_ =	sdelay $0x3  }
0x36: {  	p1 =	seq.s32 s10, $0x1;
	s10 =	sld [smem:$0x3FA0];
	_ =	sdelay $0x3  }
0x37: {  	[smem:$0x3FA0] =	sst s10  }
0x38: {  	s10 =	sld [smem:$0x3FA1]  }
0x39: {  	_ = 	snop;
	(pc) =	sbr.ind lr, $3  }
0x3a: {  	_ = 	snop  }
0x3b: {  	_ = 	snop  }
0x3c: {  	p2 =	seq.s32 s10, $0x1;
	s10 =	sld [smem:$0x3FA0]  }
0x3d: {  	_ =	shalt  }
0x3e: {  	_ =	shalt  }
0x3f: {  	_ =	shalt  }
0x40: {  	_ =	shalt  }
0x41: {  	_ =	shalt  }
0x42: {  	_ =	shalt  }
0x43: {  	_ =	shalt  }
0x44: {  	_ =	shalt  }
0x45: {  	_ =	shalt  }
0x46: {  	_ =	shalt  }
0x47: {  	_ =	shalt  }
0x48: {  	_ =	shalt  }
0x49: {  	_ =	shalt  }
0x4a: {  	_ =	shalt  }
0x4b: {  	_ =	shalt  }
0x4c: {  	_ =	shalt  }
0x4d: {  	_ =	shalt  }
0x4e: {  	_ =	shalt  }
0x4f: {  	_ =	shalt  }
0x50: {  	_ =	shalt  }
0x51: {  	_ =	shalt  }
0x52: {  	_ =	shalt  }
0x53: {  	_ =	shalt  }
0x54: {  	_ =	shalt  }
0x55: {  	_ =	shalt  }
0x56: {  	_ =	shalt  }
0x57: {  	_ =	shalt  }
0x58: {  	_ =	shalt  }
0x59: {  	_ =	shalt  }
0x5a: {  	_ =	shalt  }
0x5b: {  	_ =	shalt  }
0x5c: {  	_ =	shalt  }
0x5d: {  	_ =	shalt  }
0x5e: {  	_ =	shalt  }
0x5f: {  	_ =	shalt  }
0x60: {  	_ =	shalt  }
0x61: {  	_ =	shalt  }
0x62: {  	_ =	shalt  }
0x63: {  	_ =	shalt  }
0x64: {  	_ =	shalt  }
0x65: {  	_ =	shalt  }
0x66: {  	_ =	shalt  }
0x67: {  	_ =	shalt  }
0x68: {  	_ =	shalt  }
0x69: {  	_ =	shalt  }
0x6a: {  	_ =	shalt  }
0x6b: {  	_ =	shalt  }
0x6c: {  	_ =	shalt  }
0x6d: {  	_ =	shalt  }
0x6e: {  	_ =	shalt  }
0x6f: {  	_ =	shalt  }
0x70: {  	_ =	shalt  }
0x71: {  	_ =	shalt  }
0x72: {  	_ =	shalt  }
0x73: {  	_ =	shalt  }
0x74: {  	_ =	shalt  }
0x75: {  	_ =	shalt  }
0x76: {  	_ =	shalt  }
0x77: {  	_ =	shalt  }
0x78: {  	_ =	shalt  }
0x79: {  	_ =	shalt  }
0x7a: {  	_ =	shalt  }
0x7b: {  	_ =	shalt  }
0x7c: {  	_ =	shalt  }
0x7d: {  	_ =	shalt  }
0x7e: {  	_ =	shalt  }
0x7f: {  	_ =	shalt  }
0x80: {  	_ =	shalt  }
0x81: {  	_ =	shalt  }
0x82: {  	_ =	shalt  }
0x83: {  	_ =	shalt  }
0x84: {  	_ =	shalt  }
0x85: {  	_ =	shalt  }
0x86: {  	_ =	shalt  }
0x87: {  	_ =	shalt  }
.Lfunc_end0:
.L_simem_size_0:
called_computation.2_lowered:
.L_overlay_start_0:
0x88: {  	s2 =	sld [smem:$0x3FD9]  }
0x89: {  	s3 =	sld [smem:$0x3FFE];
	_ =	sdelay $0x1  }
0x8a: {  	s1 =	srdreg.scid  }
0x8b: {  	s0 =	sand.u32 $0x1, s1  }
0x8c: {  	s16 =	sshll.u32 s0, $0xA;
	s2 =	sadd.s32 s3, s2  }
0x8d: {  	s2 =	sadd.s32 s2, s16  }
0x8e: {  	[smem:$0x3FAC] =	sst s2  }
0x8f: {  	_ = 	snop  }
0x90: {  	(tm) =	ssettm $0x1  }
0x91: {  	s17 =	sld [smem:$0x3FFB];
	_ =	sdelay $0x3  }
0x92: {  	_ =	strace s17  }
0x93: {  	s2 =	sld [smem:$0x3FFC];
	_ =	sdelay $0x3  }
0x94: {  	_ =	strace s2  }
0x95: {  	s2 =	sld [smem:$0x3FFD];
	_ =	sdelay $0x3  }
0x96: {  	_ =	strace s2  }
0x97: {  	_ =	strace $0x8FFFFFFF  }
0x98: {  	s18 =	sld [smem:$0x3FDB];
	_ =	sdelay $0x1  }
0x99: {  	s19 =	simm.s32 $_scs_section_size  }
0x9a: {  	s4 =	simm.s32 $_size__tile_overlayer_lowered;
	s5 =	simm.s32 $_tile_overlayer_lowered  }
0x9b: {  	s22 =	simm.s32 $0x1BFF;
	s21 =	sshll.u32 s5, $0x1;
	s2 =	sadd.s32 s19, s18  }
0x9c: {  	s6 =	simm.s32 $0x0;
	s20 =	sshll.u32 s4, $0x1;
	s4 =	sadd.s32 s21, s2  }
0x9d: {  	[timem:s6], [sflag:s22] =	dma.local [hbm:s4], s20  }
0x9e: {  	_ =	swait.ge [sflag:s22], s20  }
0x9f: {  	s3 =	ssub.s32 $0x0, s20;
	[sflag:s22] =	ssyncset.done $0x0  }
0xa0: {  	[sflag:s22] =	ssyncadd.s32 s3;
	_ =	sdelay $0x1  }
0xa1: {  	s23 =	simm.s32 $0x1B8B  }
0xa2: {  	_ =	swait.ge [sflag:s23], $0x1  }
0xa3: {  	[sflag:s23] =	ssyncset.done $0x0  }
0xa4: {  	s25 =	simm.s32 $0x1B8E;
	s24 =	sld [smem:$0x3FFE];
	[sflag:s23] =	ssyncadd.s32 $0xFFFFFFFF  }
0xa5: {  	s26 =	simm.s32 $execute0_lowered;
	[smem:$0x3FD2] =	sst s25  }
0xa6: {  	s4 =	sshll.u32 s26, $0x1;
	_ =	strace $0x8000004C;
	[dreg:$0x1] =	wrdreg $0xFFFFFFFF  }
0xa7: {  	s28 =	simm.s32 $_size_execute0_lowered;
	s2 =	sadd.s32 s2, s4;
	[dreg:$0x0] =	wrdreg $0x0  }
0xa8: {  	s4 =	sshll.u32 s28, $0x1;
	[dreg:$0x2] =	wrdreg s2  }
0xa9: {  	[dreg:$0x3] =	wrdreg s4  }
0xaa: {  	[dreg:$0x4] =	wrdreg $0xC0  }
0xab: {  	_ =	task [dreg:s6], $0x5FFFF  }
0xac: {  	[dreg:$0x1] =	wrdreg $0xFFFFFFFF  }
0xad: {  	[dreg:$0x0] =	wrdreg $0x60  }
0xae: {  	[dreg:$0x2] =	wrdreg s24  }
0xaf: {  	[dreg:$0x3] =	wrdreg $0x9  }
0xb0: {  	_ =	task.clear_ibuf [dreg:s6], $0x4FFFF;
	_ =	strace $0x9000004C  }
0xb1: {  	s29 =	simm.s32 $0x9;
	_ =	strace $0x8000004E  }
0xb2: {  	_ =	swait.ge [sflag:s29], $0x1  }
0xb3: {  	[sflag:s29] =	ssyncadd.s32 $0xFFFFFFFF  }
0xb4: {  	_ =	strace $0x9000004E  }
0xb5: {  	_ =	sfence  }
0xb6: {  	s30 =	sld [smem:$0x0];
	_ =	sdelay $0x2  }
0xb7: {  	s31 =	sshll.u32 s1, $0xD;
	s1 =	sshrl.u32 s1, $0x2  }
0xb8: {  	s3 =	sand.u32 $0x4000, s31;
	s1 =	sadd.s32 s1, s30  }
0xb9: {  	s0 =	sor.u32 s3, s0;
	s1 =	sshll.u32 s1, $0x11  }
0xba: {  	s0 =	sor.u32 s1, s0  }
0xbb: {  	s0 =	sadd.s32 $0x8F2B, s0  }
0xbc: {  	[sflag:s0] =	ssyncadd.remote.s32 $0x1  }
0xbd: {  	_ =	sfence.sel $0xFFFF  }
0xbe: {  	[dreg:$0x0] =	wrdreg $0xFFFFFFFF;
	(pc) =	sbr.abs _section_cstart, $3  }
0xbf: {  	[dreg:$0x1] =	wrdreg $0xFFFFFFFF  }
0xc0: {  	_ =	task.clear_ibuf [dreg:s6], $0x2FFFF;
	_ =	strace $0x9FFFFFFF  }
0xc1: {  	(tm) =	ssettm $0x7FFFFFFF  }
tec
execute0_lowered:
.L_overlay_start_1:
0x0: {  	(tag) =	ssettag $0x1  }
0x1: {  	s3 =	rddreg [dreg:$0x0]  }
0x2: {  	s0 =	rddreg [dreg:$0x1]  }
0x3: {  	s1 =	simm.s32 $0x0;
	s2 =	srdreg.scid;
	s11 =	stileid.u32  }
0x4: {  	[smem:$0x7FF] =	sst s1;
	s4 =	sadd.s32 $0x87E00, s3;
	s8 =	smul.u32 $0x27000, s11  }
0x5: {  	s5 =	sand.u32 $0x1, s2;
	s9 =	smul.u32 $0x2700, s11;
	s12 =	sadd.s32 $0x7A00, s3  }
0x6: {  	s3 =	sadd.s32 $0x60C00, s3;
	p0 =	sne.s32 s11, $0x0;
	s11 =	simm.s32 $0x0  }
0x7: {  	_ =	strace $0x8000004D;
	s2 =	ssub.s32 $0x2, s5;
	s10 =	smul.u32 $0x1380, s5  }
0x8: {  	s6 =	sshll.u32 s5, $0x7;
	s30 =	smul.u32 $0x13800, s5;
	s7 =	sshrl.u32 s2, $0x1  }
0x9: {  	s6 =	sor.u32 $0x27000, s6;
	s8 =	sadd.s32 s8, s4;
	s7 =	ssub.s32 s2, s7  }
0xa: {  	s28 =	sshll.u32 s6, $0x4;
	s29 =	sshrl.u32 s6, $0x3;
	s9 =	sadd.s32 s10, s9  }
0xb: {  	s6 =	sadd.s32 s30, s8;
	s8 =	simm.s32 $0x2;
	s10 =	simm.s32 $0x1  }
0xc: {  	s2 =	sadd.s32 s4, s28;
	s4 =	sadd.s32 s12, s29;
	s31 =	sshrl.u32 s9, $0x3  }
0xd: {  	s5 =	smax.u32 s7, $0x1;
	s9 =	simm.s32 $0x80;
	s7 =	sadd.s32 s31, s12  }
.LBB2_1:
0xe: {  	s12 =	sadd.s32 $0x0, s7  }
0xf: {  	[tilespmem:s1], [sflag:$0x2] =	stream.linear.gather [hbm4b:s12+s1], $0x80, $0x38;
	[tilespmem:$0x4080] =	vst v63  }
0x10: {  	_ =	swait.ge [sflag:s8], $0x80  }
0x11: {  	[sflag:s8] =	ssyncset.done $0x0  }
0x12: {  	[sflag:s8] =	ssyncadd.s32 $0xFFFFFF80  }
0x13: {  	[tilespmem:s9], [sflag:$0x1] =	stream.indirect.gather [hbm4b:s3+s9], $0x80, s1, s9, $0xb8;
	[tilespmem:$0x4080] =	vst v63  }
0x14: {  	_ =	swait.ge [sflag:s10], $0x4000  }
0x15: {  	[sflag:s10] =	ssyncset.done $0x0  }
0x16: {  	[sflag:s10] =	ssyncadd.s32 $0xFFFFC000  }
0x17: {  	[hbm4b:s6+s1] =	stream.linear.scatter [tilespmem:s9], [sflag:$0x2], $0x4000, $0x38;
	[tilespmem:$0x4080] =	vst v63  }
0x18: {  	s13 =	simm.s32 $0x10;
	_ =	swait.ge [sflag:s8], $0x4000  }
0x19: {  	s14 =	simm.s32 $0x20;
	s12 =	sadd.s32 $0x800, s6;
	[sflag:s8] =	ssyncset.done $0x0  }
.LBB2_2:
0x1a: {  	s15 =	sadd.s32 s13, s7  }
0x1b: {  	[sflag:s8] =	ssyncadd.s32 $0xFFFFC000;
	s13 =	smov.u32 s14;
	s16 =	sadd.s32 $0x10, s14  }
0x1c: {  	[tilespmem:s1], [sflag:$0x2] =	stream.linear.gather [hbm4b:s15+s1], $0x80, $0x38;
	[tilespmem:$0x4080] =	vst v63  }
0x1d: {  	p1 =	sne.s32 s14, $0x260;
	_ =	swait.ge [sflag:s8], $0x80  }
0x1e: {  	[sflag:s8] =	ssyncset.done $0x0  }
0x1f: {  	[sflag:s8] =	ssyncadd.s32 $0xFFFFFF80  }
0x20: {  	[tilespmem:s9], [sflag:$0x1] =	stream.indirect.gather [hbm4b:s3+s9], $0x80, s1, s9, $0xb8;
	[tilespmem:$0x4080] =	vst v63  }
0x21: {  	_ =	swait.ge [sflag:s10], $0x4000  }
.Ltmp0:
0x22: {  	[sflag:s10] =	ssyncset.done $0x0;
	(pc) =	sbr.rel @p1 .LBB2_2-.Ltmp0, $4  }
0x23: {  	[sflag:s10] =	ssyncadd.s32 $0xFFFFC000  }
0x24: {  	[hbm4b:s12+s1] =	stream.linear.scatter [tilespmem:s9], [sflag:$0x2], $0x4000, $0x38;
	[tilespmem:$0x4080] =	vst v63  }
0x25: {  	_ =	swait.ge [sflag:s8], $0x4000  }
0x26: {  	s14 =	smov.u32 s16;
	s12 =	sadd.s32 $0x800, s12;
	[sflag:s8] =	ssyncset.done $0x0  }
0x27: {  	s13 =	sadd.s32 s13, s7;
	[sflag:s8] =	ssyncadd.s32 $0xFFFFC000  }
0x28: {  	[tilespmem:s1], [sflag:$0x2] =	stream.linear.gather [hbm4b:s13+s1], $0x80, $0x38;
	[tilespmem:$0x4080] =	vst v63  }
0x29: {  	_ =	swait.ge [sflag:s8], $0x80  }
0x2a: {  	[sflag:s8] =	ssyncset.done $0x0  }
0x2b: {  	[sflag:s8] =	ssyncadd.s32 $0xFFFFFF80  }
0x2c: {  	[tilespmem:s9], [sflag:$0x1] =	stream.indirect.gather [hbm4b:s3+s9], $0x80, s1, s9, $0xb8;
	[tilespmem:$0x4080] =	vst v63  }
0x2d: {  	_ =	swait.ge [sflag:s10], $0x4000  }
0x2e: {  	[sflag:s10] =	ssyncset.done $0x0  }
0x2f: {  	[sflag:s10] =	ssyncadd.s32 $0xFFFFC000  }
0x30: {  	[hbm4b:s12+s1] =	stream.linear.scatter [tilespmem:s9], [sflag:$0x2], $0x4000, $0x38;
	[tilespmem:$0x4080] =	vst v63  }
0x31: {  	_ =	swait.ge [sflag:s8], $0x4000  }
0x32: {  	[sflag:s8] =	ssyncset.done $0x0  }
0x33: {  	s13 =	simm.s32 @!p0 $0x2;
	s12 =	simm.s32 @!p0 $0x0;
	[sflag:s8] =	ssyncadd.s32 $0xFFFFC000  }
0x34: {  	[tilespmem:s12], [sflag:$0x2] =	stream.linear.gather @!p0 [hbm4b:s4+s12], $0x80, $0x38;
	[tilespmem:$0x4080] =	vst v63  }
0x35: {  	_ =	swait.ge @!p0 [sflag:s13], $0x80  }
0x36: {  	[sflag:s13] =	ssyncset.done @!p0 $0x0  }
0x37: {  	s14 =	simm.s32 @!p0 $0x80;
	s15 =	simm.s32 @!p0 $0x1;
	[sflag:s13] =	ssyncadd.s32 @!p0 $0xFFFFFF80  }
0x38: {  	[tilespmem:s14], [sflag:$0x1] =	stream.indirect.gather @!p0 [hbm4b:s3+s14], $0x80, s12, s14, $0xb8;
	[tilespmem:$0x4080] =	vst v63  }
0x39: {  	s11 =	sadd.s32 $0x1, s11;
	_ =	swait.ge @!p0 [sflag:s15], $0x4000  }
0x3a: {  	p1 =	sne.s32 s11, s5;
	[sflag:s15] =	ssyncset.done @!p0 $0x0  }
.Ltmp1:
0x3b: {  	[sflag:s15] =	ssyncadd.s32 @!p0 $0xFFFFC000;
	(pc) =	sbr.rel @p1 .LBB2_1-.Ltmp1, $4  }
0x3c: {  	[hbm4b:s2+s12] =	stream.linear.scatter @!p0 [tilespmem:s14], [sflag:$0x2], $0x4000, $0x38;
	[tilespmem:$0x4080] =	vst v63  }
0x3d: {  	_ =	swait.ge @!p0 [sflag:s13], $0x4000  }
0x3e: {  	[sflag:s13] =	ssyncset.done @!p0 $0x0  }
0x3f: {  	[sflag:s13] =	ssyncadd.s32 @!p0 $0xFFFFC000  }
0x40: {  	_ =	sfence.sel $0x180000  }
0x41: {  	[bflag:$0x0] =	sbarrier.arrive $0xFFFF  }
0x42: {  	_ =	strace $0x9000004D  }
0x43: {  	s0 =	sadd.s32 @!p0 $0x100000, s0;
	[bflag:$0x2] =	sbarrier.arrive $0xFFFF  }
0x44: {  	[sflag:s0] =	ssyncadd.tile.s32 @!p0 $0x1;
	_ =	shalt  }
.Lfunc_end2:
_tile_overlayer_lowered:
.L_overlay_start_2:
0x45: {  	(tag) =	ssettag $0x2  }
0x46: {  	s0 =	rddreg [dreg:$0x0];
	s2 =	stileid.u32  }
0x47: {  	s1 =	rddreg [dreg:$0x1];
	p0 =	sne.s32 s2, $0x0  }
0x48: {  	s3 =	rddreg [dreg:$0x2];
	[bflag:$0x3] =	sbarrier.arrive $0xFFFF;
	s2 =	simm.s32 @!p0 $0x1C02  }
0x49: {  	[timem:s3], [sflag:s2] =	dma.local @!p0 [hbm:s0], s1  }
0x4a: {  	s0 =	simm.s32 @!p0 $0x2  }
0x4b: {  	_ =	swait.ge @!p0 [sflag:s0], s1  }
0x4c: {  	s1 =	ssub.s32 @!p0 $0x0, s1;
	[sflag:s0] =	ssyncset.done @!p0 $0x0  }
0x4d: {  	[sflag:s0] =	ssyncadd.s32 @!p0 s1  }
0x4e: {  	[bflag:$0x3] =	sbarrier.arrive $0xFFFF  }
0x4f: {  	_ =	shalt  }

// kernel: kernel.25.cloned.1.call-start
scs
__scs_entry_jumppad:
0x0: {  	(pc) =	sbr.rel $0x88, $3  }
0x1: {  	(tag) =	ssettag $0x0;
	lr =	simm.s32 $0x1  }
0x2: {  	[smem:$0x3F85] =	sst lr;
	_ =	strace $0xD0000000  }
0x3: {  	_ = 	snop  }
0x4: {  	_ = 	snop  }
0x5: {  	_ = 	snop  }
0x6: {  	_ = 	snop  }
0x7: {  	_ = 	snop  }
__scs_overlays_trampoline_lowered:
0x8: {  	[smem:$0x3F94] =	sst s0  }
0x9: {  	[smem:$0x3F95] =	sst s1  }
0xa: {  	[smem:$0x3F96] =	sst s2  }
0xb: {  	[smem:$0x3F97] =	sst s3  }
0xc: {  	[smem:$0x3F98] =	sst s4  }
0xd: {  	[smem:$0x3F99] =	sst s5  }
0xe: {  	[smem:$0x3F9A] =	sst s6  }
0xf: {  	[smem:$0x3F9B] =	sst s7  }
0x10: {  	[smem:$0x3F9C] =	sst s8  }
0x11: {  	[smem:$0x3F9D] =	sst s9;
	s0 =	simm.s32 @!p0 $0x0  }
0x12: {  	s1 =	sld [smem:$0x3F83];
	s0 =	simm.s32 @p0 $0x1  }
0x13: {  	[smem:$0x3F9E] =	sst s0;
	s0 =	simm.s32 @!p1 $0x0  }
0x14: {  	s2 =	sld [smem:$0x3F82];
	s0 =	simm.s32 @p1 $0x1  }
0x15: {  	[smem:$0x3F9F] =	sst s0;
	s0 =	simm.s32 @!p2 $0x0  }
0x16: {  	s3 =	sld [smem:$0x3FDB];
	s0 =	simm.s32 @p2 $0x1  }
0x17: {  	s4 =	simm.s32 $0x1BF5;
	[smem:$0x3FA1] =	sst s0  }
0x18: {  	s0 =	sld [smem:$0x3F84];
	_ =	swait.ge [sflag:s4], $0x0  }
0x19: {  	s7 =	sld [smem:$0x3F85]  }
0x1a: {  	s8 =	sadd.s32 $0xFFFFE003, lr  }
0x1b: {  	s9 =	sadd.s32 $0xFFFFFEF7, lr;
	s5 =	simm.s32 $0xFFFFFFFF;
	p2 =	slt.u32 s8, $0xFFFFF086  }
0x1c: {  	p1 =	slt.u32 s9, $0xF7A;
	s5 =	simm.s32 @!p2 $0x0  }
0x1d: {  	s5 =	simm.s32 @p1 $0x1;
	p0 =	seq.s32 s7, s2  }
0x1e: {  	s7 =	smul.u32 @!p0 $0xF7A, s2;
	p2 =	seq.s32 @!p0 s5, $0x0  }
0x1f: {  	s9 =	smul.u32 $0xF7A, s1;
	s8 =	simm.s32 @!p0 $0x1BF5;
	p2 =	por !p2, p0  }
0x20: {  	[sflag:s8] =	ssyncset.s32 @!p0 $0xFFFFF086;
	s6 =	sadd.s32 @!p0 s3, s7;
	s7 =	simm.s32 @!p0 $0x108  }
0x21: {  	s3 =	sadd.s32 s3, s9;
	s6 =	sadd.s32 @!p0 $0x88, s6;
	s7 =	simm.s32 @p2 $0x1082  }
0x22: {  	[simem:s7], [sflag:s8] =	dma.local @!p0 [hbm:s6], $0xF7A  }
0x23: {  	s9 =	sor.u32 $0xD0000000, s2;
	s6 =	simm.s32 $0x108;
	_ =	swait.ge @!p0 [sflag:s8], $0x0  }
0x24: {  	s3 =	sadd.s32 $0x88, s3;
	s6 =	simm.s32 @!p1 $0x1082;
	[sflag:s4] =	ssyncset.s32 $0xFFFFF086  }
0x25: {  	[simem:s6], [sflag:s4] =	dma.local [hbm:s3], $0xF7A  }
0x26: {  	[smem:$0x3F85] =	sst s1;
	(tag) =	ssettag s2;
	_ =	strace s9  }
0x27: {  	s1 =	sld [smem:$0x3F95]  }
0x28: {  	s2 =	sld [smem:$0x3F96]  }
0x29: {  	s4 =	sld [smem:$0x3F98]  }
0x2a: {  	p0 =	seq.s32 s5, $0x0;
	s5 =	sld [smem:$0x3F99]  }
0x2b: {  	s6 =	sld [smem:$0x3F9A]  }
0x2c: {  	s7 =	sld [smem:$0x3F9B]  }
0x2d: {  	s3 =	simm.s32 $0x108;
	s8 =	sld [smem:$0x3F9C]  }
0x2e: {  	s3 =	simm.s32 @!p0 $0x1082;
	s9 =	sld [smem:$0x3F9D]  }
0x2f: {  	lr =	sadd.s32 s0, s3;
	s0 =	sld [smem:$0x3F94]  }
0x30: {  	s3 =	sld [smem:$0x3F97]  }
0x31: {  	[smem:$0x3FA0] =	sst s10  }
0x32: {  	s10 =	sld [smem:$0x3F9E];
	_ =	sdelay $0x3  }
0x33: {  	p0 =	seq.s32 s10, $0x1;
	s10 =	sld [smem:$0x3FA0];
	_ =	sdelay $0x3  }
0x34: {  	[smem:$0x3FA0] =	sst s10  }
0x35: {  	s10 =	sld [smem:$0x3F9F];
	_ =	sdelay $0x3  }
0x36: {  	p1 =	seq.s32 s10, $0x1;
	s10 =	sld [smem:$0x3FA0];
	_ =	sdelay $0x3  }
0x37: {  	[smem:$0x3FA0] =	sst s10  }
0x38: {  	s10 =	sld [smem:$0x3FA1]  }
0x39: {  	_ = 	snop;
	(pc) =	sbr.ind lr, $3  }
0x3a: {  	_ = 	snop  }
0x3b: {  	_ = 	snop  }
0x3c: {  	p2 =	seq.s32 s10, $0x1;
	s10 =	sld [smem:$0x3FA0]  }
0x3d: {  	_ =	shalt  }
0x3e: {  	_ =	shalt  }
0x3f: {  	_ =	shalt  }
0x40: {  	_ =	shalt  }
0x41: {  	_ =	shalt  }
0x42: {  	_ =	shalt  }
0x43: {  	_ =	shalt  }
0x44: {  	_ =	shalt  }
0x45: {  	_ =	shalt  }
0x46: {  	_ =	shalt  }
0x47: {  	_ =	shalt  }
0x48: {  	_ =	shalt  }
0x49: {  	_ =	shalt  }
0x4a: {  	_ =	shalt  }
0x4b: {  	_ =	shalt  }
0x4c: {  	_ =	shalt  }
0x4d: {  	_ =	shalt  }
0x4e: {  	_ =	shalt  }
0x4f: {  	_ =	shalt  }
0x50: {  	_ =	shalt  }
0x51: {  	_ =	shalt  }
0x52: {  	_ =	shalt  }
0x53: {  	_ =	shalt  }
0x54: {  	_ =	shalt  }
0x55: {  	_ =	shalt  }
0x56: {  	_ =	shalt  }
0x57: {  	_ =	shalt  }
0x58: {  	_ =	shalt  }
0x59: {  	_ =	shalt  }
0x5a: {  	_ =	shalt  }
0x5b: {  	_ =	shalt  }
0x5c: {  	_ =	shalt  }
0x5d: {  	_ =	shalt  }
0x5e: {  	_ =	shalt  }
0x5f: {  	_ =	shalt  }
0x60: {  	_ =	shalt  }
0x61: {  	_ =	shalt  }
0x62: {  	_ =	shalt  }
0x63: {  	_ =	shalt  }
0x64: {  	_ =	shalt  }
0x65: {  	_ =	shalt  }
0x66: {  	_ =	shalt  }
0x67: {  	_ =	shalt  }
0x68: {  	_ =	shalt  }
0x69: {  	_ =	shalt  }
0x6a: {  	_ =	shalt  }
0x6b: {  	_ =	shalt  }
0x6c: {  	_ =	shalt  }
0x6d: {  	_ =	shalt  }
0x6e: {  	_ =	shalt  }
0x6f: {  	_ =	shalt  }
0x70: {  	_ =	shalt  }
0x71: {  	_ =	shalt  }
0x72: {  	_ =	shalt  }
0x73: {  	_ =	shalt  }
0x74: {  	_ =	shalt  }
0x75: {  	_ =	shalt  }
0x76: {  	_ =	shalt  }
0x77: {  	_ =	shalt  }
0x78: {  	_ =	shalt  }
0x79: {  	_ =	shalt  }
0x7a: {  	_ =	shalt  }
0x7b: {  	_ =	shalt  }
0x7c: {  	_ =	shalt  }
0x7d: {  	_ =	shalt  }
0x7e: {  	_ =	shalt  }
0x7f: {  	_ =	shalt  }
0x80: {  	_ =	shalt  }
0x81: {  	_ =	shalt  }
0x82: {  	_ =	shalt  }
0x83: {  	_ =	shalt  }
0x84: {  	_ =	shalt  }
0x85: {  	_ =	shalt  }
0x86: {  	_ =	shalt  }
0x87: {  	_ =	shalt  }
.Lfunc_end0:
.L_simem_size_0:
called_computation.3_lowered:
.L_overlay_start_0:
0x88: {  	s2 =	sld [smem:$0x3FD9]  }
0x89: {  	s3 =	sld [smem:$0x3FFE];
	_ =	sdelay $0x1  }
0x8a: {  	s1 =	srdreg.scid  }
0x8b: {  	s0 =	sand.u32 $0x1, s1  }
0x8c: {  	s16 =	sshll.u32 s0, $0xA;
	s2 =	sadd.s32 s3, s2  }
0x8d: {  	s2 =	sadd.s32 s2, s16  }
0x8e: {  	[smem:$0x3FAC] =	sst s2  }
0x8f: {  	_ = 	snop  }
0x90: {  	(tm) =	ssettm $0x1  }
0x91: {  	s17 =	sld [smem:$0x3FFB];
	_ =	sdelay $0x3  }
0x92: {  	_ =	strace s17  }
0x93: {  	s2 =	sld [smem:$0x3FFC];
	_ =	sdelay $0x3  }
0x94: {  	_ =	strace s2  }
0x95: {  	s2 =	sld [smem:$0x3FFD];
	_ =	sdelay $0x3  }
0x96: {  	_ =	strace s2  }
0x97: {  	_ =	strace $0x8FFFFFFF  }
0x98: {  	s18 =	sld [smem:$0x3FDB];
	_ =	sdelay $0x1  }
0x99: {  	s19 =	simm.s32 $_scs_section_size  }
0x9a: {  	s4 =	simm.s32 $_size__tile_overlayer_lowered;
	s5 =	simm.s32 $_tile_overlayer_lowered  }
0x9b: {  	s22 =	simm.s32 $0x1BFF;
	s21 =	sshll.u32 s5, $0x1;
	s2 =	sadd.s32 s19, s18  }
0x9c: {  	s6 =	simm.s32 $0x0;
	s20 =	sshll.u32 s4, $0x1;
	s4 =	sadd.s32 s21, s2  }
0x9d: {  	[timem:s6], [sflag:s22] =	dma.local [hbm:s4], s20  }
0x9e: {  	_ =	swait.ge [sflag:s22], s20  }
0x9f: {  	s3 =	ssub.s32 $0x0, s20;
	[sflag:s22] =	ssyncset.done $0x0  }
0xa0: {  	[sflag:s22] =	ssyncadd.s32 s3;
	_ =	sdelay $0x1  }
0xa1: {  	s23 =	simm.s32 $0x1B8B  }
0xa2: {  	_ =	swait.ge [sflag:s23], $0x1  }
0xa3: {  	[sflag:s23] =	ssyncset.done $0x0  }
0xa4: {  	s25 =	simm.s32 $0x1B8E;
	s24 =	sld [smem:$0x3FFE];
	[sflag:s23] =	ssyncadd.s32 $0xFFFFFFFF  }
0xa5: {  	s26 =	simm.s32 $execute0_lowered;
	[smem:$0x3FD2] =	sst s25  }
0xa6: {  	s4 =	sshll.u32 s26, $0x1;
	_ =	strace $0x8000004F;
	[dreg:$0x1] =	wrdreg $0xFFFFFFFF  }
0xa7: {  	s28 =	simm.s32 $_size_execute0_lowered;
	s2 =	sadd.s32 s2, s4;
	[dreg:$0x0] =	wrdreg $0x0  }
0xa8: {  	s4 =	sshll.u32 s28, $0x1;
	[dreg:$0x2] =	wrdreg s2  }
0xa9: {  	[dreg:$0x3] =	wrdreg s4  }
0xaa: {  	[dreg:$0x4] =	wrdreg $0xC0  }
0xab: {  	_ =	task [dreg:s6], $0x5FFFF  }
0xac: {  	[dreg:$0x1] =	wrdreg $0xFFFFFFFF  }
0xad: {  	[dreg:$0x0] =	wrdreg $0x60  }
0xae: {  	[dreg:$0x2] =	wrdreg s24  }
0xaf: {  	[dreg:$0x3] =	wrdreg $0x40800  }
0xb0: {  	[dreg:$0x4] =	wrdreg $0x9  }
0xb1: {  	_ =	task.clear_ibuf [dreg:s6], $0x5FFFF;
	_ =	strace $0x9000004F  }
0xb2: {  	s29 =	simm.s32 $0x9;
	_ =	strace $0x80000051  }
0xb3: {  	_ =	swait.ge [sflag:s29], $0x1  }
0xb4: {  	[sflag:s29] =	ssyncadd.s32 $0xFFFFFFFF  }
0xb5: {  	_ =	strace $0x90000051  }
0xb6: {  	_ =	sfence  }
0xb7: {  	s30 =	sld [smem:$0x0];
	_ =	sdelay $0x2  }
0xb8: {  	s31 =	sshll.u32 s1, $0xD;
	s1 =	sshrl.u32 s1, $0x2  }
0xb9: {  	s3 =	sand.u32 $0x4000, s31;
	s1 =	sadd.s32 s1, s30  }
0xba: {  	s0 =	sor.u32 s3, s0;
	s1 =	sshll.u32 s1, $0x11  }
0xbb: {  	s0 =	sor.u32 s1, s0  }
0xbc: {  	s0 =	sadd.s32 $0x8F2B, s0  }
0xbd: {  	[sflag:s0] =	ssyncadd.remote.s32 $0x1  }
0xbe: {  	_ =	sfence.sel $0xFFFF  }
0xbf: {  	[dreg:$0x0] =	wrdreg $0xFFFFFFFF;
	(pc) =	sbr.abs _section_cstart, $3  }
0xc0: {  	[dreg:$0x1] =	wrdreg $0xFFFFFFFF  }
0xc1: {  	_ =	task.clear_ibuf [dreg:s6], $0x2FFFF;
	_ =	strace $0x9FFFFFFF  }
0xc2: {  	(tm) =	ssettm $0x7FFFFFFF  }
0xc3: {  	_ =	shalt  }
tec
execute0_lowered:
.L_overlay_start_1:
0x0: {  	(tag) =	ssettag $0x1  }
0x1: {  	s4 =	rddreg [dreg:$0x0];
	s14 =	stileid.u32  }
0x2: {  	s0 =	srdreg.scid;
	s3 =	smul.u32 $0x14000, s14  }
0x3: {  	s1 =	rddreg [dreg:$0x1];
	s2 =	simm.s32 $0x0;
	s9 =	smul.u32 $0x50000, s14  }
0x4: {  	s5 =	sand.u32 $0x1, s0;
	s0 =	rddreg [dreg:$0x2];
	s12 =	smul.u32 $0x27000, s14  }
0x5: {  	[smem:$0x7FF] =	sst s2;
	s22 =	sadd.s32 $0x2F8E00, s4;
	s13 =	smul.u32 $0x2700, s14  }
0x6: {  	s15 =	sadd.s32 $0xCA00, s4;
	s28 =	sshll.u32 s14, $0x6;
	p0 =	sne.s32 s14, $0x0  }
0x7: {  	s14 =	simm.s32 $0x0;
	s6 =	smul.u32 $0x140000, s5;
	_ =	strace $0x80000050  }
0x8: {  	s23 =	ssub.s32 $0x2, s5;
	s10 =	sshll.u32 s5, $0x7;
	s25 =	smul.u32 $0x1380, s5  }
0x9: {  	s30 =	smul.u32 $0x13800, s5;
	s5 =	sor.u32 $0x1C01, s28;
	s7 =	sshrl.u32 s3, $0x3  }
0xa: {  	s11 =	sshrl.u32 s23, $0x1;
	s10 =	sor.u32 $0x27000, s10;
	s12 =	sadd.s32 s12, s22  }
0xb: {  	s26 =	sshrl.u32 s9, $0x2;
	s3 =	sadd.s32 s3, s6;
	s7 =	sadd.s32 s7, s4  }
0xc: {  	s11 =	ssub.s32 s23, s11;
	s24 =	sshll.u32 s10, $0x4;
	s16 =	sadd.s32 s26, s1  }
0xd: {  	s13 =	sadd.s32 s25, s13;
	s29 =	sshrl.u32 s10, $0x3;
	s9 =	sadd.s32 s30, s12  }
0xe: {  	s12 =	simm.s32 $0x1;
	s8 =	sshrl.u32 s3, $0x3;
	s3 =	sadd.s32 s22, s24  }
0xf: {  	s6 =	sadd.s32 s15, s29;
	s31 =	sshrl.u32 s13, $0x3;
	s13 =	simm.s32 $0x80  }
0x10: {  	s8 =	sadd.s32 s8, s4;
	s4 =	sadd.s32 $0x38C00, s7;
	s10 =	sadd.s32 s31, s15  }
0x11: {  	s7 =	sadd.s32 $0x87E00, s8;
	s8 =	smax.u32 s11, $0x1;
	s11 =	sshrl.u32 s16, $0x3  }
.LBB2_1:
0x12: {  	[spmem:s11], [sflag:s5] =	dma.local [hbm:s4], $0x2800  }
0x13: {  	_ =	swait.ge [sflag:s12], $0x2800  }
0x14: {  	[sflag:s12] =	ssyncset.done $0x0  }
0x15: {  	[sflag:s12] =	ssyncadd.s32 $0xFFFFD800  }
0x16: {  	s15 =	sadd.s32 $0x0, s10;
	[bflag:$0x0] =	sbarrier.arrive $0xFFFF  }
0x17: {  	[tilespmem:s2], [sflag:$0x1] =	stream.linear.gather [hbm4b:s15+s2], $0x80, $0x38;
	[tilespmem:$0x18080] =	vst v63  }
0x18: {  	_ =	swait.ge [sflag:s12], $0x80  }
0x19: {  	[sflag:s12] =	ssyncset.done $0x0  }
0x1a: {  	[sflag:s12] =	ssyncadd.s32 $0xFFFFFF80  }
0x1b: {  	[tilespmem:s13], [sflag:$0x1] =	stream.linear.gather [hbm4b:s9+s2], $0x4000, $0x38;
	[tilespmem:$0x18080] =	vst v63  }
0x1c: {  	_ =	swait.ge [sflag:s12], $0x4000  }
0x1d: {  	[sflag:s12] =	ssyncset.done $0x0  }
0x1e: {  	[sflag:s12] =	ssyncadd.s32 $0xFFFFC000  }
0x1f: {  	[spmem:s1] =	stream.indirect.scatter.add.f32 [tilespmem:s13], [sflag:$0x1], $0x80, s2, s13, $0xb8;
	[tilespmem:$0x18080] =	vst v63  }
0x20: {  	s16 =	simm.s32 $0x10;
	_ =	swait.ge [sflag:s12], $0x4000  }
0x21: {  	s17 =	simm.s32 $0x20;
	s15 =	sadd.s32 $0x800, s9;
	[sflag:s12] =	ssyncset.done $0x0  }
.LBB2_2:
0x22: {  	s18 =	sadd.s32 s16, s10  }
0x23: {  	[sflag:s12] =	ssyncadd.s32 $0xFFFFC000;
	s16 =	smov.u32 s17;
	s19 =	sadd.s32 $0x10, s17  }
0x24: {  	[tilespmem:s2], [sflag:$0x1] =	stream.linear.gather [hbm4b:s18+s2], $0x80, $0x38;
	[tilespmem:$0x18080] =	vst v63  }
0x25: {  	p1 =	sne.s32 s17, $0x260;
	_ =	swait.ge [sflag:s12], $0x80  }
0x26: {  	[sflag:s12] =	ssyncset.done $0x0  }
0x27: {  	[sflag:s12] =	ssyncadd.s32 $0xFFFFFF80  }
0x28: {  	[tilespmem:s13], [sflag:$0x1] =	stream.linear.gather [hbm4b:s15+s2], $0x4000, $0x38;
	[tilespmem:$0x18080] =	vst v63  }
0x29: {  	_ =	swait.ge [sflag:s12], $0x4000  }
.Ltmp0:
0x2a: {  	[sflag:s12] =	ssyncset.done $0x0;
	(pc) =	sbr.rel @p1 .LBB2_2-.Ltmp0, $4  }
0x2b: {  	[sflag:s12] =	ssyncadd.s32 $0xFFFFC000  }
0x2c: {  	[spmem:s1] =	stream.indirect.scatter.add.f32 [tilespmem:s13], [sflag:$0x1], $0x80, s2, s13, $0xb8;
	[tilespmem:$0x18080] =	vst v63  }
0x2d: {  	_ =	swait.ge [sflag:s12], $0x4000  }
0x2e: {  	s17 =	smov.u32 s19;
	s15 =	sadd.s32 $0x800, s15;
	[sflag:s12] =	ssyncset.done $0x0  }
0x2f: {  	s16 =	sadd.s32 s16, s10;
	[sflag:s12] =	ssyncadd.s32 $0xFFFFC000  }
0x30: {  	[tilespmem:s2], [sflag:$0x1] =	stream.linear.gather [hbm4b:s16+s2], $0x80, $0x38;
	[tilespmem:$0x18080] =	vst v63  }
0x31: {  	_ =	swait.ge [sflag:s12], $0x80  }
0x32: {  	[sflag:s12] =	ssyncset.done $0x0  }
0x33: {  	[sflag:s12] =	ssyncadd.s32 $0xFFFFFF80  }
0x34: {  	[tilespmem:s13], [sflag:$0x1] =	stream.linear.gather [hbm4b:s15+s2], $0x4000, $0x38;
	[tilespmem:$0x18080] =	vst v63  }
0x35: {  	_ =	swait.ge [sflag:s12], $0x4000  }
0x36: {  	[sflag:s12] =	ssyncset.done $0x0  }
0x37: {  	[sflag:s12] =	ssyncadd.s32 $0xFFFFC000  }
0x38: {  	[spmem:s1] =	stream.indirect.scatter.add.f32 [tilespmem:s13], [sflag:$0x1], $0x80, s2, s13, $0xb8;
	[tilespmem:$0x18080] =	vst v63  }
0x39: {  	_ =	swait.ge [sflag:s12], $0x4000  }
0x3a: {  	[sflag:s12] =	ssyncset.done $0x0  }
0x3b: {  	s16 =	simm.s32 @!p0 $0x1;
	s15 =	simm.s32 @!p0 $0x0;
	[sflag:s12] =	ssyncadd.s32 $0xFFFFC000  }
0x3c: {  	[tilespmem:s15], [sflag:$0x1] =	stream.linear.gather @!p0 [hbm4b:s6+s15], $0x80, $0x38;
	[tilespmem:$0x18080] =	vst v63  }
0x3d: {  	_ =	swait.ge @!p0 [sflag:s16], $0x80  }
0x3e: {  	[sflag:s16] =	ssyncset.done @!p0 $0x0  }
0x3f: {  	s17 =	simm.s32 @!p0 $0x80;
	[sflag:s16] =	ssyncadd.s32 @!p0 $0xFFFFFF80  }
0x40: {  	[tilespmem:s17], [sflag:$0x1] =	stream.linear.gather @!p0 [hbm4b:s3+s15], $0x4000, $0x38;
	[tilespmem:$0x18080] =	vst v63  }
0x41: {  	_ =	swait.ge @!p0 [sflag:s16], $0x4000  }
0x42: {  	[sflag:s16] =	ssyncset.done @!p0 $0x0  }
0x43: {  	[sflag:s16] =	ssyncadd.s32 @!p0 $0xFFFFC000  }
0x44: {  	[spmem:s1] =	stream.indirect.scatter.add.f32 @!p0 [tilespmem:s17], [sflag:$0x1], $0x80, s15, s17, $0xb8;
	[tilespmem:$0x18080] =	vst v63  }
0x45: {  	_ =	swait.ge @!p0 [sflag:s16], $0x4000  }
0x46: {  	s14 =	sadd.s32 $0x1, s14;
	[sflag:s16] =	ssyncset.done @!p0 $0x0  }
0x47: {  	p1 =	sne.s32 s14, s8;
	[sflag:s16] =	ssyncadd.s32 @!p0 $0xFFFFC000  }
.Ltmp1:
0x48: {  	[bflag:$0x0] =	sbarrier.arrive $0xFFFF;
	(pc) =	sbr.rel @p1 .LBB2_1-.Ltmp1, $4  }
0x49: {  	[hbm:s7], [sflag:s5] =	dma.local [spmem:s11], $0x2800  }
0x4a: {  	_ =	swait.ge [sflag:s12], $0x2800  }
0x4b: {  	[sflag:s12] =	ssyncset.done $0x0  }
0x4c: {  	[sflag:s12] =	ssyncadd.s32 $0xFFFFD800  }
0x4d: {  	_ =	sfence.sel $0x180000  }
0x4e: {  	[bflag:$0x0] =	sbarrier.arrive $0xFFFF  }
0x4f: {  	_ =	strace $0x90000050  }
0x50: {  	s0 =	sadd.s32 @!p0 $0x100000, s0;
	[bflag:$0x2] =	sbarrier.arrive $0xFFFF  }
0x51: {  	[sflag:s0] =	ssyncadd.tile.s32 @!p0 $0x1;
	_ =	shalt  }
.Lfunc_end2:
_tile_overlayer_lowered:
.L_overlay_start_2:
0x52: {  	(tag) =	ssettag $0x2  }
0x53: {  	s0 =	rddreg [dreg:$0x0];
	s2 =	stileid.u32  }
0x54: {  	s1 =	rddreg [dreg:$0x1];
	p0 =	sne.s32 s2, $0x0  }
0x55: {  	s3 =	rddreg [dreg:$0x2];
	[bflag:$0x3] =	sbarrier.arrive $0xFFFF;
	s2 =	simm.s32 @!p0 $0x1C01  }
0x56: {  	[timem:s3], [sflag:s2] =	dma.local @!p0 [hbm:s0], s1  }
0x57: {  	s0 =	simm.s32 @!p0 $0x1  }
0x58: {  	_ =	swait.ge @!p0 [sflag:s0], s1  }
0x59: {  	s1 =	ssub.s32 @!p0 $0x0, s1;
	[sflag:s0] =	ssyncset.done @!p0 $0x0  }
0x5a: {  	[sflag:s0] =	ssyncadd.s32 @!p0 s1  }
0x5b: {  	[bflag:$0x3] =	sbarrier.arrive $0xFFFF  }
0x5c: {  	_ =	shalt  }

// kernel: kernel.28.cloned.1.call-start
scs
__scs_entry_jumppad:
0x0: {  	(pc) =	sbr.rel $0x88, $3  }
0x1: {  	(tag) =	ssettag $0x0;
	lr =	simm.s32 $0x1  }
0x2: {  	[smem:$0x3F85] =	sst lr;
	_ =	strace $0xD0000000  }
0x3: {  	_ = 	snop  }
0x4: {  	_ = 	snop  }
0x5: {  	_ = 	snop  }
0x6: {  	_ = 	snop  }
0x7: {  	_ = 	snop  }
__scs_overlays_trampoline_lowered:
0x8: {  	[smem:$0x3F94] =	sst s0  }
0x9: {  	[smem:$0x3F95] =	sst s1  }
0xa: {  	[smem:$0x3F96] =	sst s2  }
0xb: {  	[smem:$0x3F97] =	sst s3  }
0xc: {  	[smem:$0x3F98] =	sst s4  }
0xd: {  	[smem:$0x3F99] =	sst s5  }
0xe: {  	[smem:$0x3F9A] =	sst s6  }
0xf: {  	[smem:$0x3F9B] =	sst s7  }
0x10: {  	[smem:$0x3F9C] =	sst s8  }
0x11: {  	[smem:$0x3F9D] =	sst s9;
	s0 =	simm.s32 @!p0 $0x0  }
0x12: {  	s1 =	sld [smem:$0x3F83];
	s0 =	simm.s32 @p0 $0x1  }
0x13: {  	[smem:$0x3F9E] =	sst s0;
	s0 =	simm.s32 @!p1 $0x0  }
0x14: {  	s2 =	sld [smem:$0x3F82];
	s0 =	simm.s32 @p1 $0x1  }
0x15: {  	[smem:$0x3F9F] =	sst s0;
	s0 =	simm.s32 @!p2 $0x0  }
0x16: {  	s3 =	sld [smem:$0x3FDB];
	s0 =	simm.s32 @p2 $0x1  }
0x17: {  	s4 =	simm.s32 $0x1BF5;
	[smem:$0x3FA1] =	sst s0  }
0x18: {  	s0 =	sld [smem:$0x3F84];
	_ =	swait.ge [sflag:s4], $0x0  }
0x19: {  	s7 =	sld [smem:$0x3F85]  }
0x1a: {  	s8 =	sadd.s32 $0xFFFFE003, lr  }
0x1b: {  	s9 =	sadd.s32 $0xFFFFFEF7, lr;
	s5 =	simm.s32 $0xFFFFFFFF;
	p2 =	slt.u32 s8, $0xFFFFF086  }
0x1c: {  	p1 =	slt.u32 s9, $0xF7A;
	s5 =	simm.s32 @!p2 $0x0  }
0x1d: {  	s5 =	simm.s32 @p1 $0x1;
	p0 =	seq.s32 s7, s2  }
0x1e: {  	s7 =	smul.u32 @!p0 $0xF7A, s2;
	p2 =	seq.s32 @!p0 s5, $0x0  }
0x1f: {  	s9 =	smul.u32 $0xF7A, s1;
	s8 =	simm.s32 @!p0 $0x1BF5;
	p2 =	por !p2, p0  }
0x20: {  	[sflag:s8] =	ssyncset.s32 @!p0 $0xFFFFF086;
	s6 =	sadd.s32 @!p0 s3, s7;
	s7 =	simm.s32 @!p0 $0x108  }
0x21: {  	s3 =	sadd.s32 s3, s9;
	s6 =	sadd.s32 @!p0 $0x88, s6;
	s7 =	simm.s32 @p2 $0x1082  }
0x22: {  	[simem:s7], [sflag:s8] =	dma.local @!p0 [hbm:s6], $0xF7A  }
0x23: {  	s9 =	sor.u32 $0xD0000000, s2;
	s6 =	simm.s32 $0x108;
	_ =	swait.ge @!p0 [sflag:s8], $0x0  }
0x24: {  	s3 =	sadd.s32 $0x88, s3;
	s6 =	simm.s32 @!p1 $0x1082;
	[sflag:s4] =	ssyncset.s32 $0xFFFFF086  }
0x25: {  	[simem:s6], [sflag:s4] =	dma.local [hbm:s3], $0xF7A  }
0x26: {  	[smem:$0x3F85] =	sst s1;
	(tag) =	ssettag s2;
	_ =	strace s9  }
0x27: {  	s1 =	sld [smem:$0x3F95]  }
0x28: {  	s2 =	sld [smem:$0x3F96]  }
0x29: {  	s4 =	sld [smem:$0x3F98]  }
0x2a: {  	p0 =	seq.s32 s5, $0x0;
	s5 =	sld [smem:$0x3F99]  }
0x2b: {  	s6 =	sld [smem:$0x3F9A]  }
0x2c: {  	s7 =	sld [smem:$0x3F9B]  }
0x2d: {  	s3 =	simm.s32 $0x108;
	s8 =	sld [smem:$0x3F9C]  }
0x2e: {  	s3 =	simm.s32 @!p0 $0x1082;
	s9 =	sld [smem:$0x3F9D]  }
0x2f: {  	lr =	sadd.s32 s0, s3;
	s0 =	sld [smem:$0x3F94]  }
0x30: {  	s3 =	sld [smem:$0x3F97]  }
0x31: {  	[smem:$0x3FA0] =	sst s10  }
0x32: {  	s10 =	sld [smem:$0x3F9E];
	_ =	sdelay $0x3  }
0x33: {  	p0 =	seq.s32 s10, $0x1;
	s10 =	sld [smem:$0x3FA0];
	_ =	sdelay $0x3  }
0x34: {  	[smem:$0x3FA0] =	sst s10  }
0x35: {  	s10 =	sld [smem:$0x3F9F];
	_ =	sdelay $0x3  }
0x36: {  	p1 =	seq.s32 s10, $0x1;
	s10 =	sld [smem:$0x3FA0];
	_ =	sdelay $0x3  }
0x37: {  	[smem:$0x3FA0] =	sst s10  }
0x38: {  	s10 =	sld [smem:$0x3FA1]  }
0x39: {  	_ = 	snop;
	(pc) =	sbr.ind lr, $3  }
0x3a: {  	_ = 	snop  }
0x3b: {  	_ = 	snop  }
0x3c: {  	p2 =	seq.s32 s10, $0x1;
	s10 =	sld [smem:$0x3FA0]  }
0x3d: {  	_ =	shalt  }
0x3e: {  	_ =	shalt  }
0x3f: {  	_ =	shalt  }
0x40: {  	_ =	shalt  }
0x41: {  	_ =	shalt  }
0x42: {  	_ =	shalt  }
0x43: {  	_ =	shalt  }
0x44: {  	_ =	shalt  }
0x45: {  	_ =	shalt  }
0x46: {  	_ =	shalt  }
0x47: {  	_ =	shalt  }
0x48: {  	_ =	shalt  }
0x49: {  	_ =	shalt  }
0x4a: {  	_ =	shalt  }
0x4b: {  	_ =	shalt  }
0x4c: {  	_ =	shalt  }
0x4d: {  	_ =	shalt  }
0x4e: {  	_ =	shalt  }
0x4f: {  	_ =	shalt  }
0x50: {  	_ =	shalt  }
0x51: {  	_ =	shalt  }
0x52: {  	_ =	shalt  }
0x53: {  	_ =	shalt  }
0x54: {  	_ =	shalt  }
0x55: {  	_ =	shalt  }
0x56: {  	_ =	shalt  }
0x57: {  	_ =	shalt  }
0x58: {  	_ =	shalt  }
0x59: {  	_ =	shalt  }
0x5a: {  	_ =	shalt  }
0x5b: {  	_ =	shalt  }
0x5c: {  	_ =	shalt  }
0x5d: {  	_ =	shalt  }
0x5e: {  	_ =	shalt  }
0x5f: {  	_ =	shalt  }
0x60: {  	_ =	shalt  }
0x61: {  	_ =	shalt  }
0x62: {  	_ =	shalt  }
0x63: {  	_ =	shalt  }
0x64: {  	_ =	shalt  }
0x65: {  	_ =	shalt  }
0x66: {  	_ =	shalt  }
0x67: {  	_ =	shalt  }
0x68: {  	_ =	shalt  }
0x69: {  	_ =	shalt  }
0x6a: {  	_ =	shalt  }
0x6b: {  	_ =	shalt  }
0x6c: {  	_ =	shalt  }
0x6d: {  	_ =	shalt  }
0x6e: {  	_ =	shalt  }
0x6f: {  	_ =	shalt  }
0x70: {  	_ =	shalt  }
0x71: {  	_ =	shalt  }
0x72: {  	_ =	shalt  }
0x73: {  	_ =	shalt  }
0x74: {  	_ =	shalt  }
0x75: {  	_ =	shalt  }
0x76: {  	_ =	shalt  }
0x77: {  	_ =	shalt  }
0x78: {  	_ =	shalt  }
0x79: {  	_ =	shalt  }
0x7a: {  	_ =	shalt  }
0x7b: {  	_ =	shalt  }
0x7c: {  	_ =	shalt  }
0x7d: {  	_ =	shalt  }
0x7e: {  	_ =	shalt  }
0x7f: {  	_ =	shalt  }
0x80: {  	_ =	shalt  }
0x81: {  	_ =	shalt  }
0x82: {  	_ =	shalt  }
0x83: {  	_ =	shalt  }
0x84: {  	_ =	shalt  }
0x85: {  	_ =	shalt  }
0x86: {  	_ =	shalt  }
0x87: {  	_ =	shalt  }
.Lfunc_end0:
.L_simem_size_0:
called_computation.4_lowered:
.L_overlay_start_0:
0x88: {  	s2 =	sld [smem:$0x3FD9]  }
0x89: {  	s3 =	sld [smem:$0x3FFE];
	_ =	sdelay $0x1  }
0x8a: {  	s1 =	srdreg.scid  }
0x8b: {  	s0 =	sand.u32 $0x1, s1  }
0x8c: {  	s16 =	sshll.u32 s0, $0xA;
	s2 =	sadd.s32 s3, s2  }
0x8d: {  	s2 =	sadd.s32 s2, s16  }
0x8e: {  	[smem:$0x3FAC] =	sst s2  }
0x8f: {  	_ = 	snop  }
0x90: {  	(tm) =	ssettm $0x1  }
0x91: {  	s17 =	sld [smem:$0x3FFB];
	_ =	sdelay $0x3  }
0x92: {  	_ =	strace s17  }
0x93: {  	s2 =	sld [smem:$0x3FFC];
	_ =	sdelay $0x3  }
0x94: {  	_ =	strace s2  }
0x95: {  	s2 =	sld [smem:$0x3FFD];
	_ =	sdelay $0x3  }
0x96: {  	_ =	strace s2  }
0x97: {  	_ =	strace $0x8FFFFFFF  }
0x98: {  	s18 =	sld [smem:$0x3FDB];
	_ =	sdelay $0x1  }
0x99: {  	s19 =	simm.s32 $_scs_section_size  }
0x9a: {  	s4 =	simm.s32 $_size__tile_overlayer_lowered;
	s5 =	simm.s32 $_tile_overlayer_lowered  }
0x9b: {  	s22 =	simm.s32 $0x1BFF;
	s21 =	sshll.u32 s5, $0x1;
	s2 =	sadd.s32 s19, s18  }
0x9c: {  	s6 =	simm.s32 $0x0;
	s20 =	sshll.u32 s4, $0x1;
	s4 =	sadd.s32 s21, s2  }
0x9d: {  	[timem:s6], [sflag:s22] =	dma.local [hbm:s4], s20  }
0x9e: {  	_ =	swait.ge [sflag:s22], s20  }
0x9f: {  	s3 =	ssub.s32 $0x0, s20;
	[sflag:s22] =	ssyncset.done $0x0  }
0xa0: {  	[sflag:s22] =	ssyncadd.s32 s3;
	_ =	sdelay $0x1  }
0xa1: {  	s23 =	simm.s32 $0x1B8B  }
0xa2: {  	_ =	swait.ge [sflag:s23], $0x1  }
0xa3: {  	[sflag:s23] =	ssyncset.done $0x0  }
0xa4: {  	s25 =	simm.s32 $0x1B8E;
	s24 =	sld [smem:$0x3FFE];
	[sflag:s23] =	ssyncadd.s32 $0xFFFFFFFF  }
0xa5: {  	s26 =	simm.s32 $execute0_lowered;
	[smem:$0x3FD2] =	sst s25  }
0xa6: {  	s4 =	sshll.u32 s26, $0x1;
	_ =	strace $0x80000052;
	[dreg:$0x1] =	wrdreg $0xFFFFFFFF  }
0xa7: {  	s28 =	simm.s32 $_size_execute0_lowered;
	s2 =	sadd.s32 s2, s4;
	[dreg:$0x0] =	wrdreg $0x0  }
0xa8: {  	s4 =	sshll.u32 s28, $0x1;
	[dreg:$0x2] =	wrdreg s2  }
0xa9: {  	[dreg:$0x3] =	wrdreg s4  }
0xaa: {  	[dreg:$0x4] =	wrdreg $0xC0  }
0xab: {  	_ =	task [dreg:s6], $0x5FFFF  }
0xac: {  	[dreg:$0x1] =	wrdreg $0xFFFFFFFF  }
0xad: {  	[dreg:$0x0] =	wrdreg $0x60  }
0xae: {  	[dreg:$0x2] =	wrdreg s24  }
0xaf: {  	[dreg:$0x3] =	wrdreg $0x9  }
0xb0: {  	_ =	task.clear_ibuf [dreg:s6], $0x4FFFF;
	_ =	strace $0x90000052  }
0xb1: {  	s29 =	simm.s32 $0x9;
	_ =	strace $0x80000054  }
0xb2: {  	_ =	swait.ge [sflag:s29], $0x1  }
0xb3: {  	[sflag:s29] =	ssyncadd.s32 $0xFFFFFFFF  }
0xb4: {  	_ =	strace $0x90000054  }
0xb5: {  	_ =	sfence  }
0xb6: {  	s30 =	sld [smem:$0x0];
	_ =	sdelay $0x2  }
0xb7: {  	s31 =	sshll.u32 s1, $0xD;
	s1 =	sshrl.u32 s1, $0x2  }
0xb8: {  	s3 =	sand.u32 $0x4000, s31;
	s1 =	sadd.s32 s1, s30  }
0xb9: {  	s0 =	sor.u32 s3, s0;
	s1 =	sshll.u32 s1, $0x11  }
0xba: {  	s0 =	sor.u32 s1, s0  }
0xbb: {  	s0 =	sadd.s32 $0x8F2B, s0  }
0xbc: {  	[sflag:s0] =	ssyncadd.remote.s32 $0x1  }
0xbd: {  	_ =	sfence.sel $0xFFFF  }
0xbe: {  	[dreg:$0x0] =	wrdreg $0xFFFFFFFF;
	(pc) =	sbr.abs _section_cstart, $3  }
0xbf: {  	[dreg:$0x1] =	wrdreg $0xFFFFFFFF  }
0xc0: {  	_ =	task.clear_ibuf [dreg:s6], $0x2FFFF;
	_ =	strace $0x9FFFFFFF  }
0xc1: {  	(tm) =	ssettm $0x7FFFFFFF  }
tec
execute0_lowered:
.L_overlay_start_1:
0x0: {  	(tag) =	ssettag $0x1  }
0x1: {  	s3 =	rddreg [dreg:$0x0]  }
0x2: {  	s0 =	rddreg [dreg:$0x1]  }
0x3: {  	s1 =	simm.s32 $0x0;
	s2 =	srdreg.scid;
	s11 =	stileid.u32  }
0x4: {  	[smem:$0x7FF] =	sst s1;
	s4 =	sadd.s32 $0x87E00, s3;
	s8 =	smul.u32 $0x27000, s11  }
0x5: {  	s5 =	sand.u32 $0x1, s2;
	s9 =	smul.u32 $0x2700, s11;
	s12 =	sadd.s32 $0x7A00, s3  }
0x6: {  	s3 =	sadd.s32 $0x60C00, s3;
	p0 =	sne.s32 s11, $0x0;
	s11 =	simm.s32 $0x0  }
0x7: {  	_ =	strace $0x80000053;
	s2 =	ssub.s32 $0x2, s5;
	s10 =	smul.u32 $0x1380, s5  }
0x8: {  	s6 =	sshll.u32 s5, $0x7;
	s30 =	smul.u32 $0x13800, s5;
	s7 =	sshrl.u32 s2, $0x1  }
0x9: {  	s6 =	sor.u32 $0x27000, s6;
	s8 =	sadd.s32 s8, s4;
	s7 =	ssub.s32 s2, s7  }
0xa: {  	s28 =	sshll.u32 s6, $0x4;
	s29 =	sshrl.u32 s6, $0x3;
	s9 =	sadd.s32 s10, s9  }
0xb: {  	s6 =	sadd.s32 s30, s8;
	s8 =	simm.s32 $0x2;
	s10 =	simm.s32 $0x1  }
0xc: {  	s2 =	sadd.s32 s4, s28;
	s4 =	sadd.s32 s12, s29;
	s31 =	sshrl.u32 s9, $0x3  }
0xd: {  	s5 =	smax.u32 s7, $0x1;
	s9 =	simm.s32 $0x80;
	s7 =	sadd.s32 s31, s12  }
.LBB2_1:
0xe: {  	s12 =	sadd.s32 $0x0, s7  }
0xf: {  	[tilespmem:s1], [sflag:$0x2] =	stream.linear.gather [hbm4b:s12+s1], $0x80, $0x38;
	[tilespmem:$0x4080] =	vst v63  }
0x10: {  	_ =	swait.ge [sflag:s8], $0x80  }
0x11: {  	[sflag:s8] =	ssyncset.done $0x0  }
0x12: {  	[sflag:s8] =	ssyncadd.s32 $0xFFFFFF80  }
0x13: {  	[tilespmem:s9], [sflag:$0x1] =	stream.indirect.gather [hbm4b:s3+s9], $0x80, s1, s9, $0xb8;
	[tilespmem:$0x4080] =	vst v63  }
0x14: {  	_ =	swait.ge [sflag:s10], $0x4000  }
0x15: {  	[sflag:s10] =	ssyncset.done $0x0  }
0x16: {  	[sflag:s10] =	ssyncadd.s32 $0xFFFFC000  }
0x17: {  	[hbm4b:s6+s1] =	stream.linear.scatter [tilespmem:s9], [sflag:$0x2], $0x4000, $0x38;
	[tilespmem:$0x4080] =	vst v63  }
0x18: {  	s13 =	simm.s32 $0x10;
	_ =	swait.ge [sflag:s8], $0x4000  }
0x19: {  	s14 =	simm.s32 $0x20;
	s12 =	sadd.s32 $0x800, s6;
	[sflag:s8] =	ssyncset.done $0x0  }
.LBB2_2:
0x1a: {  	s15 =	sadd.s32 s13, s7  }
0x1b: {  	[sflag:s8] =	ssyncadd.s32 $0xFFFFC000;
	s13 =	smov.u32 s14;
	s16 =	sadd.s32 $0x10, s14  }
0x1c: {  	[tilespmem:s1], [sflag:$0x2] =	stream.linear.gather [hbm4b:s15+s1], $0x80, $0x38;
	[tilespmem:$0x4080] =	vst v63  }
0x1d: {  	p1 =	sne.s32 s14, $0x260;
	_ =	swait.ge [sflag:s8], $0x80  }
0x1e: {  	[sflag:s8] =	ssyncset.done $0x0  }
0x1f: {  	[sflag:s8] =	ssyncadd.s32 $0xFFFFFF80  }
0x20: {  	[tilespmem:s9], [sflag:$0x1] =	stream.indirect.gather [hbm4b:s3+s9], $0x80, s1, s9, $0xb8;
	[tilespmem:$0x4080] =	vst v63  }
0x21: {  	_ =	swait.ge [sflag:s10], $0x4000  }
.Ltmp0:
0x22: {  	[sflag:s10] =	ssyncset.done $0x0;
	(pc) =	sbr.rel @p1 .LBB2_2-.Ltmp0, $4  }
0x23: {  	[sflag:s10] =	ssyncadd.s32 $0xFFFFC000  }
0x24: {  	[hbm4b:s12+s1] =	stream.linear.scatter [tilespmem:s9], [sflag:$0x2], $0x4000, $0x38;
	[tilespmem:$0x4080] =	vst v63  }
0x25: {  	_ =	swait.ge [sflag:s8], $0x4000  }
0x26: {  	s14 =	smov.u32 s16;
	s12 =	sadd.s32 $0x800, s12;
	[sflag:s8] =	ssyncset.done $0x0  }
0x27: {  	s13 =	sadd.s32 s13, s7;
	[sflag:s8] =	ssyncadd.s32 $0xFFFFC000  }
0x28: {  	[tilespmem:s1], [sflag:$0x2] =	stream.linear.gather [hbm4b:s13+s1], $0x80, $0x38;
	[tilespmem:$0x4080] =	vst v63  }
0x29: {  	_ =	swait.ge [sflag:s8], $0x80  }
0x2a: {  	[sflag:s8] =	ssyncset.done $0x0  }
0x2b: {  	[sflag:s8] =	ssyncadd.s32 $0xFFFFFF80  }
0x2c: {  	[tilespmem:s9], [sflag:$0x1] =	stream.indirect.gather [hbm4b:s3+s9], $0x80, s1, s9, $0xb8;
	[tilespmem:$0x4080] =	vst v63  }
0x2d: {  	_ =	swait.ge [sflag:s10], $0x4000  }
0x2e: {  	[sflag:s10] =	ssyncset.done $0x0  }
0x2f: {  	[sflag:s10] =	ssyncadd.s32 $0xFFFFC000  }
0x30: {  	[hbm4b:s12+s1] =	stream.linear.scatter [tilespmem:s9], [sflag:$0x2], $0x4000, $0x38;
	[tilespmem:$0x4080] =	vst v63  }
0x31: {  	_ =	swait.ge [sflag:s8], $0x4000  }
0x32: {  	[sflag:s8] =	ssyncset.done $0x0  }
0x33: {  	s13 =	simm.s32 @!p0 $0x2;
	s12 =	simm.s32 @!p0 $0x0;
	[sflag:s8] =	ssyncadd.s32 $0xFFFFC000  }
0x34: {  	[tilespmem:s12], [sflag:$0x2] =	stream.linear.gather @!p0 [hbm4b:s4+s12], $0x80, $0x38;
	[tilespmem:$0x4080] =	vst v63  }
0x35: {  	_ =	swait.ge @!p0 [sflag:s13], $0x80  }
0x36: {  	[sflag:s13] =	ssyncset.done @!p0 $0x0  }
0x37: {  	s14 =	simm.s32 @!p0 $0x80;
	s15 =	simm.s32 @!p0 $0x1;
	[sflag:s13] =	ssyncadd.s32 @!p0 $0xFFFFFF80  }
0x38: {  	[tilespmem:s14], [sflag:$0x1] =	stream.indirect.gather @!p0 [hbm4b:s3+s14], $0x80, s12, s14, $0xb8;
	[tilespmem:$0x4080] =	vst v63  }
0x39: {  	s11 =	sadd.s32 $0x1, s11;
	_ =	swait.ge @!p0 [sflag:s15], $0x4000  }
0x3a: {  	p1 =	sne.s32 s11, s5;
	[sflag:s15] =	ssyncset.done @!p0 $0x0  }
.Ltmp1:
0x3b: {  	[sflag:s15] =	ssyncadd.s32 @!p0 $0xFFFFC000;
	(pc) =	sbr.rel @p1 .LBB2_1-.Ltmp1, $4  }
0x3c: {  	[hbm4b:s2+s12] =	stream.linear.scatter @!p0 [tilespmem:s14], [sflag:$0x2], $0x4000, $0x38;
	[tilespmem:$0x4080] =	vst v63  }
0x3d: {  	_ =	swait.ge @!p0 [sflag:s13], $0x4000  }
0x3e: {  	[sflag:s13] =	ssyncset.done @!p0 $0x0  }
0x3f: {  	[sflag:s13] =	ssyncadd.s32 @!p0 $0xFFFFC000  }
0x40: {  	_ =	sfence.sel $0x180000  }
0x41: {  	[bflag:$0x0] =	sbarrier.arrive $0xFFFF  }
0x42: {  	_ =	strace $0x90000053  }
0x43: {  	s0 =	sadd.s32 @!p0 $0x100000, s0;
	[bflag:$0x2] =	sbarrier.arrive $0xFFFF  }
0x44: {  	[sflag:s0] =	ssyncadd.tile.s32 @!p0 $0x1;
	_ =	shalt  }
.Lfunc_end2:
_tile_overlayer_lowered:
.L_overlay_start_2:
0x45: {  	(tag) =	ssettag $0x2  }
0x46: {  	s0 =	rddreg [dreg:$0x0];
	s2 =	stileid.u32  }
0x47: {  	s1 =	rddreg [dreg:$0x1];
	p0 =	sne.s32 s2, $0x0  }
0x48: {  	s3 =	rddreg [dreg:$0x2];
	[bflag:$0x3] =	sbarrier.arrive $0xFFFF;
	s2 =	simm.s32 @!p0 $0x1C02  }
0x49: {  	[timem:s3], [sflag:s2] =	dma.local @!p0 [hbm:s0], s1  }
0x4a: {  	s0 =	simm.s32 @!p0 $0x2  }
0x4b: {  	_ =	swait.ge @!p0 [sflag:s0], s1  }
0x4c: {  	s1 =	ssub.s32 @!p0 $0x0, s1;
	[sflag:s0] =	ssyncset.done @!p0 $0x0  }
0x4d: {  	[sflag:s0] =	ssyncadd.s32 @!p0 s1  }
0x4e: {  	[bflag:$0x3] =	sbarrier.arrive $0xFFFF  }
0x4f: {  	_ =	shalt  }

// kernel: kernel.31.cloned.1.call-start
scs
__scs_entry_jumppad:
0x0: {  	(pc) =	sbr.rel $0x88, $3  }
0x1: {  	(tag) =	ssettag $0x0;
	lr =	simm.s32 $0x1  }
0x2: {  	[smem:$0x3F85] =	sst lr;
	_ =	strace $0xD0000000  }
0x3: {  	_ = 	snop  }
0x4: {  	_ = 	snop  }
0x5: {  	_ = 	snop  }
0x6: {  	_ = 	snop  }
0x7: {  	_ = 	snop  }
__scs_overlays_trampoline_lowered:
0x8: {  	[smem:$0x3F94] =	sst s0  }
0x9: {  	[smem:$0x3F95] =	sst s1  }
0xa: {  	[smem:$0x3F96] =	sst s2  }
0xb: {  	[smem:$0x3F97] =	sst s3  }
0xc: {  	[smem:$0x3F98] =	sst s4  }
0xd: {  	[smem:$0x3F99] =	sst s5  }
0xe: {  	[smem:$0x3F9A] =	sst s6  }
0xf: {  	[smem:$0x3F9B] =	sst s7  }
0x10: {  	[smem:$0x3F9C] =	sst s8  }
0x11: {  	[smem:$0x3F9D] =	sst s9;
	s0 =	simm.s32 @!p0 $0x0  }
0x12: {  	s1 =	sld [smem:$0x3F83];
	s0 =	simm.s32 @p0 $0x1  }
0x13: {  	[smem:$0x3F9E] =	sst s0;
	s0 =	simm.s32 @!p1 $0x0  }
0x14: {  	s2 =	sld [smem:$0x3F82];
	s0 =	simm.s32 @p1 $0x1  }
0x15: {  	[smem:$0x3F9F] =	sst s0;
	s0 =	simm.s32 @!p2 $0x0  }
0x16: {  	s3 =	sld [smem:$0x3FDB];
	s0 =	simm.s32 @p2 $0x1  }
0x17: {  	s4 =	simm.s32 $0x1BF5;
	[smem:$0x3FA1] =	sst s0  }
0x18: {  	s0 =	sld [smem:$0x3F84];
	_ =	swait.ge [sflag:s4], $0x0  }
0x19: {  	s7 =	sld [smem:$0x3F85]  }
0x1a: {  	s8 =	sadd.s32 $0xFFFFE003, lr  }
0x1b: {  	s9 =	sadd.s32 $0xFFFFFEF7, lr;
	s5 =	simm.s32 $0xFFFFFFFF;
	p2 =	slt.u32 s8, $0xFFFFF086  }
0x1c: {  	p1 =	slt.u32 s9, $0xF7A;
	s5 =	simm.s32 @!p2 $0x0  }
0x1d: {  	s5 =	simm.s32 @p1 $0x1;
	p0 =	seq.s32 s7, s2  }
0x1e: {  	s7 =	smul.u32 @!p0 $0xF7A, s2;
	p2 =	seq.s32 @!p0 s5, $0x0  }
0x1f: {  	s9 =	smul.u32 $0xF7A, s1;
	s8 =	simm.s32 @!p0 $0x1BF5;
	p2 =	por !p2, p0  }
0x20: {  	[sflag:s8] =	ssyncset.s32 @!p0 $0xFFFFF086;
	s6 =	sadd.s32 @!p0 s3, s7;
	s7 =	simm.s32 @!p0 $0x108  }
0x21: {  	s3 =	sadd.s32 s3, s9;
	s6 =	sadd.s32 @!p0 $0x88, s6;
	s7 =	simm.s32 @p2 $0x1082  }
0x22: {  	[simem:s7], [sflag:s8] =	dma.local @!p0 [hbm:s6], $0xF7A  }
0x23: {  	s9 =	sor.u32 $0xD0000000, s2;
	s6 =	simm.s32 $0x108;
	_ =	swait.ge @!p0 [sflag:s8], $0x0  }
0x24: {  	s3 =	sadd.s32 $0x88, s3;
	s6 =	simm.s32 @!p1 $0x1082;
	[sflag:s4] =	ssyncset.s32 $0xFFFFF086  }
0x25: {  	[simem:s6], [sflag:s4] =	dma.local [hbm:s3], $0xF7A  }
0x26: {  	[smem:$0x3F85] =	sst s1;
	(tag) =	ssettag s2;
	_ =	strace s9  }
0x27: {  	s1 =	sld [smem:$0x3F95]  }
0x28: {  	s2 =	sld [smem:$0x3F96]  }
0x29: {  	s4 =	sld [smem:$0x3F98]  }
0x2a: {  	p0 =	seq.s32 s5, $0x0;
	s5 =	sld [smem:$0x3F99]  }
0x2b: {  	s6 =	sld [smem:$0x3F9A]  }
0x2c: {  	s7 =	sld [smem:$0x3F9B]  }
0x2d: {  	s3 =	simm.s32 $0x108;
	s8 =	sld [smem:$0x3F9C]  }
0x2e: {  	s3 =	simm.s32 @!p0 $0x1082;
	s9 =	sld [smem:$0x3F9D]  }
0x2f: {  	lr =	sadd.s32 s0, s3;
	s0 =	sld [smem:$0x3F94]  }
0x30: {  	s3 =	sld [smem:$0x3F97]  }
0x31: {  	[smem:$0x3FA0] =	sst s10  }
0x32: {  	s10 =	sld [smem:$0x3F9E];
	_ =	sdelay $0x3  }
0x33: {  	p0 =	seq.s32 s10, $0x1;
	s10 =	sld [smem:$0x3FA0];
	_ =	sdelay $0x3  }
0x34: {  	[smem:$0x3FA0] =	sst s10  }
0x35: {  	s10 =	sld [smem:$0x3F9F];
	_ =	sdelay $0x3  }
0x36: {  	p1 =	seq.s32 s10, $0x1;
	s10 =	sld [smem:$0x3FA0];
	_ =	sdelay $0x3  }
0x37: {  	[smem:$0x3FA0] =	sst s10  }
0x38: {  	s10 =	sld [smem:$0x3FA1]  }
0x39: {  	_ = 	snop;
	(pc) =	sbr.ind lr, $3  }
0x3a: {  	_ = 	snop  }
0x3b: {  	_ = 	snop  }
0x3c: {  	p2 =	seq.s32 s10, $0x1;
	s10 =	sld [smem:$0x3FA0]  }
0x3d: {  	_ =	shalt  }
0x3e: {  	_ =	shalt  }
0x3f: {  	_ =	shalt  }
0x40: {  	_ =	shalt  }
0x41: {  	_ =	shalt  }
0x42: {  	_ =	shalt  }
0x43: {  	_ =	shalt  }
0x44: {  	_ =	shalt  }
0x45: {  	_ =	shalt  }
0x46: {  	_ =	shalt  }
0x47: {  	_ =	shalt  }
0x48: {  	_ =	shalt  }
0x49: {  	_ =	shalt  }
0x4a: {  	_ =	shalt  }
0x4b: {  	_ =	shalt  }
0x4c: {  	_ =	shalt  }
0x4d: {  	_ =	shalt  }
0x4e: {  	_ =	shalt  }
0x4f: {  	_ =	shalt  }
0x50: {  	_ =	shalt  }
0x51: {  	_ =	shalt  }
0x52: {  	_ =	shalt  }
0x53: {  	_ =	shalt  }
0x54: {  	_ =	shalt  }
0x55: {  	_ =	shalt  }
0x56: {  	_ =	shalt  }
0x57: {  	_ =	shalt  }
0x58: {  	_ =	shalt  }
0x59: {  	_ =	shalt  }
0x5a: {  	_ =	shalt  }
0x5b: {  	_ =	shalt  }
0x5c: {  	_ =	shalt  }
0x5d: {  	_ =	shalt  }
0x5e: {  	_ =	shalt  }
0x5f: {  	_ =	shalt  }
0x60: {  	_ =	shalt  }
0x61: {  	_ =	shalt  }
0x62: {  	_ =	shalt  }
0x63: {  	_ =	shalt  }
0x64: {  	_ =	shalt  }
0x65: {  	_ =	shalt  }
0x66: {  	_ =	shalt  }
0x67: {  	_ =	shalt  }
0x68: {  	_ =	shalt  }
0x69: {  	_ =	shalt  }
0x6a: {  	_ =	shalt  }
0x6b: {  	_ =	shalt  }
0x6c: {  	_ =	shalt  }
0x6d: {  	_ =	shalt  }
0x6e: {  	_ =	shalt  }
0x6f: {  	_ =	shalt  }
0x70: {  	_ =	shalt  }
0x71: {  	_ =	shalt  }
0x72: {  	_ =	shalt  }
0x73: {  	_ =	shalt  }
0x74: {  	_ =	shalt  }
0x75: {  	_ =	shalt  }
0x76: {  	_ =	shalt  }
0x77: {  	_ =	shalt  }
0x78: {  	_ =	shalt  }
0x79: {  	_ =	shalt  }
0x7a: {  	_ =	shalt  }
0x7b: {  	_ =	shalt  }
0x7c: {  	_ =	shalt  }
0x7d: {  	_ =	shalt  }
0x7e: {  	_ =	shalt  }
0x7f: {  	_ =	shalt  }
0x80: {  	_ =	shalt  }
0x81: {  	_ =	shalt  }
0x82: {  	_ =	shalt  }
0x83: {  	_ =	shalt  }
0x84: {  	_ =	shalt  }
0x85: {  	_ =	shalt  }
0x86: {  	_ =	shalt  }
0x87: {  	_ =	shalt  }
.Lfunc_end0:
.L_simem_size_0:
called_computation.5_lowered:
.L_overlay_start_0:
0x88: {  	s2 =	sld [smem:$0x3FD9]  }
0x89: {  	s3 =	sld [smem:$0x3FFE];
	_ =	sdelay $0x1  }
0x8a: {  	s1 =	srdreg.scid  }
0x8b: {  	s0 =	sand.u32 $0x1, s1  }
0x8c: {  	s16 =	sshll.u32 s0, $0xA;
	s2 =	sadd.s32 s3, s2  }
0x8d: {  	s2 =	sadd.s32 s2, s16  }
0x8e: {  	[smem:$0x3FAC] =	sst s2  }
0x8f: {  	_ = 	snop  }
0x90: {  	(tm) =	ssettm $0x1  }
0x91: {  	s17 =	sld [smem:$0x3FFB];
	_ =	sdelay $0x3  }
0x92: {  	_ =	strace s17  }
0x93: {  	s2 =	sld [smem:$0x3FFC];
	_ =	sdelay $0x3  }
0x94: {  	_ =	strace s2  }
0x95: {  	s2 =	sld [smem:$0x3FFD];
	_ =	sdelay $0x3  }
0x96: {  	_ =	strace s2  }
0x97: {  	_ =	strace $0x8FFFFFFF  }
0x98: {  	s18 =	sld [smem:$0x3FDB];
	_ =	sdelay $0x1  }
0x99: {  	s19 =	simm.s32 $_scs_section_size  }
0x9a: {  	s4 =	simm.s32 $_size__tile_overlayer_lowered;
	s5 =	simm.s32 $_tile_overlayer_lowered  }
0x9b: {  	s22 =	simm.s32 $0x1BFF;
	s21 =	sshll.u32 s5, $0x1;
	s2 =	sadd.s32 s19, s18  }
0x9c: {  	s6 =	simm.s32 $0x0;
	s20 =	sshll.u32 s4, $0x1;
	s4 =	sadd.s32 s21, s2  }
0x9d: {  	[timem:s6], [sflag:s22] =	dma.local [hbm:s4], s20  }
0x9e: {  	_ =	swait.ge [sflag:s22], s20  }
0x9f: {  	s3 =	ssub.s32 $0x0, s20;
	[sflag:s22] =	ssyncset.done $0x0  }
0xa0: {  	[sflag:s22] =	ssyncadd.s32 s3;
	_ =	sdelay $0x1  }
0xa1: {  	s23 =	simm.s32 $0x1B8B  }
0xa2: {  	_ =	swait.ge [sflag:s23], $0x1  }
0xa3: {  	[sflag:s23] =	ssyncset.done $0x0  }
0xa4: {  	s25 =	simm.s32 $0x1B8E;
	s24 =	sld [smem:$0x3FFE];
	[sflag:s23] =	ssyncadd.s32 $0xFFFFFFFF  }
0xa5: {  	s26 =	simm.s32 $execute0_lowered;
	[smem:$0x3FD2] =	sst s25  }
0xa6: {  	s4 =	sshll.u32 s26, $0x1;
	_ =	strace $0x80000055;
	[dreg:$0x1] =	wrdreg $0xFFFFFFFF  }
0xa7: {  	s28 =	simm.s32 $_size_execute0_lowered;
	s2 =	sadd.s32 s2, s4;
	[dreg:$0x0] =	wrdreg $0x0  }
0xa8: {  	s4 =	sshll.u32 s28, $0x1;
	[dreg:$0x2] =	wrdreg s2  }
0xa9: {  	[dreg:$0x3] =	wrdreg s4  }
0xaa: {  	[dreg:$0x4] =	wrdreg $0xC0  }
0xab: {  	_ =	task [dreg:s6], $0x5FFFF  }
0xac: {  	[dreg:$0x1] =	wrdreg $0xFFFFFFFF  }
0xad: {  	[dreg:$0x0] =	wrdreg $0x60  }
0xae: {  	[dreg:$0x2] =	wrdreg s24  }
0xaf: {  	[dreg:$0x3] =	wrdreg $0x40800  }
0xb0: {  	[dreg:$0x4] =	wrdreg $0x9  }
0xb1: {  	_ =	task.clear_ibuf [dreg:s6], $0x5FFFF;
	_ =	strace $0x90000055  }
0xb2: {  	s29 =	simm.s32 $0x9;
	_ =	strace $0x80000057  }
0xb3: {  	_ =	swait.ge [sflag:s29], $0x1  }
0xb4: {  	[sflag:s29] =	ssyncadd.s32 $0xFFFFFFFF  }
0xb5: {  	_ =	strace $0x90000057  }
0xb6: {  	_ =	sfence  }
0xb7: {  	s30 =	sld [smem:$0x0];
	_ =	sdelay $0x2  }
0xb8: {  	s31 =	sshll.u32 s1, $0xD;
	s1 =	sshrl.u32 s1, $0x2  }
0xb9: {  	s3 =	sand.u32 $0x4000, s31;
	s1 =	sadd.s32 s1, s30  }
0xba: {  	s0 =	sor.u32 s3, s0;
	s1 =	sshll.u32 s1, $0x11  }
0xbb: {  	s0 =	sor.u32 s1, s0  }
0xbc: {  	s0 =	sadd.s32 $0x8F2B, s0  }
0xbd: {  	[sflag:s0] =	ssyncadd.remote.s32 $0x1  }
0xbe: {  	_ =	sfence.sel $0xFFFF  }
0xbf: {  	[dreg:$0x0] =	wrdreg $0xFFFFFFFF;
	(pc) =	sbr.abs _section_cstart, $3  }
0xc0: {  	[dreg:$0x1] =	wrdreg $0xFFFFFFFF  }
0xc1: {  	_ =	task.clear_ibuf [dreg:s6], $0x2FFFF;
	_ =	strace $0x9FFFFFFF  }
0xc2: {  	(tm) =	ssettm $0x7FFFFFFF  }
0xc3: {  	_ =	shalt  }
tec
execute0_lowered:
.L_overlay_start_1:
0x0: {  	(tag) =	ssettag $0x1  }
0x1: {  	s4 =	rddreg [dreg:$0x0];
	s14 =	stileid.u32  }
0x2: {  	s0 =	srdreg.scid;
	s3 =	smul.u32 $0x14000, s14  }
0x3: {  	s1 =	rddreg [dreg:$0x1];
	s2 =	simm.s32 $0x0;
	s9 =	smul.u32 $0x50000, s14  }
0x4: {  	s5 =	sand.u32 $0x1, s0;
	s0 =	rddreg [dreg:$0x2];
	s12 =	smul.u32 $0x27000, s14  }
0x5: {  	[smem:$0x7FF] =	sst s2;
	s22 =	sadd.s32 $0x2F8E00, s4;
	s13 =	smul.u32 $0x2700, s14  }
0x6: {  	s15 =	sadd.s32 $0xCA00, s4;
	s28 =	sshll.u32 s14, $0x6;
	p0 =	sne.s32 s14, $0x0  }
0x7: {  	s14 =	simm.s32 $0x0;
	s6 =	smul.u32 $0x140000, s5;
	_ =	strace $0x80000056  }
0x8: {  	s23 =	ssub.s32 $0x2, s5;
	s10 =	sshll.u32 s5, $0x7;
	s25 =	smul.u32 $0x1380, s5  }
0x9: {  	s30 =	smul.u32 $0x13800, s5;
	s5 =	sor.u32 $0x1C01, s28;
	s7 =	sshrl.u32 s3, $0x3  }
0xa: {  	s11 =	sshrl.u32 s23, $0x1;
	s10 =	sor.u32 $0x27000, s10;
	s12 =	sadd.s32 s12, s22  }
0xb: {  	s26 =	sshrl.u32 s9, $0x2;
	s3 =	sadd.s32 s3, s6;
	s7 =	sadd.s32 s7, s4  }
0xc: {  	s11 =	ssub.s32 s23, s11;
	s24 =	sshll.u32 s10, $0x4;
	s16 =	sadd.s32 s26, s1  }
0xd: {  	s13 =	sadd.s32 s25, s13;
	s29 =	sshrl.u32 s10, $0x3;
	s9 =	sadd.s32 s30, s12  }
0xe: {  	s12 =	simm.s32 $0x1;
	s8 =	sshrl.u32 s3, $0x3;
	s3 =	sadd.s32 s22, s24  }
0xf: {  	s6 =	sadd.s32 s15, s29;
	s31 =	sshrl.u32 s13, $0x3;
	s13 =	simm.s32 $0x80  }
0x10: {  	s8 =	sadd.s32 s8, s4;
	s4 =	sadd.s32 $0x38C00, s7;
	s10 =	sadd.s32 s31, s15  }
0x11: {  	s7 =	sadd.s32 $0x87E00, s8;
	s8 =	smax.u32 s11, $0x1;
	s11 =	sshrl.u32 s16, $0x3  }
.LBB2_1:
0x12: {  	[spmem:s11], [sflag:s5] =	dma.local [hbm:s4], $0x2800  }
0x13: {  	_ =	swait.ge [sflag:s12], $0x2800  }
0x14: {  	[sflag:s12] =	ssyncset.done $0x0  }
0x15: {  	[sflag:s12] =	ssyncadd.s32 $0xFFFFD800  }
0x16: {  	s15 =	sadd.s32 $0x0, s10;
	[bflag:$0x0] =	sbarrier.arrive $0xFFFF  }
0x17: {  	[tilespmem:s2], [sflag:$0x1] =	stream.linear.gather [hbm4b:s15+s2], $0x80, $0x38;
	[tilespmem:$0x18080] =	vst v63  }
0x18: {  	_ =	swait.ge [sflag:s12], $0x80  }
0x19: {  	[sflag:s12] =	ssyncset.done $0x0  }
0x1a: {  	[sflag:s12] =	ssyncadd.s32 $0xFFFFFF80  }
0x1b: {  	[tilespmem:s13], [sflag:$0x1] =	stream.linear.gather [hbm4b:s9+s2], $0x4000, $0x38;
	[tilespmem:$0x18080] =	vst v63  }
0x1c: {  	_ =	swait.ge [sflag:s12], $0x4000  }
0x1d: {  	[sflag:s12] =	ssyncset.done $0x0  }
0x1e: {  	[sflag:s12] =	ssyncadd.s32 $0xFFFFC000  }
0x1f: {  	[spmem:s1] =	stream.indirect.scatter.add.f32 [tilespmem:s13], [sflag:$0x1], $0x80, s2, s13, $0xb8;
	[tilespmem:$0x18080] =	vst v63  }
0x20: {  	s16 =	simm.s32 $0x10;
	_ =	swait.ge [sflag:s12], $0x4000  }
0x21: {  	s17 =	simm.s32 $0x20;
	s15 =	sadd.s32 $0x800, s9;
	[sflag:s12] =	ssyncset.done $0x0  }
.LBB2_2:
0x22: {  	s18 =	sadd.s32 s16, s10  }
0x23: {  	[sflag:s12] =	ssyncadd.s32 $0xFFFFC000;
	s16 =	smov.u32 s17;
	s19 =	sadd.s32 $0x10, s17  }
0x24: {  	[tilespmem:s2], [sflag:$0x1] =	stream.linear.gather [hbm4b:s18+s2], $0x80, $0x38;
	[tilespmem:$0x18080] =	vst v63  }
0x25: {  	p1 =	sne.s32 s17, $0x260;
	_ =	swait.ge [sflag:s12], $0x80  }
0x26: {  	[sflag:s12] =	ssyncset.done $0x0  }
0x27: {  	[sflag:s12] =	ssyncadd.s32 $0xFFFFFF80  }
0x28: {  	[tilespmem:s13], [sflag:$0x1] =	stream.linear.gather [hbm4b:s15+s2], $0x4000, $0x38;
	[tilespmem:$0x18080] =	vst v63  }
0x29: {  	_ =	swait.ge [sflag:s12], $0x4000  }
.Ltmp0:
0x2a: {  	[sflag:s12] =	ssyncset.done $0x0;
	(pc) =	sbr.rel @p1 .LBB2_2-.Ltmp0, $4  }
0x2b: {  	[sflag:s12] =	ssyncadd.s32 $0xFFFFC000  }
0x2c: {  	[spmem:s1] =	stream.indirect.scatter.add.f32 [tilespmem:s13], [sflag:$0x1], $0x80, s2, s13, $0xb8;
	[tilespmem:$0x18080] =	vst v63  }
0x2d: {  	_ =	swait.ge [sflag:s12], $0x4000  }
0x2e: {  	s17 =	smov.u32 s19;
	s15 =	sadd.s32 $0x800, s15;
	[sflag:s12] =	ssyncset.done $0x0  }
0x2f: {  	s16 =	sadd.s32 s16, s10;
	[sflag:s12] =	ssyncadd.s32 $0xFFFFC000  }
0x30: {  	[tilespmem:s2], [sflag:$0x1] =	stream.linear.gather [hbm4b:s16+s2], $0x80, $0x38;
	[tilespmem:$0x18080] =	vst v63  }
0x31: {  	_ =	swait.ge [sflag:s12], $0x80  }
0x32: {  	[sflag:s12] =	ssyncset.done $0x0  }
0x33: {  	[sflag:s12] =	ssyncadd.s32 $0xFFFFFF80  }
0x34: {  	[tilespmem:s13], [sflag:$0x1] =	stream.linear.gather [hbm4b:s15+s2], $0x4000, $0x38;
	[tilespmem:$0x18080] =	vst v63  }
0x35: {  	_ =	swait.ge [sflag:s12], $0x4000  }
0x36: {  	[sflag:s12] =	ssyncset.done $0x0  }
0x37: {  	[sflag:s12] =	ssyncadd.s32 $0xFFFFC000  }
0x38: {  	[spmem:s1] =	stream.indirect.scatter.add.f32 [tilespmem:s13], [sflag:$0x1], $0x80, s2, s13, $0xb8;
	[tilespmem:$0x18080] =	vst v63  }
0x39: {  	_ =	swait.ge [sflag:s12], $0x4000  }
0x3a: {  	[sflag:s12] =	ssyncset.done $0x0  }
0x3b: {  	s16 =	simm.s32 @!p0 $0x1;
	s15 =	simm.s32 @!p0 $0x0;
	[sflag:s12] =	ssyncadd.s32 $0xFFFFC000  }
0x3c: {  	[tilespmem:s15], [sflag:$0x1] =	stream.linear.gather @!p0 [hbm4b:s6+s15], $0x80, $0x38;
	[tilespmem:$0x18080] =	vst v63  }
0x3d: {  	_ =	swait.ge @!p0 [sflag:s16], $0x80  }
0x3e: {  	[sflag:s16] =	ssyncset.done @!p0 $0x0  }
0x3f: {  	s17 =	simm.s32 @!p0 $0x80;
	[sflag:s16] =	ssyncadd.s32 @!p0 $0xFFFFFF80  }
0x40: {  	[tilespmem:s17], [sflag:$0x1] =	stream.linear.gather @!p0 [hbm4b:s3+s15], $0x4000, $0x38;
	[tilespmem:$0x18080] =	vst v63  }
0x41: {  	_ =	swait.ge @!p0 [sflag:s16], $0x4000  }
0x42: {  	[sflag:s16] =	ssyncset.done @!p0 $0x0  }
0x43: {  	[sflag:s16] =	ssyncadd.s32 @!p0 $0xFFFFC000  }
0x44: {  	[spmem:s1] =	stream.indirect.scatter.add.f32 @!p0 [tilespmem:s17], [sflag:$0x1], $0x80, s15, s17, $0xb8;
	[tilespmem:$0x18080] =	vst v63  }
0x45: {  	_ =	swait.ge @!p0 [sflag:s16], $0x4000  }
0x46: {  	s14 =	sadd.s32 $0x1, s14;
	[sflag:s16] =	ssyncset.done @!p0 $0x0  }
0x47: {  	p1 =	sne.s32 s14, s8;
	[sflag:s16] =	ssyncadd.s32 @!p0 $0xFFFFC000  }
.Ltmp1:
0x48: {  	[bflag:$0x0] =	sbarrier.arrive $0xFFFF;
	(pc) =	sbr.rel @p1 .LBB2_1-.Ltmp1, $4  }
0x49: {  	[hbm:s7], [sflag:s5] =	dma.local [spmem:s11], $0x2800  }
0x4a: {  	_ =	swait.ge [sflag:s12], $0x2800  }
0x4b: {  	[sflag:s12] =	ssyncset.done $0x0  }
0x4c: {  	[sflag:s12] =	ssyncadd.s32 $0xFFFFD800  }
0x4d: {  	_ =	sfence.sel $0x180000  }
0x4e: {  	[bflag:$0x0] =	sbarrier.arrive $0xFFFF  }
0x4f: {  	_ =	strace $0x90000056  }
0x50: {  	s0 =	sadd.s32 @!p0 $0x100000, s0;
	[bflag:$0x2] =	sbarrier.arrive $0xFFFF  }
0x51: {  	[sflag:s0] =	ssyncadd.tile.s32 @!p0 $0x1;
	_ =	shalt  }
.Lfunc_end2:
_tile_overlayer_lowered:
.L_overlay_start_2:
0x52: {  	(tag) =	ssettag $0x2  }
0x53: {  	s0 =	rddreg [dreg:$0x0];
	s2 =	stileid.u32  }
0x54: {  	s1 =	rddreg [dreg:$0x1];
	p0 =	sne.s32 s2, $0x0  }
0x55: {  	s3 =	rddreg [dreg:$0x2];
	[bflag:$0x3] =	sbarrier.arrive $0xFFFF;
	s2 =	simm.s32 @!p0 $0x1C01  }
0x56: {  	[timem:s3], [sflag:s2] =	dma.local @!p0 [hbm:s0], s1  }
0x57: {  	s0 =	simm.s32 @!p0 $0x1  }
0x58: {  	_ =	swait.ge @!p0 [sflag:s0], s1  }
0x59: {  	s1 =	ssub.s32 @!p0 $0x0, s1;
	[sflag:s0] =	ssyncset.done @!p0 $0x0  }
0x5a: {  	[sflag:s0] =	ssyncadd.s32 @!p0 s1  }
0x5b: {  	[bflag:$0x3] =	sbarrier.arrive $0xFFFF  }
0x5c: {  	_ =	shalt  }

</sc_bundles>
